<compile_context>
chip_gen: v7x
topology: tpu7x:2x2x1
jax: 0.10.2.dev20260603
libtpu: 0.0.44.dev20260713+nightly
codegen_flags: <defaults>
</compile_context>

<pallas_src>
import functools

import jax
import jax.numpy as jnp
from jax import lax
from jax.experimental import pallas as pl
from jax.experimental.pallas import tpu as pltpu
from jax.experimental.pallas import tpu_sc as plsc

N = 10000
NP = 10240
D = 128
E = 320000
NC = 2
NS = 16
NW = NC * NS
K = 128
CH = 80
EP = NW * CH * K
RPT = NP // NS
WS = 16
KS = 512
CHS = EP // NW // KS
HD = D // 2
KR = 128
CHR = EP // NS // KR
NB = 5


def _sc_mesh():
    return plsc.VectorSubcoreMesh(core_axis_name="c", subcore_axis_name="s",
                                  num_cores=NC, num_subcores=NS)



def _edge_pipeline(mk_src, acc, di2, bufs, sems, nchunks):
    nb = len(bufs)
    rounds = nchunks // nb

    def gather(c, buf, sem):
        pltpu.async_copy(mk_src(c), buf, sem)

    def gather_wait(c, buf, sem):
        pltpu.make_async_copy(mk_src(c), buf, sem).wait()

    for b in range(nb):
        gather(b, bufs[b], sems[b])

    def body(j, carry):
        base = nb * j
        scats = []
        for b in range(nb):
            gather_wait(base + b, bufs[b], sems[b])
            scats.append(pltpu.async_copy(
                bufs[b], acc.at[di2.at[base + b]], sems[b], add=True))
        for b in range(nb):
            scats[b].wait()

            @pl.when(j < rounds - 1)
            def _(b=b):
                gather(base + nb + b, bufs[b], sems[b])

        return carry

    lax.fori_loop(0, rounds, body, 0)


@functools.partial(
    pl.kernel,
    out_type=jax.ShapeDtypeStruct((NC, NP, HD), jnp.float32),
    mesh=_sc_mesh(),
    scratch_types=[
        pltpu.VMEM((CHR, KR), jnp.int32),
        pltpu.VMEM((CHR, KR), jnp.int32),
        [pltpu.VMEM((KR, HD), jnp.float32)] * NB,
        pltpu.VMEM_SHARED((NP, HD), jnp.float32),
        [pltpu.SemaphoreType.DMA] * NB,
    ],
    compiler_params=pltpu.CompilerParams(use_tc_tiling_on_sc=False),
)
def _row_agg(y_hbm, src_hbm, dst_hbm, zrow_hbm, out_hbm,
             si2, di2, bufs, acc, sems):
    cid = lax.axis_index("c")
    sid = lax.axis_index("s")
    pltpu.sync_copy(src_hbm.at[sid], si2)
    pltpu.sync_copy(dst_hbm.at[sid], di2)
    pltpu.sync_copy(zrow_hbm, acc.at[pl.ds(sid * RPT, RPT)])
    plsc.subcore_barrier()

    def mk_src(c):
        return y_hbm.at[cid].at[si2.at[c]]

    _edge_pipeline(mk_src, acc, di2, bufs, sems, CHR)
    plsc.subcore_barrier()
    pltpu.sync_copy(acc.at[pl.ds(sid * RPT, RPT)],
                    out_hbm.at[cid, pl.ds(sid * RPT, RPT)])


@functools.partial(
    pl.kernel,
    out_type=jax.ShapeDtypeStruct((NC, NP, WS), jnp.float32),
    mesh=_sc_mesh(),
    scratch_types=[
        pltpu.VMEM((CHS, KS), jnp.int32),
        pltpu.VMEM((CHS, KS), jnp.int32),
        [pltpu.VMEM((KS, WS), jnp.float32)] * NB,
        pltpu.VMEM_SHARED((NP, WS), jnp.float32),
        [pltpu.SemaphoreType.DMA] * NB,
    ],
    compiler_params=pltpu.CompilerParams(use_tc_tiling_on_sc=False),
)
def _scalar_agg(tab_hbm, src_hbm, dst_hbm, zrow_hbm, out_hbm,
                si2, di2, bufs, acc, sems):
    cid = lax.axis_index("c")
    sid = lax.axis_index("s")
    wid = sid * NC + cid
    pltpu.sync_copy(src_hbm.at[wid], si2)
    pltpu.sync_copy(dst_hbm.at[wid], di2)
    pltpu.sync_copy(zrow_hbm, acc.at[pl.ds(sid * RPT, RPT)])
    plsc.subcore_barrier()

    def mk_src(c):
        return tab_hbm.at[si2.at[c]]

    _edge_pipeline(mk_src, acc, di2, bufs, sems, CHS)
    plsc.subcore_barrier()
    pltpu.sync_copy(acc.at[pl.ds(sid * RPT, RPT)],
                    out_hbm.at[cid, pl.ds(sid * RPT, RPT)])


@functools.partial(
    pl.kernel,
    out_type=jax.ShapeDtypeStruct((NC, NP, WS), jnp.float32),
    mesh=_sc_mesh(),
    scratch_types=[
        pltpu.VMEM((CHS, KS), jnp.int32),
        pltpu.VMEM((KS, WS), jnp.float32),
        pltpu.VMEM_SHARED((NP, WS), jnp.float32),
        pltpu.SemaphoreType.DMA,
    ],
    compiler_params=pltpu.CompilerParams(use_tc_tiling_on_sc=False),
)
def _deg_agg(ones_hbm, dst_hbm, zrow_hbm, out_hbm, di2, vals, acc, sem):
    cid = lax.axis_index("c")
    sid = lax.axis_index("s")
    wid = sid * NC + cid
    pltpu.sync_copy(ones_hbm, vals)
    pltpu.sync_copy(dst_hbm.at[wid], di2)
    pltpu.sync_copy(zrow_hbm, acc.at[pl.ds(sid * RPT, RPT)])
    plsc.subcore_barrier()

    def fire(c, carry):
        pltpu.async_copy(vals, acc.at[di2.at[c]], sem, add=True)
        return carry

    lax.fori_loop(0, CHS, fire, 0)

    def drain(c, carry):
        pltpu.make_async_copy(vals, acc.at[di2.at[c]], sem).wait()
        return carry

    lax.fori_loop(0, CHS, drain, 0)
    plsc.subcore_barrier()
    pltpu.sync_copy(acc.at[pl.ds(sid * RPT, RPT)],
                    out_hbm.at[cid, pl.ds(sid * RPT, RPT)])



def _tc_b_body(deg0, deg1, x, w1, y_out, y2_out, dinv_out):
    dinv = lax.rsqrt(deg0[...] + deg1[...] + 1.0)
    xw = jnp.dot(x[...], w1[...], preferred_element_type=jnp.float32)
    y = xw * dinv
    y_out[...] = y
    y2_out[...] = jnp.stack([y[:, :HD], y[:, HD:]])
    dinv_out[...] = dinv


_tc_b = pl.pallas_call(
    _tc_b_body,
    out_shape=[
        jax.ShapeDtypeStruct((N, D), jnp.float32),
        jax.ShapeDtypeStruct((NC, N, HD), jnp.float32),
        jax.ShapeDtypeStruct((N, 1), jnp.float32),
    ],
)


def _tc_d_body(agg, y, dinv, b1, w2, t_out):
    h = jnp.maximum((agg[...] + y[...]) * dinv[...] + b1[...], 0.0)
    s = jnp.dot(h, w2[...], preferred_element_type=jnp.float32)
    t_out[...] = jnp.broadcast_to(s * dinv[...], (N, WS))


_tc_d = pl.pallas_call(
    _tc_d_body,
    out_shape=jax.ShapeDtypeStruct((N, WS), jnp.float32),
)


def _tc_f_body(acc0, acc1, t, dinv, b2, out):
    o = jax.nn.sigmoid((acc0[...] + acc1[...] + t[...]) * dinv[...] + b2[...])
    out[...] = (jnp.sum(o) / N).reshape(1, 1)


_tc_f = pl.pallas_call(
    _tc_f_body,
    out_shape=jax.ShapeDtypeStruct((1, 1), jnp.float32),
)



def kernel(x, edge_index, W1, b1, W2, b2):
    f32 = jnp.float32
    src = edge_index[0].astype(jnp.int32)
    dst = edge_index[1].astype(jnp.int32)

    pad = jnp.arange(EP - E, dtype=jnp.int32)
    src_p = jnp.concatenate([src, pad % N])
    dst_p = jnp.concatenate([dst, N + pad % (NP - N)])
    srcR = src_p.reshape(NS, CHR, KR)
    dstR = dst_p.reshape(NS, CHR, KR)
    srcS = src_p.reshape(NW, CHS, KS)
    dstS = dst_p.reshape(NW, CHS, KS)

    onesK = jnp.ones((KS, WS), f32)
    zrow_h = jnp.zeros((RPT, HD), f32)
    zrow_w = jnp.zeros((RPT, WS), f32)

    degp = _deg_agg(onesK, dstS, zrow_w)
    y, y2, dinv = _tc_b(degp[0, :N, 0:1], degp[1, :N, 0:1], x, W1)

    aggp = _row_agg(y2, srcR, dstR, zrow_h)
    agg = jnp.concatenate([aggp[0, :N], aggp[1, :N]], axis=1)
    t16 = _tc_d(agg, y, dinv, b1.reshape(1, D), W2)

    accp = _scalar_agg(t16, srcS, dstS, zrow_w)
    out = _tc_f(accp[0, :N, 0:1], accp[1, :N, 0:1],
                t16[:, 0:1], dinv, b2.reshape(1, 1))
    return out.reshape(1)

# --- scband reference (transcript-rebuilt; emitter-appended) ---
"""Pipeline reference for scband-simple-gnn-1872605741404 (READ-ONLY COPY).

The authoritative reference and input builder live on the scoring server;
editing this copy changes nothing except your own understanding.
"""

import jax, jax.numpy as jnp
import numpy as np

N_NODES = 10000
N_EDGES = 320000
D_IN = 128
D_HID = 128
D_OUT = 1


def setup_inputs(seed: int = 0) -> dict:
    key = jax.random.key(seed)
    k1, k2, k3, k4, k5, k6 = jax.random.split(key, 6)
    x = jax.random.normal(k1, (N_NODES, D_IN), dtype=jnp.float32)
    edge_index = jax.random.randint(k2, (2, N_EDGES), 0, N_NODES).astype(jnp.int64)
    W1 = jax.random.normal(k3, (D_IN, D_HID), dtype=jnp.float32) * (1.0 / np.sqrt(D_IN))
    b1 = jnp.zeros((D_HID,), dtype=jnp.float32)
    W2 = jax.random.normal(k4, (D_HID, D_OUT), dtype=jnp.float32) * (1.0 / np.sqrt(D_HID))
    b2 = jnp.zeros((D_OUT,), dtype=jnp.float32)
    return {"x": x, "edge_index": edge_index, "W1": W1, "b1": b1, "W2": W2, "b2": b2}


def gcn_conv(x, edge_index, W, b):
    # Faithful GCNConv: add self-loops, symmetric deg^{-1/2} normalization,
    # linear transform, scatter-add aggregation over destination nodes.
    n = x.shape[0]
    src = edge_index[0]
    dst = edge_index[1]
    loop = jnp.arange(n, dtype=src.dtype)
    src = jnp.concatenate([src, loop])
    dst = jnp.concatenate([dst, loop])
    deg = jnp.zeros((n,), dtype=x.dtype).at[dst].add(1.0)
    dinv = jnp.where(deg > 0, jax.lax.rsqrt(deg), 0.0)
    norm = dinv[src] * dinv[dst]
    xw = x @ W
    msg = jnp.take(xw, src, axis=0) * norm[:, None]
    out = jnp.zeros((n, W.shape[1]), dtype=x.dtype).at[dst].add(msg)
    return out + b


def reference(x, edge_index, W1, b1, W2, b2):
    h = jax.nn.relu(gcn_conv(x, edge_index, W1, b1))
    o = jax.nn.sigmoid(gcn_conv(h, edge_index, W2, b2))
    return o.mean(axis=0)

if __name__ == "__main__":
    import jax
    _d = setup_inputs()
    print(jax.jit(kernel)(*tuple(_d.values())))

</pallas_src>

<mosaic_0001>
#map = affine_map<(d0, d1) -> (0, 0, 0)>
#map1 = affine_map<(d0, d1) -> (0, 0)>
module attributes {stable_mosaic.version = 14 : i64} {
  func.func @_row_agg(%arg0: i32, %arg1: i32, %arg2: memref<2x10000x64xf32, #tpu.memory_space<hbm>>, %arg3: memref<16x160x128xi32, #tpu.memory_space<hbm>>, %arg4: memref<16x160x128xi32, #tpu.memory_space<hbm>>, %arg5: memref<640x64xf32, #tpu.memory_space<hbm>>, %arg6: memref<2x10240x64xf32, #tpu.memory_space<hbm>>, %arg7: memref<160x128xi32, #tpu.memory_space<vmem>>, %arg8: memref<160x128xi32, #tpu.memory_space<vmem>>, %arg9: memref<128x64xf32, #tpu.memory_space<vmem>>, %arg10: memref<128x64xf32, #tpu.memory_space<vmem>>, %arg11: memref<128x64xf32, #tpu.memory_space<vmem>>, %arg12: memref<128x64xf32, #tpu.memory_space<vmem>>, %arg13: memref<128x64xf32, #tpu.memory_space<vmem>>, %arg14: memref<10240x64xf32, #tpu.memory_space<vmem_shared>>, %arg15: memref<!tpu.dma_semaphore, #tpu.memory_space<semaphore_mem>>, %arg16: memref<!tpu.dma_semaphore, #tpu.memory_space<semaphore_mem>>, %arg17: memref<!tpu.dma_semaphore, #tpu.memory_space<semaphore_mem>>, %arg18: memref<!tpu.dma_semaphore, #tpu.memory_space<semaphore_mem>>, %arg19: memref<!tpu.dma_semaphore, #tpu.memory_space<semaphore_mem>>) attributes {dimension_semantics = [#tpu.dimension_semantics<core_parallel>, #tpu.dimension_semantics<subcore_parallel>], iteration_bounds = array<i64: 2, 16>, scalar_prefetch = 0 : i64, scratch_operands = 13 : i64, tpu.core_type = #tpu.core_type<sc_vector_subcore>, window_params = [{transform_indices = #map}, {transform_indices = #map}, {transform_indices = #map}, {transform_indices = #map1}, {transform_indices = #map}]} {
    "tpu.region"() ({
      %run_scoped3A = tpu.sem_alloc : memref<!tpu.dma_semaphore, #tpu.memory_space<semaphore_mem>>
      %dma_start3A_65 = arith.constant 0 : i32
      %dma_start3A_66 = arith.constant 0 : i32
      %dma_start3A_67 = tpu.memref_slice %arg3[%arg1, %dma_start3A_65, %dma_start3A_66] : memref<16x160x128xi32, #tpu.memory_space<hbm>> -> memref<1x160x128xi32, #tpu.memory_space<hbm>>
      %dma_start3A_68 = tpu.memref_squeeze %dma_start3A_67 : memref<1x160x128xi32, #tpu.memory_space<hbm>> -> memref<160x128xi32, #tpu.memory_space<hbm>>
      %dma_start3A_69 = arith.constant 0 : i32
      %dma_start3A_70 = arith.constant 0 : i32
      %dma_start3A_71 = tpu.memref_slice %arg3[%arg1, %dma_start3A_69, %dma_start3A_70] : memref<16x160x128xi32, #tpu.memory_space<hbm>> -> memref<1x160x128xi32, #tpu.memory_space<hbm>>
      %dma_start3A_72 = tpu.memref_squeeze %dma_start3A_71 : memref<1x160x128xi32, #tpu.memory_space<hbm>> -> memref<160x128xi32, #tpu.memory_space<hbm>>
      tpu.enqueue_dma source(%dma_start3A_72 : memref<160x128xi32, #tpu.memory_space<hbm>>) target(%arg7 : memref<160x128xi32, #tpu.memory_space<vmem>>) target_semaphore(%run_scoped3A : memref<!tpu.dma_semaphore, #tpu.memory_space<semaphore_mem>>)
      %dma_wait3A = arith.constant 0 : i32
      %dma_wait3A_73 = arith.constant 0 : i32
      %dma_wait3A_74 = tpu.memref_slice %arg3[%arg1, %dma_wait3A, %dma_wait3A_73] : memref<16x160x128xi32, #tpu.memory_space<hbm>> -> memref<1x160x128xi32, #tpu.memory_space<hbm>>
      %dma_wait3A_75 = tpu.memref_squeeze %dma_wait3A_74 : memref<1x160x128xi32, #tpu.memory_space<hbm>> -> memref<160x128xi32, #tpu.memory_space<hbm>>
      %dma_wait3A_76 = arith.constant 0 : i32
      %dma_wait3A_77 = arith.constant 0 : i32
      %dma_wait3A_78 = tpu.memref_slice %arg3[%arg1, %dma_wait3A_76, %dma_wait3A_77] : memref<16x160x128xi32, #tpu.memory_space<hbm>> -> memref<1x160x128xi32, #tpu.memory_space<hbm>>
      %dma_wait3A_79 = tpu.memref_squeeze %dma_wait3A_78 : memref<1x160x128xi32, #tpu.memory_space<hbm>> -> memref<160x128xi32, #tpu.memory_space<hbm>>
      tpu.wait_dma2 semaphore(%run_scoped3A : memref<!tpu.dma_semaphore, #tpu.memory_space<semaphore_mem>>) src(%dma_wait3A_79 : memref<160x128xi32, #tpu.memory_space<hbm>>) dst(%arg7 : memref<160x128xi32, #tpu.memory_space<vmem>>)
      tpu.yield
    }) : () -> ()
    "tpu.region"() ({
      %run_scoped3A = tpu.sem_alloc : memref<!tpu.dma_semaphore, #tpu.memory_space<semaphore_mem>>
      %dma_start3A_65 = arith.constant 0 : i32
      %dma_start3A_66 = arith.constant 0 : i32
      %dma_start3A_67 = tpu.memref_slice %arg4[%arg1, %dma_start3A_65, %dma_start3A_66] : memref<16x160x128xi32, #tpu.memory_space<hbm>> -> memref<1x160x128xi32, #tpu.memory_space<hbm>>
      %dma_start3A_68 = tpu.memref_squeeze %dma_start3A_67 : memref<1x160x128xi32, #tpu.memory_space<hbm>> -> memref<160x128xi32, #tpu.memory_space<hbm>>
      %dma_start3A_69 = arith.constant 0 : i32
      %dma_start3A_70 = arith.constant 0 : i32
      %dma_start3A_71 = tpu.memref_slice %arg4[%arg1, %dma_start3A_69, %dma_start3A_70] : memref<16x160x128xi32, #tpu.memory_space<hbm>> -> memref<1x160x128xi32, #tpu.memory_space<hbm>>
      %dma_start3A_72 = tpu.memref_squeeze %dma_start3A_71 : memref<1x160x128xi32, #tpu.memory_space<hbm>> -> memref<160x128xi32, #tpu.memory_space<hbm>>
      tpu.enqueue_dma source(%dma_start3A_72 : memref<160x128xi32, #tpu.memory_space<hbm>>) target(%arg8 : memref<160x128xi32, #tpu.memory_space<vmem>>) target_semaphore(%run_scoped3A : memref<!tpu.dma_semaphore, #tpu.memory_space<semaphore_mem>>)
      %dma_wait3A = arith.constant 0 : i32
      %dma_wait3A_73 = arith.constant 0 : i32
      %dma_wait3A_74 = tpu.memref_slice %arg4[%arg1, %dma_wait3A, %dma_wait3A_73] : memref<16x160x128xi32, #tpu.memory_space<hbm>> -> memref<1x160x128xi32, #tpu.memory_space<hbm>>
      %dma_wait3A_75 = tpu.memref_squeeze %dma_wait3A_74 : memref<1x160x128xi32, #tpu.memory_space<hbm>> -> memref<160x128xi32, #tpu.memory_space<hbm>>
      %dma_wait3A_76 = arith.constant 0 : i32
      %dma_wait3A_77 = arith.constant 0 : i32
      %dma_wait3A_78 = tpu.memref_slice %arg4[%arg1, %dma_wait3A_76, %dma_wait3A_77] : memref<16x160x128xi32, #tpu.memory_space<hbm>> -> memref<1x160x128xi32, #tpu.memory_space<hbm>>
      %dma_wait3A_79 = tpu.memref_squeeze %dma_wait3A_78 : memref<1x160x128xi32, #tpu.memory_space<hbm>> -> memref<160x128xi32, #tpu.memory_space<hbm>>
      tpu.wait_dma2 semaphore(%run_scoped3A : memref<!tpu.dma_semaphore, #tpu.memory_space<semaphore_mem>>) src(%dma_wait3A_79 : memref<160x128xi32, #tpu.memory_space<hbm>>) dst(%arg8 : memref<160x128xi32, #tpu.memory_space<vmem>>)
      tpu.yield
    }) : () -> ()
    %mul3A = arith.constant 640 : i32
    %mul3A_0 = arith.muli %arg1, %mul3A : i32
    "tpu.region"() ({
      %run_scoped3A = tpu.sem_alloc : memref<!tpu.dma_semaphore, #tpu.memory_space<semaphore_mem>>
      %dma_start3A_65 = arith.constant 0 : i32
      %dma_start3A_66 = tpu.memref_slice %arg14[%mul3A_0, %dma_start3A_65] : memref<10240x64xf32, #tpu.memory_space<vmem_shared>> -> memref<640x64xf32, #tpu.memory_space<vmem_shared>>
      tpu.enqueue_dma source(%arg5 : memref<640x64xf32, #tpu.memory_space<hbm>>) target(%dma_start3A_66 : memref<640x64xf32, #tpu.memory_space<vmem_shared>>) target_semaphore(%run_scoped3A : memref<!tpu.dma_semaphore, #tpu.memory_space<semaphore_mem>>)
      %dma_wait3A = arith.constant 0 : i32
      %dma_wait3A_67 = tpu.memref_slice %arg14[%mul3A_0, %dma_wait3A] : memref<10240x64xf32, #tpu.memory_space<vmem_shared>> -> memref<640x64xf32, #tpu.memory_space<vmem_shared>>
      tpu.wait_dma2 semaphore(%run_scoped3A : memref<!tpu.dma_semaphore, #tpu.memory_space<semaphore_mem>>) src(%arg5 : memref<640x64xf32, #tpu.memory_space<hbm>>) dst(%dma_wait3A_67 : memref<640x64xf32, #tpu.memory_space<vmem_shared>>)
      tpu.yield
    }) : () -> ()
    %barrier3A = arith.constant 0 : index
    tpu.barrier barrier_id(%barrier3A)
    %dma_start3A = arith.constant 0 : i32
    %dma_start3A_1 = arith.constant 0 : i32
    %dma_start3A_2 = tpu.memref_slice %arg7[%dma_start3A, %dma_start3A_1] : memref<160x128xi32, #tpu.memory_space<vmem>> -> memref<1x128xi32, #tpu.memory_space<vmem>>
    %dma_start3A_3 = tpu.memref_squeeze %dma_start3A_2 : memref<1x128xi32, #tpu.memory_space<vmem>> -> memref<128xi32, #tpu.memory_space<vmem>>
    %dma_start3A_4 = arith.constant 0 : i32
    %dma_start3A_5 = arith.constant 0 : i32
    %dma_start3A_6 = tpu.memref_slice %arg2[%arg0, %dma_start3A_4, %dma_start3A_5] : memref<2x10000x64xf32, #tpu.memory_space<hbm>> -> memref<1x10000x64xf32, #tpu.memory_space<hbm>>
    %dma_start3A_7 = tpu.memref_squeeze %dma_start3A_6 : memref<1x10000x64xf32, #tpu.memory_space<hbm>> -> memref<10000x64xf32, #tpu.memory_space<hbm>>
    %dma_start3A_8 = arith.constant 0 : i32
    %dma_start3A_9 = arith.constant 0 : i32
    %dma_start3A_10 = tpu.memref_slice %dma_start3A_7[%dma_start3A_8, %dma_start3A_9] : memref<10000x64xf32, #tpu.memory_space<hbm>> -> memref<10000x64xf32, #tpu.memory_space<hbm>>
    tpu.enqueue_indirect_dma source(%dma_start3A_10 : memref<10000x64xf32, #tpu.memory_space<hbm>>) target(%arg9 : memref<128x64xf32, #tpu.memory_space<vmem>>) offsets(%dma_start3A_3 : memref<128xi32, #tpu.memory_space<vmem>>) semaphore(%arg15 : memref<!tpu.dma_semaphore, #tpu.memory_space<semaphore_mem>>)
    %dma_start3A_11 = arith.constant 1 : i32
    %dma_start3A_12 = arith.constant 0 : i32
    %dma_start3A_13 = tpu.memref_slice %arg7[%dma_start3A_11, %dma_start3A_12] : memref<160x128xi32, #tpu.memory_space<vmem>> -> memref<1x128xi32, #tpu.memory_space<vmem>>
    %dma_start3A_14 = tpu.memref_squeeze %dma_start3A_13 : memref<1x128xi32, #tpu.memory_space<vmem>> -> memref<128xi32, #tpu.memory_space<vmem>>
    %dma_start3A_15 = arith.constant 0 : i32
    %dma_start3A_16 = arith.constant 0 : i32
    %dma_start3A_17 = tpu.memref_slice %arg2[%arg0, %dma_start3A_15, %dma_start3A_16] : memref<2x10000x64xf32, #tpu.memory_space<hbm>> -> memref<1x10000x64xf32, #tpu.memory_space<hbm>>
    %dma_start3A_18 = tpu.memref_squeeze %dma_start3A_17 : memref<1x10000x64xf32, #tpu.memory_space<hbm>> -> memref<10000x64xf32, #tpu.memory_space<hbm>>
    %dma_start3A_19 = arith.constant 0 : i32
    %dma_start3A_20 = arith.constant 0 : i32
    %dma_start3A_21 = tpu.memref_slice %dma_start3A_18[%dma_start3A_19, %dma_start3A_20] : memref<10000x64xf32, #tpu.memory_space<hbm>> -> memref<10000x64xf32, #tpu.memory_space<hbm>>
    tpu.enqueue_indirect_dma source(%dma_start3A_21 : memref<10000x64xf32, #tpu.memory_space<hbm>>) target(%arg10 : memref<128x64xf32, #tpu.memory_space<vmem>>) offsets(%dma_start3A_14 : memref<128xi32, #tpu.memory_space<vmem>>) semaphore(%arg16 : memref<!tpu.dma_semaphore, #tpu.memory_space<semaphore_mem>>)
    %dma_start3A_22 = arith.constant 2 : i32
    %dma_start3A_23 = arith.constant 0 : i32
    %dma_start3A_24 = tpu.memref_slice %arg7[%dma_start3A_22, %dma_start3A_23] : memref<160x128xi32, #tpu.memory_space<vmem>> -> memref<1x128xi32, #tpu.memory_space<vmem>>
    %dma_start3A_25 = tpu.memref_squeeze %dma_start3A_24 : memref<1x128xi32, #tpu.memory_space<vmem>> -> memref<128xi32, #tpu.memory_space<vmem>>
    %dma_start3A_26 = arith.constant 0 : i32
    %dma_start3A_27 = arith.constant 0 : i32
    %dma_start3A_28 = tpu.memref_slice %arg2[%arg0, %dma_start3A_26, %dma_start3A_27] : memref<2x10000x64xf32, #tpu.memory_space<hbm>> -> memref<1x10000x64xf32, #tpu.memory_space<hbm>>
    %dma_start3A_29 = tpu.memref_squeeze %dma_start3A_28 : memref<1x10000x64xf32, #tpu.memory_space<hbm>> -> memref<10000x64xf32, #tpu.memory_space<hbm>>
    %dma_start3A_30 = arith.constant 0 : i32
    %dma_start3A_31 = arith.constant 0 : i32
    %dma_start3A_32 = tpu.memref_slice %dma_start3A_29[%dma_start3A_30, %dma_start3A_31] : memref<10000x64xf32, #tpu.memory_space<hbm>> -> memref<10000x64xf32, #tpu.memory_space<hbm>>
    tpu.enqueue_indirect_dma source(%dma_start3A_32 : memref<10000x64xf32, #tpu.memory_space<hbm>>) target(%arg11 : memref<128x64xf32, #tpu.memory_space<vmem>>) offsets(%dma_start3A_25 : memref<128xi32, #tpu.memory_space<vmem>>) semaphore(%arg17 : memref<!tpu.dma_semaphore, #tpu.memory_space<semaphore_mem>>)
    %dma_start3A_33 = arith.constant 3 : i32
    %dma_start3A_34 = arith.constant 0 : i32
    %dma_start3A_35 = tpu.memref_slice %arg7[%dma_start3A_33, %dma_start3A_34] : memref<160x128xi32, #tpu.memory_space<vmem>> -> memref<1x128xi32, #tpu.memory_space<vmem>>
    %dma_start3A_36 = tpu.memref_squeeze %dma_start3A_35 : memref<1x128xi32, #tpu.memory_space<vmem>> -> memref<128xi32, #tpu.memory_space<vmem>>
    %dma_start3A_37 = arith.constant 0 : i32
    %dma_start3A_38 = arith.constant 0 : i32
    %dma_start3A_39 = tpu.memref_slice %arg2[%arg0, %dma_start3A_37, %dma_start3A_38] : memref<2x10000x64xf32, #tpu.memory_space<hbm>> -> memref<1x10000x64xf32, #tpu.memory_space<hbm>>
    %dma_start3A_40 = tpu.memref_squeeze %dma_start3A_39 : memref<1x10000x64xf32, #tpu.memory_space<hbm>> -> memref<10000x64xf32, #tpu.memory_space<hbm>>
    %dma_start3A_41 = arith.constant 0 : i32
    %dma_start3A_42 = arith.constant 0 : i32
    %dma_start3A_43 = tpu.memref_slice %dma_start3A_40[%dma_start3A_41, %dma_start3A_42] : memref<10000x64xf32, #tpu.memory_space<hbm>> -> memref<10000x64xf32, #tpu.memory_space<hbm>>
    tpu.enqueue_indirect_dma source(%dma_start3A_43 : memref<10000x64xf32, #tpu.memory_space<hbm>>) target(%arg12 : memref<128x64xf32, #tpu.memory_space<vmem>>) offsets(%dma_start3A_36 : memref<128xi32, #tpu.memory_space<vmem>>) semaphore(%arg18 : memref<!tpu.dma_semaphore, #tpu.memory_space<semaphore_mem>>)
    %dma_start3A_44 = arith.constant 4 : i32
    %dma_start3A_45 = arith.constant 0 : i32
    %dma_start3A_46 = tpu.memref_slice %arg7[%dma_start3A_44, %dma_start3A_45] : memref<160x128xi32, #tpu.memory_space<vmem>> -> memref<1x128xi32, #tpu.memory_space<vmem>>
    %dma_start3A_47 = tpu.memref_squeeze %dma_start3A_46 : memref<1x128xi32, #tpu.memory_space<vmem>> -> memref<128xi32, #tpu.memory_space<vmem>>
    %dma_start3A_48 = arith.constant 0 : i32
    %dma_start3A_49 = arith.constant 0 : i32
    %dma_start3A_50 = tpu.memref_slice %arg2[%arg0, %dma_start3A_48, %dma_start3A_49] : memref<2x10000x64xf32, #tpu.memory_space<hbm>> -> memref<1x10000x64xf32, #tpu.memory_space<hbm>>
    %dma_start3A_51 = tpu.memref_squeeze %dma_start3A_50 : memref<1x10000x64xf32, #tpu.memory_space<hbm>> -> memref<10000x64xf32, #tpu.memory_space<hbm>>
    %dma_start3A_52 = arith.constant 0 : i32
    %dma_start3A_53 = arith.constant 0 : i32
    %dma_start3A_54 = tpu.memref_slice %dma_start3A_51[%dma_start3A_52, %dma_start3A_53] : memref<10000x64xf32, #tpu.memory_space<hbm>> -> memref<10000x64xf32, #tpu.memory_space<hbm>>
    tpu.enqueue_indirect_dma source(%dma_start3A_54 : memref<10000x64xf32, #tpu.memory_space<hbm>>) target(%arg13 : memref<128x64xf32, #tpu.memory_space<vmem>>) offsets(%dma_start3A_47 : memref<128xi32, #tpu.memory_space<vmem>>) semaphore(%arg19 : memref<!tpu.dma_semaphore, #tpu.memory_space<semaphore_mem>>)
    %scan3A = arith.constant 0 : i32
    %scan3A_55 = arith.constant 0 : i32
    %scan3A_56 = arith.constant 32 : i32
    %scan3A_57 = arith.addi %scan3A_55, %scan3A_56 : i32
    %scan3A_58 = arith.constant 1 : i32
    scf.for %scan3A_65 = %scan3A_55 to %scan3A_57 step %scan3A_58  : i32 {
      %mul3A_66 = arith.constant 5 : i32
      %mul3A_67 = arith.muli %mul3A_66, %scan3A_65 : i32
      %add3A = arith.constant 0 : i32
      %add3A_68 = arith.addi %mul3A_67, %add3A : i32
      %dma_wait3A = arith.constant 0 : i32
      %dma_wait3A_69 = tpu.memref_slice %arg7[%add3A_68, %dma_wait3A] : memref<160x128xi32, #tpu.memory_space<vmem>> -> memref<1x128xi32, #tpu.memory_space<vmem>>
      %dma_wait3A_70 = tpu.memref_squeeze %dma_wait3A_69 : memref<1x128xi32, #tpu.memory_space<vmem>> -> memref<128xi32, #tpu.memory_space<vmem>>
      %dma_wait3A_71 = arith.constant 0 : i32
      %dma_wait3A_72 = arith.constant 0 : i32
      %dma_wait3A_73 = tpu.memref_slice %arg2[%arg0, %dma_wait3A_71, %dma_wait3A_72] : memref<2x10000x64xf32, #tpu.memory_space<hbm>> -> memref<1x10000x64xf32, #tpu.memory_space<hbm>>
      %dma_wait3A_74 = tpu.memref_squeeze %dma_wait3A_73 : memref<1x10000x64xf32, #tpu.memory_space<hbm>> -> memref<10000x64xf32, #tpu.memory_space<hbm>>
      %dma_wait3A_75 = arith.constant 0 : i32
      %dma_wait3A_76 = arith.constant 0 : i32
      %dma_wait3A_77 = tpu.memref_slice %dma_wait3A_74[%dma_wait3A_75, %dma_wait3A_76] : memref<10000x64xf32, #tpu.memory_space<hbm>> -> memref<10000x64xf32, #tpu.memory_space<hbm>>
      tpu.wait_indirect_dma semaphore(%arg15 : memref<!tpu.dma_semaphore, #tpu.memory_space<semaphore_mem>>) src(%dma_wait3A_77 : memref<10000x64xf32, #tpu.memory_space<hbm>>) dst(%arg9 : memref<128x64xf32, #tpu.memory_space<vmem>>)
      %add3A_78 = arith.constant 0 : i32
      %add3A_79 = arith.addi %mul3A_67, %add3A_78 : i32
      %dma_start3A_80 = arith.constant 0 : i32
      %dma_start3A_81 = tpu.memref_slice %arg8[%add3A_79, %dma_start3A_80] : memref<160x128xi32, #tpu.memory_space<vmem>> -> memref<1x128xi32, #tpu.memory_space<vmem>>
      %dma_start3A_82 = tpu.memref_squeeze %dma_start3A_81 : memref<1x128xi32, #tpu.memory_space<vmem>> -> memref<128xi32, #tpu.memory_space<vmem>>
      %dma_start3A_83 = arith.constant 0 : i32
      %dma_start3A_84 = arith.constant 0 : i32
      %dma_start3A_85 = tpu.memref_slice %arg14[%dma_start3A_83, %dma_start3A_84] : memref<10240x64xf32, #tpu.memory_space<vmem_shared>> -> memref<10240x64xf32, #tpu.memory_space<vmem_shared>>
      tpu.enqueue_indirect_dma source(%arg9 : memref<128x64xf32, #tpu.memory_space<vmem>>) target(%dma_start3A_85 : memref<10240x64xf32, #tpu.memory_space<vmem_shared>>) offsets(%dma_start3A_82 : memref<128xi32, #tpu.memory_space<vmem>>) semaphore(%arg15 : memref<!tpu.dma_semaphore, #tpu.memory_space<semaphore_mem>>) {add = true}
      %add3A_86 = arith.constant 1 : i32
      %add3A_87 = arith.addi %mul3A_67, %add3A_86 : i32
      %dma_wait3A_88 = arith.constant 0 : i32
      %dma_wait3A_89 = tpu.memref_slice %arg7[%add3A_87, %dma_wait3A_88] : memref<160x128xi32, #tpu.memory_space<vmem>> -> memref<1x128xi32, #tpu.memory_space<vmem>>
      %dma_wait3A_90 = tpu.memref_squeeze %dma_wait3A_89 : memref<1x128xi32, #tpu.memory_space<vmem>> -> memref<128xi32, #tpu.memory_space<vmem>>
      %dma_wait3A_91 = arith.constant 0 : i32
      %dma_wait3A_92 = arith.constant 0 : i32
      %dma_wait3A_93 = tpu.memref_slice %arg2[%arg0, %dma_wait3A_91, %dma_wait3A_92] : memref<2x10000x64xf32, #tpu.memory_space<hbm>> -> memref<1x10000x64xf32, #tpu.memory_space<hbm>>
      %dma_wait3A_94 = tpu.memref_squeeze %dma_wait3A_93 : memref<1x10000x64xf32, #tpu.memory_space<hbm>> -> memref<10000x64xf32, #tpu.memory_space<hbm>>
      %dma_wait3A_95 = arith.constant 0 : i32
      %dma_wait3A_96 = arith.constant 0 : i32
      %dma_wait3A_97 = tpu.memref_slice %dma_wait3A_94[%dma_wait3A_95, %dma_wait3A_96] : memref<10000x64xf32, #tpu.memory_space<hbm>> -> memref<10000x64xf32, #tpu.memory_space<hbm>>
      tpu.wait_indirect_dma semaphore(%arg16 : memref<!tpu.dma_semaphore, #tpu.memory_space<semaphore_mem>>) src(%dma_wait3A_97 : memref<10000x64xf32, #tpu.memory_space<hbm>>) dst(%arg10 : memref<128x64xf32, #tpu.memory_space<vmem>>)
      %add3A_98 = arith.constant 1 : i32
      %add3A_99 = arith.addi %mul3A_67, %add3A_98 : i32
      %dma_start3A_100 = arith.constant 0 : i32
      %dma_start3A_101 = tpu.memref_slice %arg8[%add3A_99, %dma_start3A_100] : memref<160x128xi32, #tpu.memory_space<vmem>> -> memref<1x128xi32, #tpu.memory_space<vmem>>
      %dma_start3A_102 = tpu.memref_squeeze %dma_start3A_101 : memref<1x128xi32, #tpu.memory_space<vmem>> -> memref<128xi32, #tpu.memory_space<vmem>>
      %dma_start3A_103 = arith.constant 0 : i32
      %dma_start3A_104 = arith.constant 0 : i32
      %dma_start3A_105 = tpu.memref_slice %arg14[%dma_start3A_103, %dma_start3A_104] : memref<10240x64xf32, #tpu.memory_space<vmem_shared>> -> memref<10240x64xf32, #tpu.memory_space<vmem_shared>>
      tpu.enqueue_indirect_dma source(%arg10 : memref<128x64xf32, #tpu.memory_space<vmem>>) target(%dma_start3A_105 : memref<10240x64xf32, #tpu.memory_space<vmem_shared>>) offsets(%dma_start3A_102 : memref<128xi32, #tpu.memory_space<vmem>>) semaphore(%arg16 : memref<!tpu.dma_semaphore, #tpu.memory_space<semaphore_mem>>) {add = true}
      %add3A_106 = arith.constant 2 : i32
      %add3A_107 = arith.addi %mul3A_67, %add3A_106 : i32
      %dma_wait3A_108 = arith.constant 0 : i32
      %dma_wait3A_109 = tpu.memref_slice %arg7[%add3A_107, %dma_wait3A_108] : memref<160x128xi32, #tpu.memory_space<vmem>> -> memref<1x128xi32, #tpu.memory_space<vmem>>
      %dma_wait3A_110 = tpu.memref_squeeze %dma_wait3A_109 : memref<1x128xi32, #tpu.memory_space<vmem>> -> memref<128xi32, #tpu.memory_space<vmem>>
      %dma_wait3A_111 = arith.constant 0 : i32
      %dma_wait3A_112 = arith.constant 0 : i32
      %dma_wait3A_113 = tpu.memref_slice %arg2[%arg0, %dma_wait3A_111, %dma_wait3A_112] : memref<2x10000x64xf32, #tpu.memory_space<hbm>> -> memref<1x10000x64xf32, #tpu.memory_space<hbm>>
      %dma_wait3A_114 = tpu.memref_squeeze %dma_wait3A_113 : memref<1x10000x64xf32, #tpu.memory_space<hbm>> -> memref<10000x64xf32, #tpu.memory_space<hbm>>
      %dma_wait3A_115 = arith.constant 0 : i32
      %dma_wait3A_116 = arith.constant 0 : i32
      %dma_wait3A_117 = tpu.memref_slice %dma_wait3A_114[%dma_wait3A_115, %dma_wait3A_116] : memref<10000x64xf32, #tpu.memory_space<hbm>> -> memref<10000x64xf32, #tpu.memory_space<hbm>>
      tpu.wait_indirect_dma semaphore(%arg17 : memref<!tpu.dma_semaphore, #tpu.memory_space<semaphore_mem>>) src(%dma_wait3A_117 : memref<10000x64xf32, #tpu.memory_space<hbm>>) dst(%arg11 : memref<128x64xf32, #tpu.memory_space<vmem>>)
      %add3A_118 = arith.constant 2 : i32
      %add3A_119 = arith.addi %mul3A_67, %add3A_118 : i32
      %dma_start3A_120 = arith.constant 0 : i32
      %dma_start3A_121 = tpu.memref_slice %arg8[%add3A_119, %dma_start3A_120] : memref<160x128xi32, #tpu.memory_space<vmem>> -> memref<1x128xi32, #tpu.memory_space<vmem>>
      %dma_start3A_122 = tpu.memref_squeeze %dma_start3A_121 : memref<1x128xi32, #tpu.memory_space<vmem>> -> memref<128xi32, #tpu.memory_space<vmem>>
      %dma_start3A_123 = arith.constant 0 : i32
      %dma_start3A_124 = arith.constant 0 : i32
      %dma_start3A_125 = tpu.memref_slice %arg14[%dma_start3A_123, %dma_start3A_124] : memref<10240x64xf32, #tpu.memory_space<vmem_shared>> -> memref<10240x64xf32, #tpu.memory_space<vmem_shared>>
      tpu.enqueue_indirect_dma source(%arg11 : memref<128x64xf32, #tpu.memory_space<vmem>>) target(%dma_start3A_125 : memref<10240x64xf32, #tpu.memory_space<vmem_shared>>) offsets(%dma_start3A_122 : memref<128xi32, #tpu.memory_space<vmem>>) semaphore(%arg17 : memref<!tpu.dma_semaphore, #tpu.memory_space<semaphore_mem>>) {add = true}
      %add3A_126 = arith.constant 3 : i32
      %add3A_127 = arith.addi %mul3A_67, %add3A_126 : i32
      %dma_wait3A_128 = arith.constant 0 : i32
      %dma_wait3A_129 = tpu.memref_slice %arg7[%add3A_127, %dma_wait3A_128] : memref<160x128xi32, #tpu.memory_space<vmem>> -> memref<1x128xi32, #tpu.memory_space<vmem>>
      %dma_wait3A_130 = tpu.memref_squeeze %dma_wait3A_129 : memref<1x128xi32, #tpu.memory_space<vmem>> -> memref<128xi32, #tpu.memory_space<vmem>>
      %dma_wait3A_131 = arith.constant 0 : i32
      %dma_wait3A_132 = arith.constant 0 : i32
      %dma_wait3A_133 = tpu.memref_slice %arg2[%arg0, %dma_wait3A_131, %dma_wait3A_132] : memref<2x10000x64xf32, #tpu.memory_space<hbm>> -> memref<1x10000x64xf32, #tpu.memory_space<hbm>>
      %dma_wait3A_134 = tpu.memref_squeeze %dma_wait3A_133 : memref<1x10000x64xf32, #tpu.memory_space<hbm>> -> memref<10000x64xf32, #tpu.memory_space<hbm>>
      %dma_wait3A_135 = arith.constant 0 : i32
      %dma_wait3A_136 = arith.constant 0 : i32
      %dma_wait3A_137 = tpu.memref_slice %dma_wait3A_134[%dma_wait3A_135, %dma_wait3A_136] : memref<10000x64xf32, #tpu.memory_space<hbm>> -> memref<10000x64xf32, #tpu.memory_space<hbm>>
      tpu.wait_indirect_dma semaphore(%arg18 : memref<!tpu.dma_semaphore, #tpu.memory_space<semaphore_mem>>) src(%dma_wait3A_137 : memref<10000x64xf32, #tpu.memory_space<hbm>>) dst(%arg12 : memref<128x64xf32, #tpu.memory_space<vmem>>)
      %add3A_138 = arith.constant 3 : i32
      %add3A_139 = arith.addi %mul3A_67, %add3A_138 : i32
      %dma_start3A_140 = arith.constant 0 : i32
      %dma_start3A_141 = tpu.memref_slice %arg8[%add3A_139, %dma_start3A_140] : memref<160x128xi32, #tpu.memory_space<vmem>> -> memref<1x128xi32, #tpu.memory_space<vmem>>
      %dma_start3A_142 = tpu.memref_squeeze %dma_start3A_141 : memref<1x128xi32, #tpu.memory_space<vmem>> -> memref<128xi32, #tpu.memory_space<vmem>>
      %dma_start3A_143 = arith.constant 0 : i32
      %dma_start3A_144 = arith.constant 0 : i32
      %dma_start3A_145 = tpu.memref_slice %arg14[%dma_start3A_143, %dma_start3A_144] : memref<10240x64xf32, #tpu.memory_space<vmem_shared>> -> memref<10240x64xf32, #tpu.memory_space<vmem_shared>>
      tpu.enqueue_indirect_dma source(%arg12 : memref<128x64xf32, #tpu.memory_space<vmem>>) target(%dma_start3A_145 : memref<10240x64xf32, #tpu.memory_space<vmem_shared>>) offsets(%dma_start3A_142 : memref<128xi32, #tpu.memory_space<vmem>>) semaphore(%arg18 : memref<!tpu.dma_semaphore, #tpu.memory_space<semaphore_mem>>) {add = true}
      %add3A_146 = arith.constant 4 : i32
      %add3A_147 = arith.addi %mul3A_67, %add3A_146 : i32
      %dma_wait3A_148 = arith.constant 0 : i32
      %dma_wait3A_149 = tpu.memref_slice %arg7[%add3A_147, %dma_wait3A_148] : memref<160x128xi32, #tpu.memory_space<vmem>> -> memref<1x128xi32, #tpu.memory_space<vmem>>
      %dma_wait3A_150 = tpu.memref_squeeze %dma_wait3A_149 : memref<1x128xi32, #tpu.memory_space<vmem>> -> memref<128xi32, #tpu.memory_space<vmem>>
      %dma_wait3A_151 = arith.constant 0 : i32
      %dma_wait3A_152 = arith.constant 0 : i32
      %dma_wait3A_153 = tpu.memref_slice %arg2[%arg0, %dma_wait3A_151, %dma_wait3A_152] : memref<2x10000x64xf32, #tpu.memory_space<hbm>> -> memref<1x10000x64xf32, #tpu.memory_space<hbm>>
      %dma_wait3A_154 = tpu.memref_squeeze %dma_wait3A_153 : memref<1x10000x64xf32, #tpu.memory_space<hbm>> -> memref<10000x64xf32, #tpu.memory_space<hbm>>
      %dma_wait3A_155 = arith.constant 0 : i32
      %dma_wait3A_156 = arith.constant 0 : i32
      %dma_wait3A_157 = tpu.memref_slice %dma_wait3A_154[%dma_wait3A_155, %dma_wait3A_156] : memref<10000x64xf32, #tpu.memory_space<hbm>> -> memref<10000x64xf32, #tpu.memory_space<hbm>>
      tpu.wait_indirect_dma semaphore(%arg19 : memref<!tpu.dma_semaphore, #tpu.memory_space<semaphore_mem>>) src(%dma_wait3A_157 : memref<10000x64xf32, #tpu.memory_space<hbm>>) dst(%arg13 : memref<128x64xf32, #tpu.memory_space<vmem>>)
      %add3A_158 = arith.constant 4 : i32
      %add3A_159 = arith.addi %mul3A_67, %add3A_158 : i32
      %dma_start3A_160 = arith.constant 0 : i32
      %dma_start3A_161 = tpu.memref_slice %arg8[%add3A_159, %dma_start3A_160] : memref<160x128xi32, #tpu.memory_space<vmem>> -> memref<1x128xi32, #tpu.memory_space<vmem>>
      %dma_start3A_162 = tpu.memref_squeeze %dma_start3A_161 : memref<1x128xi32, #tpu.memory_space<vmem>> -> memref<128xi32, #tpu.memory_space<vmem>>
      %dma_start3A_163 = arith.constant 0 : i32
      %dma_start3A_164 = arith.constant 0 : i32
      %dma_start3A_165 = tpu.memref_slice %arg14[%dma_start3A_163, %dma_start3A_164] : memref<10240x64xf32, #tpu.memory_space<vmem_shared>> -> memref<10240x64xf32, #tpu.memory_space<vmem_shared>>
      tpu.enqueue_indirect_dma source(%arg13 : memref<128x64xf32, #tpu.memory_space<vmem>>) target(%dma_start3A_165 : memref<10240x64xf32, #tpu.memory_space<vmem_shared>>) offsets(%dma_start3A_162 : memref<128xi32, #tpu.memory_space<vmem>>) semaphore(%arg19 : memref<!tpu.dma_semaphore, #tpu.memory_space<semaphore_mem>>) {add = true}
      %dma_wait3A_166 = arith.constant 0 : i32
      %dma_wait3A_167 = tpu.memref_slice %arg8[%add3A_79, %dma_wait3A_166] : memref<160x128xi32, #tpu.memory_space<vmem>> -> memref<1x128xi32, #tpu.memory_space<vmem>>
      %dma_wait3A_168 = tpu.memref_squeeze %dma_wait3A_167 : memref<1x128xi32, #tpu.memory_space<vmem>> -> memref<128xi32, #tpu.memory_space<vmem>>
      %dma_wait3A_169 = arith.constant 0 : i32
      %dma_wait3A_170 = arith.constant 0 : i32
      %dma_wait3A_171 = tpu.memref_slice %arg14[%dma_wait3A_169, %dma_wait3A_170] : memref<10240x64xf32, #tpu.memory_space<vmem_shared>> -> memref<10240x64xf32, #tpu.memory_space<vmem_shared>>
      tpu.wait_indirect_dma semaphore(%arg15 : memref<!tpu.dma_semaphore, #tpu.memory_space<semaphore_mem>>) src(%arg9 : memref<128x64xf32, #tpu.memory_space<vmem>>) dst(%dma_wait3A_171 : memref<10240x64xf32, #tpu.memory_space<vmem_shared>>)
      %lt3A = arith.constant 31 : i32
      %lt3A_172 = arith.cmpi slt, %scan3A_65, %lt3A : i32
      %convert_element_type3A = arith.extui %lt3A_172 : i1 to i32
      %cond3A = arith.constant 0 : i32
      %cond3A_173 = arith.cmpi ne, %convert_element_type3A, %cond3A : i32
      scf.if %cond3A_173 {
        %add3A_218 = arith.constant 5 : i32
        %add3A_219 = arith.addi %mul3A_67, %add3A_218 : i32
        %add3A_220 = arith.constant 0 : i32
        %add3A_221 = arith.addi %add3A_219, %add3A_220 : i32
        %dma_start3A_222 = arith.constant 0 : i32
        %dma_start3A_223 = tpu.memref_slice %arg7[%add3A_221, %dma_start3A_222] : memref<160x128xi32, #tpu.memory_space<vmem>> -> memref<1x128xi32, #tpu.memory_space<vmem>>
        %dma_start3A_224 = tpu.memref_squeeze %dma_start3A_223 : memref<1x128xi32, #tpu.memory_space<vmem>> -> memref<128xi32, #tpu.memory_space<vmem>>
        %dma_start3A_225 = arith.constant 0 : i32
        %dma_start3A_226 = arith.constant 0 : i32
        %dma_start3A_227 = tpu.memref_slice %arg2[%arg0, %dma_start3A_225, %dma_start3A_226] : memref<2x10000x64xf32, #tpu.memory_space<hbm>> -> memref<1x10000x64xf32, #tpu.memory_space<hbm>>
        %dma_start3A_228 = tpu.memref_squeeze %dma_start3A_227 : memref<1x10000x64xf32, #tpu.memory_space<hbm>> -> memref<10000x64xf32, #tpu.memory_space<hbm>>
        %dma_start3A_229 = arith.constant 0 : i32
        %dma_start3A_230 = arith.constant 0 : i32
        %dma_start3A_231 = tpu.memref_slice %dma_start3A_228[%dma_start3A_229, %dma_start3A_230] : memref<10000x64xf32, #tpu.memory_space<hbm>> -> memref<10000x64xf32, #tpu.memory_space<hbm>>
        tpu.enqueue_indirect_dma source(%dma_start3A_231 : memref<10000x64xf32, #tpu.memory_space<hbm>>) target(%arg9 : memref<128x64xf32, #tpu.memory_space<vmem>>) offsets(%dma_start3A_224 : memref<128xi32, #tpu.memory_space<vmem>>) semaphore(%arg15 : memref<!tpu.dma_semaphore, #tpu.memory_space<semaphore_mem>>)
      } else {
      }
      %dma_wait3A_174 = arith.constant 0 : i32
      %dma_wait3A_175 = tpu.memref_slice %arg8[%add3A_99, %dma_wait3A_174] : memref<160x128xi32, #tpu.memory_space<vmem>> -> memref<1x128xi32, #tpu.memory_space<vmem>>
      %dma_wait3A_176 = tpu.memref_squeeze %dma_wait3A_175 : memref<1x128xi32, #tpu.memory_space<vmem>> -> memref<128xi32, #tpu.memory_space<vmem>>
      %dma_wait3A_177 = arith.constant 0 : i32
      %dma_wait3A_178 = arith.constant 0 : i32
      %dma_wait3A_179 = tpu.memref_slice %arg14[%dma_wait3A_177, %dma_wait3A_178] : memref<10240x64xf32, #tpu.memory_space<vmem_shared>> -> memref<10240x64xf32, #tpu.memory_space<vmem_shared>>
      tpu.wait_indirect_dma semaphore(%arg16 : memref<!tpu.dma_semaphore, #tpu.memory_space<semaphore_mem>>) src(%arg10 : memref<128x64xf32, #tpu.memory_space<vmem>>) dst(%dma_wait3A_179 : memref<10240x64xf32, #tpu.memory_space<vmem_shared>>)
      %lt3A_180 = arith.constant 31 : i32
      %lt3A_181 = arith.cmpi slt, %scan3A_65, %lt3A_180 : i32
      %convert_element_type3A_182 = arith.extui %lt3A_181 : i1 to i32
      %cond3A_183 = arith.constant 0 : i32
      %cond3A_184 = arith.cmpi ne, %convert_element_type3A_182, %cond3A_183 : i32
      scf.if %cond3A_184 {
        %add3A_218 = arith.constant 5 : i32
        %add3A_219 = arith.addi %mul3A_67, %add3A_218 : i32
        %add3A_220 = arith.constant 1 : i32
        %add3A_221 = arith.addi %add3A_219, %add3A_220 : i32
        %dma_start3A_222 = arith.constant 0 : i32
        %dma_start3A_223 = tpu.memref_slice %arg7[%add3A_221, %dma_start3A_222] : memref<160x128xi32, #tpu.memory_space<vmem>> -> memref<1x128xi32, #tpu.memory_space<vmem>>
        %dma_start3A_224 = tpu.memref_squeeze %dma_start3A_223 : memref<1x128xi32, #tpu.memory_space<vmem>> -> memref<128xi32, #tpu.memory_space<vmem>>
        %dma_start3A_225 = arith.constant 0 : i32
        %dma_start3A_226 = arith.constant 0 : i32
        %dma_start3A_227 = tpu.memref_slice %arg2[%arg0, %dma_start3A_225, %dma_start3A_226] : memref<2x10000x64xf32, #tpu.memory_space<hbm>> -> memref<1x10000x64xf32, #tpu.memory_space<hbm>>
        %dma_start3A_228 = tpu.memref_squeeze %dma_start3A_227 : memref<1x10000x64xf32, #tpu.memory_space<hbm>> -> memref<10000x64xf32, #tpu.memory_space<hbm>>
        %dma_start3A_229 = arith.constant 0 : i32
        %dma_start3A_230 = arith.constant 0 : i32
        %dma_start3A_231 = tpu.memref_slice %dma_start3A_228[%dma_start3A_229, %dma_start3A_230] : memref<10000x64xf32, #tpu.memory_space<hbm>> -> memref<10000x64xf32, #tpu.memory_space<hbm>>
        tpu.enqueue_indirect_dma source(%dma_start3A_231 : memref<10000x64xf32, #tpu.memory_space<hbm>>) target(%arg10 : memref<128x64xf32, #tpu.memory_space<vmem>>) offsets(%dma_start3A_224 : memref<128xi32, #tpu.memory_space<vmem>>) semaphore(%arg16 : memref<!tpu.dma_semaphore, #tpu.memory_space<semaphore_mem>>)
      } else {
      }
      %dma_wait3A_185 = arith.constant 0 : i32
      %dma_wait3A_186 = tpu.memref_slice %arg8[%add3A_119, %dma_wait3A_185] : memref<160x128xi32, #tpu.memory_space<vmem>> -> memref<1x128xi32, #tpu.memory_space<vmem>>
      %dma_wait3A_187 = tpu.memref_squeeze %dma_wait3A_186 : memref<1x128xi32, #tpu.memory_space<vmem>> -> memref<128xi32, #tpu.memory_space<vmem>>
      %dma_wait3A_188 = arith.constant 0 : i32
      %dma_wait3A_189 = arith.constant 0 : i32
      %dma_wait3A_190 = tpu.memref_slice %arg14[%dma_wait3A_188, %dma_wait3A_189] : memref<10240x64xf32, #tpu.memory_space<vmem_shared>> -> memref<10240x64xf32, #tpu.memory_space<vmem_shared>>
      tpu.wait_indirect_dma semaphore(%arg17 : memref<!tpu.dma_semaphore, #tpu.memory_space<semaphore_mem>>) src(%arg11 : memref<128x64xf32, #tpu.memory_space<vmem>>) dst(%dma_wait3A_190 : memref<10240x64xf32, #tpu.memory_space<vmem_shared>>)
      %lt3A_191 = arith.constant 31 : i32
      %lt3A_192 = arith.cmpi slt, %scan3A_65, %lt3A_191 : i32
      %convert_element_type3A_193 = arith.extui %lt3A_192 : i1 to i32
      %cond3A_194 = arith.constant 0 : i32
      %cond3A_195 = arith.cmpi ne, %convert_element_type3A_193, %cond3A_194 : i32
      scf.if %cond3A_195 {
        %add3A_218 = arith.constant 5 : i32
        %add3A_219 = arith.addi %mul3A_67, %add3A_218 : i32
        %add3A_220 = arith.constant 2 : i32
        %add3A_221 = arith.addi %add3A_219, %add3A_220 : i32
        %dma_start3A_222 = arith.constant 0 : i32
        %dma_start3A_223 = tpu.memref_slice %arg7[%add3A_221, %dma_start3A_222] : memref<160x128xi32, #tpu.memory_space<vmem>> -> memref<1x128xi32, #tpu.memory_space<vmem>>
        %dma_start3A_224 = tpu.memref_squeeze %dma_start3A_223 : memref<1x128xi32, #tpu.memory_space<vmem>> -> memref<128xi32, #tpu.memory_space<vmem>>
        %dma_start3A_225 = arith.constant 0 : i32
        %dma_start3A_226 = arith.constant 0 : i32
        %dma_start3A_227 = tpu.memref_slice %arg2[%arg0, %dma_start3A_225, %dma_start3A_226] : memref<2x10000x64xf32, #tpu.memory_space<hbm>> -> memref<1x10000x64xf32, #tpu.memory_space<hbm>>
        %dma_start3A_228 = tpu.memref_squeeze %dma_start3A_227 : memref<1x10000x64xf32, #tpu.memory_space<hbm>> -> memref<10000x64xf32, #tpu.memory_space<hbm>>
        %dma_start3A_229 = arith.constant 0 : i32
        %dma_start3A_230 = arith.constant 0 : i32
        %dma_start3A_231 = tpu.memref_slice %dma_start3A_228[%dma_start3A_229, %dma_start3A_230] : memref<10000x64xf32, #tpu.memory_space<hbm>> -> memref<10000x64xf32, #tpu.memory_space<hbm>>
        tpu.enqueue_indirect_dma source(%dma_start3A_231 : memref<10000x64xf32, #tpu.memory_space<hbm>>) target(%arg11 : memref<128x64xf32, #tpu.memory_space<vmem>>) offsets(%dma_start3A_224 : memref<128xi32, #tpu.memory_space<vmem>>) semaphore(%arg17 : memref<!tpu.dma_semaphore, #tpu.memory_space<semaphore_mem>>)
      } else {
      }
      %dma_wait3A_196 = arith.constant 0 : i32
      %dma_wait3A_197 = tpu.memref_slice %arg8[%add3A_139, %dma_wait3A_196] : memref<160x128xi32, #tpu.memory_space<vmem>> -> memref<1x128xi32, #tpu.memory_space<vmem>>
      %dma_wait3A_198 = tpu.memref_squeeze %dma_wait3A_197 : memref<1x128xi32, #tpu.memory_space<vmem>> -> memref<128xi32, #tpu.memory_space<vmem>>
      %dma_wait3A_199 = arith.constant 0 : i32
      %dma_wait3A_200 = arith.constant 0 : i32
      %dma_wait3A_201 = tpu.memref_slice %arg14[%dma_wait3A_199, %dma_wait3A_200] : memref<10240x64xf32, #tpu.memory_space<vmem_shared>> -> memref<10240x64xf32, #tpu.memory_space<vmem_shared>>
      tpu.wait_indirect_dma semaphore(%arg18 : memref<!tpu.dma_semaphore, #tpu.memory_space<semaphore_mem>>) src(%arg12 : memref<128x64xf32, #tpu.memory_space<vmem>>) dst(%dma_wait3A_201 : memref<10240x64xf32, #tpu.memory_space<vmem_shared>>)
      %lt3A_202 = arith.constant 31 : i32
      %lt3A_203 = arith.cmpi slt, %scan3A_65, %lt3A_202 : i32
      %convert_element_type3A_204 = arith.extui %lt3A_203 : i1 to i32
      %cond3A_205 = arith.constant 0 : i32
      %cond3A_206 = arith.cmpi ne, %convert_element_type3A_204, %cond3A_205 : i32
      scf.if %cond3A_206 {
        %add3A_218 = arith.constant 5 : i32
        %add3A_219 = arith.addi %mul3A_67, %add3A_218 : i32
        %add3A_220 = arith.constant 3 : i32
        %add3A_221 = arith.addi %add3A_219, %add3A_220 : i32
        %dma_start3A_222 = arith.constant 0 : i32
        %dma_start3A_223 = tpu.memref_slice %arg7[%add3A_221, %dma_start3A_222] : memref<160x128xi32, #tpu.memory_space<vmem>> -> memref<1x128xi32, #tpu.memory_space<vmem>>
        %dma_start3A_224 = tpu.memref_squeeze %dma_start3A_223 : memref<1x128xi32, #tpu.memory_space<vmem>> -> memref<128xi32, #tpu.memory_space<vmem>>
        %dma_start3A_225 = arith.constant 0 : i32
        %dma_start3A_226 = arith.constant 0 : i32
        %dma_start3A_227 = tpu.memref_slice %arg2[%arg0, %dma_start3A_225, %dma_start3A_226] : memref<2x10000x64xf32, #tpu.memory_space<hbm>> -> memref<1x10000x64xf32, #tpu.memory_space<hbm>>
        %dma_start3A_228 = tpu.memref_squeeze %dma_start3A_227 : memref<1x10000x64xf32, #tpu.memory_space<hbm>> -> memref<10000x64xf32, #tpu.memory_space<hbm>>
        %dma_start3A_229 = arith.constant 0 : i32
        %dma_start3A_230 = arith.constant 0 : i32
        %dma_start3A_231 = tpu.memref_slice %dma_start3A_228[%dma_start3A_229, %dma_start3A_230] : memref<10000x64xf32, #tpu.memory_space<hbm>> -> memref<10000x64xf32, #tpu.memory_space<hbm>>
        tpu.enqueue_indirect_dma source(%dma_start3A_231 : memref<10000x64xf32, #tpu.memory_space<hbm>>) target(%arg12 : memref<128x64xf32, #tpu.memory_space<vmem>>) offsets(%dma_start3A_224 : memref<128xi32, #tpu.memory_space<vmem>>) semaphore(%arg18 : memref<!tpu.dma_semaphore, #tpu.memory_space<semaphore_mem>>)
      } else {
      }
      %dma_wait3A_207 = arith.constant 0 : i32
      %dma_wait3A_208 = tpu.memref_slice %arg8[%add3A_159, %dma_wait3A_207] : memref<160x128xi32, #tpu.memory_space<vmem>> -> memref<1x128xi32, #tpu.memory_space<vmem>>
      %dma_wait3A_209 = tpu.memref_squeeze %dma_wait3A_208 : memref<1x128xi32, #tpu.memory_space<vmem>> -> memref<128xi32, #tpu.memory_space<vmem>>
      %dma_wait3A_210 = arith.constant 0 : i32
      %dma_wait3A_211 = arith.constant 0 : i32
      %dma_wait3A_212 = tpu.memref_slice %arg14[%dma_wait3A_210, %dma_wait3A_211] : memref<10240x64xf32, #tpu.memory_space<vmem_shared>> -> memref<10240x64xf32, #tpu.memory_space<vmem_shared>>
      tpu.wait_indirect_dma semaphore(%arg19 : memref<!tpu.dma_semaphore, #tpu.memory_space<semaphore_mem>>) src(%arg13 : memref<128x64xf32, #tpu.memory_space<vmem>>) dst(%dma_wait3A_212 : memref<10240x64xf32, #tpu.memory_space<vmem_shared>>)
      %lt3A_213 = arith.constant 31 : i32
      %lt3A_214 = arith.cmpi slt, %scan3A_65, %lt3A_213 : i32
      %convert_element_type3A_215 = arith.extui %lt3A_214 : i1 to i32
      %cond3A_216 = arith.constant 0 : i32
      %cond3A_217 = arith.cmpi ne, %convert_element_type3A_215, %cond3A_216 : i32
      scf.if %cond3A_217 {
        %add3A_218 = arith.constant 5 : i32
        %add3A_219 = arith.addi %mul3A_67, %add3A_218 : i32
        %add3A_220 = arith.constant 4 : i32
        %add3A_221 = arith.addi %add3A_219, %add3A_220 : i32
        %dma_start3A_222 = arith.constant 0 : i32
        %dma_start3A_223 = tpu.memref_slice %arg7[%add3A_221, %dma_start3A_222] : memref<160x128xi32, #tpu.memory_space<vmem>> -> memref<1x128xi32, #tpu.memory_space<vmem>>
        %dma_start3A_224 = tpu.memref_squeeze %dma_start3A_223 : memref<1x128xi32, #tpu.memory_space<vmem>> -> memref<128xi32, #tpu.memory_space<vmem>>
        %dma_start3A_225 = arith.constant 0 : i32
        %dma_start3A_226 = arith.constant 0 : i32
        %dma_start3A_227 = tpu.memref_slice %arg2[%arg0, %dma_start3A_225, %dma_start3A_226] : memref<2x10000x64xf32, #tpu.memory_space<hbm>> -> memref<1x10000x64xf32, #tpu.memory_space<hbm>>
        %dma_start3A_228 = tpu.memref_squeeze %dma_start3A_227 : memref<1x10000x64xf32, #tpu.memory_space<hbm>> -> memref<10000x64xf32, #tpu.memory_space<hbm>>
        %dma_start3A_229 = arith.constant 0 : i32
        %dma_start3A_230 = arith.constant 0 : i32
        %dma_start3A_231 = tpu.memref_slice %dma_start3A_228[%dma_start3A_229, %dma_start3A_230] : memref<10000x64xf32, #tpu.memory_space<hbm>> -> memref<10000x64xf32, #tpu.memory_space<hbm>>
        tpu.enqueue_indirect_dma source(%dma_start3A_231 : memref<10000x64xf32, #tpu.memory_space<hbm>>) target(%arg13 : memref<128x64xf32, #tpu.memory_space<vmem>>) offsets(%dma_start3A_224 : memref<128xi32, #tpu.memory_space<vmem>>) semaphore(%arg19 : memref<!tpu.dma_semaphore, #tpu.memory_space<semaphore_mem>>)
      } else {
      }
    }
    %scan3A_59 = arith.constant 32 : i32
    %barrier3A_60 = arith.constant 0 : index
    tpu.barrier barrier_id(%barrier3A_60)
    %mul3A_61 = arith.constant 640 : i32
    %mul3A_62 = arith.muli %arg1, %mul3A_61 : i32
    %mul3A_63 = arith.constant 640 : i32
    %mul3A_64 = arith.muli %arg1, %mul3A_63 : i32
    "tpu.region"() ({
      %run_scoped3A = tpu.sem_alloc : memref<!tpu.dma_semaphore, #tpu.memory_space<semaphore_mem>>
      %dma_start3A_65 = arith.constant 0 : i32
      %dma_start3A_66 = tpu.memref_slice %arg6[%arg0, %mul3A_64, %dma_start3A_65] : memref<2x10240x64xf32, #tpu.memory_space<hbm>> -> memref<1x640x64xf32, #tpu.memory_space<hbm>>
      %dma_start3A_67 = tpu.memref_squeeze %dma_start3A_66 : memref<1x640x64xf32, #tpu.memory_space<hbm>> -> memref<640x64xf32, #tpu.memory_space<hbm>>
      %dma_start3A_68 = arith.constant 0 : i32
      %dma_start3A_69 = tpu.memref_slice %arg14[%mul3A_62, %dma_start3A_68] : memref<10240x64xf32, #tpu.memory_space<vmem_shared>> -> memref<640x64xf32, #tpu.memory_space<vmem_shared>>
      tpu.enqueue_dma source(%dma_start3A_69 : memref<640x64xf32, #tpu.memory_space<vmem_shared>>) target(%dma_start3A_67 : memref<640x64xf32, #tpu.memory_space<hbm>>) target_semaphore(%run_scoped3A : memref<!tpu.dma_semaphore, #tpu.memory_space<semaphore_mem>>)
      %dma_wait3A = arith.constant 0 : i32
      %dma_wait3A_70 = tpu.memref_slice %arg6[%arg0, %mul3A_64, %dma_wait3A] : memref<2x10240x64xf32, #tpu.memory_space<hbm>> -> memref<1x640x64xf32, #tpu.memory_space<hbm>>
      %dma_wait3A_71 = tpu.memref_squeeze %dma_wait3A_70 : memref<1x640x64xf32, #tpu.memory_space<hbm>> -> memref<640x64xf32, #tpu.memory_space<hbm>>
      %dma_wait3A_72 = arith.constant 0 : i32
      %dma_wait3A_73 = tpu.memref_slice %arg14[%mul3A_62, %dma_wait3A_72] : memref<10240x64xf32, #tpu.memory_space<vmem_shared>> -> memref<640x64xf32, #tpu.memory_space<vmem_shared>>
      tpu.wait_dma2 semaphore(%run_scoped3A : memref<!tpu.dma_semaphore, #tpu.memory_space<semaphore_mem>>) src(%dma_wait3A_73 : memref<640x64xf32, #tpu.memory_space<vmem_shared>>) dst(%dma_wait3A_71 : memref<640x64xf32, #tpu.memory_space<hbm>>)
      tpu.yield
    }) : () -> ()
    return
  }
}

#map = affine_map<(d0, d1) -> (0, 0)>
#map1 = affine_map<(d0, d1) -> (0, 0, 0)>
module attributes {stable_mosaic.version = 14 : i64} {
  func.func @_scalar_agg(%arg0: i32, %arg1: i32, %arg2: memref<10000x16xf32, #tpu.memory_space<hbm>>, %arg3: memref<32x20x512xi32, #tpu.memory_space<hbm>>, %arg4: memref<32x20x512xi32, #tpu.memory_space<hbm>>, %arg5: memref<640x16xf32, #tpu.memory_space<hbm>>, %arg6: memref<2x10240x16xf32, #tpu.memory_space<hbm>>, %arg7: memref<20x512xi32, #tpu.memory_space<vmem>>, %arg8: memref<20x512xi32, #tpu.memory_space<vmem>>, %arg9: memref<512x16xf32, #tpu.memory_space<vmem>>, %arg10: memref<512x16xf32, #tpu.memory_space<vmem>>, %arg11: memref<512x16xf32, #tpu.memory_space<vmem>>, %arg12: memref<512x16xf32, #tpu.memory_space<vmem>>, %arg13: memref<512x16xf32, #tpu.memory_space<vmem>>, %arg14: memref<10240x16xf32, #tpu.memory_space<vmem_shared>>, %arg15: memref<!tpu.dma_semaphore, #tpu.memory_space<semaphore_mem>>, %arg16: memref<!tpu.dma_semaphore, #tpu.memory_space<semaphore_mem>>, %arg17: memref<!tpu.dma_semaphore, #tpu.memory_space<semaphore_mem>>, %arg18: memref<!tpu.dma_semaphore, #tpu.memory_space<semaphore_mem>>, %arg19: memref<!tpu.dma_semaphore, #tpu.memory_space<semaphore_mem>>) attributes {dimension_semantics = [#tpu.dimension_semantics<core_parallel>, #tpu.dimension_semantics<subcore_parallel>], iteration_bounds = array<i64: 2, 16>, scalar_prefetch = 0 : i64, scratch_operands = 13 : i64, tpu.core_type = #tpu.core_type<sc_vector_subcore>, window_params = [{transform_indices = #map}, {transform_indices = #map1}, {transform_indices = #map1}, {transform_indices = #map}, {transform_indices = #map1}]} {
    %mul3A = arith.constant 2 : i32
    %mul3A_0 = arith.muli %arg1, %mul3A : i32
    %add3A = arith.addi %mul3A_0, %arg0 : i32
    "tpu.region"() ({
      %run_scoped3A = tpu.sem_alloc : memref<!tpu.dma_semaphore, #tpu.memory_space<semaphore_mem>>
      %dma_start3A_47 = arith.constant 0 : i32
      %dma_start3A_48 = arith.constant 0 : i32
      %dma_start3A_49 = tpu.memref_slice %arg3[%add3A, %dma_start3A_47, %dma_start3A_48] : memref<32x20x512xi32, #tpu.memory_space<hbm>> -> memref<1x20x512xi32, #tpu.memory_space<hbm>>
      %dma_start3A_50 = tpu.memref_squeeze %dma_start3A_49 : memref<1x20x512xi32, #tpu.memory_space<hbm>> -> memref<20x512xi32, #tpu.memory_space<hbm>>
      %dma_start3A_51 = arith.constant 0 : i32
      %dma_start3A_52 = arith.constant 0 : i32
      %dma_start3A_53 = tpu.memref_slice %arg3[%add3A, %dma_start3A_51, %dma_start3A_52] : memref<32x20x512xi32, #tpu.memory_space<hbm>> -> memref<1x20x512xi32, #tpu.memory_space<hbm>>
      %dma_start3A_54 = tpu.memref_squeeze %dma_start3A_53 : memref<1x20x512xi32, #tpu.memory_space<hbm>> -> memref<20x512xi32, #tpu.memory_space<hbm>>
      tpu.enqueue_dma source(%dma_start3A_54 : memref<20x512xi32, #tpu.memory_space<hbm>>) target(%arg7 : memref<20x512xi32, #tpu.memory_space<vmem>>) target_semaphore(%run_scoped3A : memref<!tpu.dma_semaphore, #tpu.memory_space<semaphore_mem>>)
      %dma_wait3A = arith.constant 0 : i32
      %dma_wait3A_55 = arith.constant 0 : i32
      %dma_wait3A_56 = tpu.memref_slice %arg3[%add3A, %dma_wait3A, %dma_wait3A_55] : memref<32x20x512xi32, #tpu.memory_space<hbm>> -> memref<1x20x512xi32, #tpu.memory_space<hbm>>
      %dma_wait3A_57 = tpu.memref_squeeze %dma_wait3A_56 : memref<1x20x512xi32, #tpu.memory_space<hbm>> -> memref<20x512xi32, #tpu.memory_space<hbm>>
      %dma_wait3A_58 = arith.constant 0 : i32
      %dma_wait3A_59 = arith.constant 0 : i32
      %dma_wait3A_60 = tpu.memref_slice %arg3[%add3A, %dma_wait3A_58, %dma_wait3A_59] : memref<32x20x512xi32, #tpu.memory_space<hbm>> -> memref<1x20x512xi32, #tpu.memory_space<hbm>>
      %dma_wait3A_61 = tpu.memref_squeeze %dma_wait3A_60 : memref<1x20x512xi32, #tpu.memory_space<hbm>> -> memref<20x512xi32, #tpu.memory_space<hbm>>
      tpu.wait_dma2 semaphore(%run_scoped3A : memref<!tpu.dma_semaphore, #tpu.memory_space<semaphore_mem>>) src(%dma_wait3A_61 : memref<20x512xi32, #tpu.memory_space<hbm>>) dst(%arg7 : memref<20x512xi32, #tpu.memory_space<vmem>>)
      tpu.yield
    }) : () -> ()
    "tpu.region"() ({
      %run_scoped3A = tpu.sem_alloc : memref<!tpu.dma_semaphore, #tpu.memory_space<semaphore_mem>>
      %dma_start3A_47 = arith.constant 0 : i32
      %dma_start3A_48 = arith.constant 0 : i32
      %dma_start3A_49 = tpu.memref_slice %arg4[%add3A, %dma_start3A_47, %dma_start3A_48] : memref<32x20x512xi32, #tpu.memory_space<hbm>> -> memref<1x20x512xi32, #tpu.memory_space<hbm>>
      %dma_start3A_50 = tpu.memref_squeeze %dma_start3A_49 : memref<1x20x512xi32, #tpu.memory_space<hbm>> -> memref<20x512xi32, #tpu.memory_space<hbm>>
      %dma_start3A_51 = arith.constant 0 : i32
      %dma_start3A_52 = arith.constant 0 : i32
      %dma_start3A_53 = tpu.memref_slice %arg4[%add3A, %dma_start3A_51, %dma_start3A_52] : memref<32x20x512xi32, #tpu.memory_space<hbm>> -> memref<1x20x512xi32, #tpu.memory_space<hbm>>
      %dma_start3A_54 = tpu.memref_squeeze %dma_start3A_53 : memref<1x20x512xi32, #tpu.memory_space<hbm>> -> memref<20x512xi32, #tpu.memory_space<hbm>>
      tpu.enqueue_dma source(%dma_start3A_54 : memref<20x512xi32, #tpu.memory_space<hbm>>) target(%arg8 : memref<20x512xi32, #tpu.memory_space<vmem>>) target_semaphore(%run_scoped3A : memref<!tpu.dma_semaphore, #tpu.memory_space<semaphore_mem>>)
      %dma_wait3A = arith.constant 0 : i32
      %dma_wait3A_55 = arith.constant 0 : i32
      %dma_wait3A_56 = tpu.memref_slice %arg4[%add3A, %dma_wait3A, %dma_wait3A_55] : memref<32x20x512xi32, #tpu.memory_space<hbm>> -> memref<1x20x512xi32, #tpu.memory_space<hbm>>
      %dma_wait3A_57 = tpu.memref_squeeze %dma_wait3A_56 : memref<1x20x512xi32, #tpu.memory_space<hbm>> -> memref<20x512xi32, #tpu.memory_space<hbm>>
      %dma_wait3A_58 = arith.constant 0 : i32
      %dma_wait3A_59 = arith.constant 0 : i32
      %dma_wait3A_60 = tpu.memref_slice %arg4[%add3A, %dma_wait3A_58, %dma_wait3A_59] : memref<32x20x512xi32, #tpu.memory_space<hbm>> -> memref<1x20x512xi32, #tpu.memory_space<hbm>>
      %dma_wait3A_61 = tpu.memref_squeeze %dma_wait3A_60 : memref<1x20x512xi32, #tpu.memory_space<hbm>> -> memref<20x512xi32, #tpu.memory_space<hbm>>
      tpu.wait_dma2 semaphore(%run_scoped3A : memref<!tpu.dma_semaphore, #tpu.memory_space<semaphore_mem>>) src(%dma_wait3A_61 : memref<20x512xi32, #tpu.memory_space<hbm>>) dst(%arg8 : memref<20x512xi32, #tpu.memory_space<vmem>>)
      tpu.yield
    }) : () -> ()
    %mul3A_1 = arith.constant 640 : i32
    %mul3A_2 = arith.muli %arg1, %mul3A_1 : i32
    "tpu.region"() ({
      %run_scoped3A = tpu.sem_alloc : memref<!tpu.dma_semaphore, #tpu.memory_space<semaphore_mem>>
      %dma_start3A_47 = arith.constant 0 : i32
      %dma_start3A_48 = tpu.memref_slice %arg14[%mul3A_2, %dma_start3A_47] : memref<10240x16xf32, #tpu.memory_space<vmem_shared>> -> memref<640x16xf32, #tpu.memory_space<vmem_shared>>
      tpu.enqueue_dma source(%arg5 : memref<640x16xf32, #tpu.memory_space<hbm>>) target(%dma_start3A_48 : memref<640x16xf32, #tpu.memory_space<vmem_shared>>) target_semaphore(%run_scoped3A : memref<!tpu.dma_semaphore, #tpu.memory_space<semaphore_mem>>)
      %dma_wait3A = arith.constant 0 : i32
      %dma_wait3A_49 = tpu.memref_slice %arg14[%mul3A_2, %dma_wait3A] : memref<10240x16xf32, #tpu.memory_space<vmem_shared>> -> memref<640x16xf32, #tpu.memory_space<vmem_shared>>
      tpu.wait_dma2 semaphore(%run_scoped3A : memref<!tpu.dma_semaphore, #tpu.memory_space<semaphore_mem>>) src(%arg5 : memref<640x16xf32, #tpu.memory_space<hbm>>) dst(%dma_wait3A_49 : memref<640x16xf32, #tpu.memory_space<vmem_shared>>)
      tpu.yield
    }) : () -> ()
    %barrier3A = arith.constant 0 : index
    tpu.barrier barrier_id(%barrier3A)
    %dma_start3A = arith.constant 0 : i32
    %dma_start3A_3 = arith.constant 0 : i32
    %dma_start3A_4 = tpu.memref_slice %arg7[%dma_start3A, %dma_start3A_3] : memref<20x512xi32, #tpu.memory_space<vmem>> -> memref<1x512xi32, #tpu.memory_space<vmem>>
    %dma_start3A_5 = tpu.memref_squeeze %dma_start3A_4 : memref<1x512xi32, #tpu.memory_space<vmem>> -> memref<512xi32, #tpu.memory_space<vmem>>
    %dma_start3A_6 = arith.constant 0 : i32
    %dma_start3A_7 = arith.constant 0 : i32
    %dma_start3A_8 = tpu.memref_slice %arg2[%dma_start3A_6, %dma_start3A_7] : memref<10000x16xf32, #tpu.memory_space<hbm>> -> memref<10000x16xf32, #tpu.memory_space<hbm>>
    tpu.enqueue_indirect_dma source(%dma_start3A_8 : memref<10000x16xf32, #tpu.memory_space<hbm>>) target(%arg9 : memref<512x16xf32, #tpu.memory_space<vmem>>) offsets(%dma_start3A_5 : memref<512xi32, #tpu.memory_space<vmem>>) semaphore(%arg15 : memref<!tpu.dma_semaphore, #tpu.memory_space<semaphore_mem>>)
    %dma_start3A_9 = arith.constant 1 : i32
    %dma_start3A_10 = arith.constant 0 : i32
    %dma_start3A_11 = tpu.memref_slice %arg7[%dma_start3A_9, %dma_start3A_10] : memref<20x512xi32, #tpu.memory_space<vmem>> -> memref<1x512xi32, #tpu.memory_space<vmem>>
    %dma_start3A_12 = tpu.memref_squeeze %dma_start3A_11 : memref<1x512xi32, #tpu.memory_space<vmem>> -> memref<512xi32, #tpu.memory_space<vmem>>
    %dma_start3A_13 = arith.constant 0 : i32
    %dma_start3A_14 = arith.constant 0 : i32
    %dma_start3A_15 = tpu.memref_slice %arg2[%dma_start3A_13, %dma_start3A_14] : memref<10000x16xf32, #tpu.memory_space<hbm>> -> memref<10000x16xf32, #tpu.memory_space<hbm>>
    tpu.enqueue_indirect_dma source(%dma_start3A_15 : memref<10000x16xf32, #tpu.memory_space<hbm>>) target(%arg10 : memref<512x16xf32, #tpu.memory_space<vmem>>) offsets(%dma_start3A_12 : memref<512xi32, #tpu.memory_space<vmem>>) semaphore(%arg16 : memref<!tpu.dma_semaphore, #tpu.memory_space<semaphore_mem>>)
    %dma_start3A_16 = arith.constant 2 : i32
    %dma_start3A_17 = arith.constant 0 : i32
    %dma_start3A_18 = tpu.memref_slice %arg7[%dma_start3A_16, %dma_start3A_17] : memref<20x512xi32, #tpu.memory_space<vmem>> -> memref<1x512xi32, #tpu.memory_space<vmem>>
    %dma_start3A_19 = tpu.memref_squeeze %dma_start3A_18 : memref<1x512xi32, #tpu.memory_space<vmem>> -> memref<512xi32, #tpu.memory_space<vmem>>
    %dma_start3A_20 = arith.constant 0 : i32
    %dma_start3A_21 = arith.constant 0 : i32
    %dma_start3A_22 = tpu.memref_slice %arg2[%dma_start3A_20, %dma_start3A_21] : memref<10000x16xf32, #tpu.memory_space<hbm>> -> memref<10000x16xf32, #tpu.memory_space<hbm>>
    tpu.enqueue_indirect_dma source(%dma_start3A_22 : memref<10000x16xf32, #tpu.memory_space<hbm>>) target(%arg11 : memref<512x16xf32, #tpu.memory_space<vmem>>) offsets(%dma_start3A_19 : memref<512xi32, #tpu.memory_space<vmem>>) semaphore(%arg17 : memref<!tpu.dma_semaphore, #tpu.memory_space<semaphore_mem>>)
    %dma_start3A_23 = arith.constant 3 : i32
    %dma_start3A_24 = arith.constant 0 : i32
    %dma_start3A_25 = tpu.memref_slice %arg7[%dma_start3A_23, %dma_start3A_24] : memref<20x512xi32, #tpu.memory_space<vmem>> -> memref<1x512xi32, #tpu.memory_space<vmem>>
    %dma_start3A_26 = tpu.memref_squeeze %dma_start3A_25 : memref<1x512xi32, #tpu.memory_space<vmem>> -> memref<512xi32, #tpu.memory_space<vmem>>
    %dma_start3A_27 = arith.constant 0 : i32
    %dma_start3A_28 = arith.constant 0 : i32
    %dma_start3A_29 = tpu.memref_slice %arg2[%dma_start3A_27, %dma_start3A_28] : memref<10000x16xf32, #tpu.memory_space<hbm>> -> memref<10000x16xf32, #tpu.memory_space<hbm>>
    tpu.enqueue_indirect_dma source(%dma_start3A_29 : memref<10000x16xf32, #tpu.memory_space<hbm>>) target(%arg12 : memref<512x16xf32, #tpu.memory_space<vmem>>) offsets(%dma_start3A_26 : memref<512xi32, #tpu.memory_space<vmem>>) semaphore(%arg18 : memref<!tpu.dma_semaphore, #tpu.memory_space<semaphore_mem>>)
    %dma_start3A_30 = arith.constant 4 : i32
    %dma_start3A_31 = arith.constant 0 : i32
    %dma_start3A_32 = tpu.memref_slice %arg7[%dma_start3A_30, %dma_start3A_31] : memref<20x512xi32, #tpu.memory_space<vmem>> -> memref<1x512xi32, #tpu.memory_space<vmem>>
    %dma_start3A_33 = tpu.memref_squeeze %dma_start3A_32 : memref<1x512xi32, #tpu.memory_space<vmem>> -> memref<512xi32, #tpu.memory_space<vmem>>
    %dma_start3A_34 = arith.constant 0 : i32
    %dma_start3A_35 = arith.constant 0 : i32
    %dma_start3A_36 = tpu.memref_slice %arg2[%dma_start3A_34, %dma_start3A_35] : memref<10000x16xf32, #tpu.memory_space<hbm>> -> memref<10000x16xf32, #tpu.memory_space<hbm>>
    tpu.enqueue_indirect_dma source(%dma_start3A_36 : memref<10000x16xf32, #tpu.memory_space<hbm>>) target(%arg13 : memref<512x16xf32, #tpu.memory_space<vmem>>) offsets(%dma_start3A_33 : memref<512xi32, #tpu.memory_space<vmem>>) semaphore(%arg19 : memref<!tpu.dma_semaphore, #tpu.memory_space<semaphore_mem>>)
    %scan3A = arith.constant 0 : i32
    %scan3A_37 = arith.constant 0 : i32
    %scan3A_38 = arith.constant 4 : i32
    %scan3A_39 = arith.addi %scan3A_37, %scan3A_38 : i32
    %scan3A_40 = arith.constant 1 : i32
    scf.for %scan3A_47 = %scan3A_37 to %scan3A_39 step %scan3A_40  : i32 {
      %mul3A_48 = arith.constant 5 : i32
      %mul3A_49 = arith.muli %mul3A_48, %scan3A_47 : i32
      %add3A_50 = arith.constant 0 : i32
      %add3A_51 = arith.addi %mul3A_49, %add3A_50 : i32
      %dma_wait3A = arith.constant 0 : i32
      %dma_wait3A_52 = tpu.memref_slice %arg7[%add3A_51, %dma_wait3A] : memref<20x512xi32, #tpu.memory_space<vmem>> -> memref<1x512xi32, #tpu.memory_space<vmem>>
      %dma_wait3A_53 = tpu.memref_squeeze %dma_wait3A_52 : memref<1x512xi32, #tpu.memory_space<vmem>> -> memref<512xi32, #tpu.memory_space<vmem>>
      %dma_wait3A_54 = arith.constant 0 : i32
      %dma_wait3A_55 = arith.constant 0 : i32
      %dma_wait3A_56 = tpu.memref_slice %arg2[%dma_wait3A_54, %dma_wait3A_55] : memref<10000x16xf32, #tpu.memory_space<hbm>> -> memref<10000x16xf32, #tpu.memory_space<hbm>>
      tpu.wait_indirect_dma semaphore(%arg15 : memref<!tpu.dma_semaphore, #tpu.memory_space<semaphore_mem>>) src(%dma_wait3A_56 : memref<10000x16xf32, #tpu.memory_space<hbm>>) dst(%arg9 : memref<512x16xf32, #tpu.memory_space<vmem>>)
      %add3A_57 = arith.constant 0 : i32
      %add3A_58 = arith.addi %mul3A_49, %add3A_57 : i32
      %dma_start3A_59 = arith.constant 0 : i32
      %dma_start3A_60 = tpu.memref_slice %arg8[%add3A_58, %dma_start3A_59] : memref<20x512xi32, #tpu.memory_space<vmem>> -> memref<1x512xi32, #tpu.memory_space<vmem>>
      %dma_start3A_61 = tpu.memref_squeeze %dma_start3A_60 : memref<1x512xi32, #tpu.memory_space<vmem>> -> memref<512xi32, #tpu.memory_space<vmem>>
      %dma_start3A_62 = arith.constant 0 : i32
      %dma_start3A_63 = arith.constant 0 : i32
      %dma_start3A_64 = tpu.memref_slice %arg14[%dma_start3A_62, %dma_start3A_63] : memref<10240x16xf32, #tpu.memory_space<vmem_shared>> -> memref<10240x16xf32, #tpu.memory_space<vmem_shared>>
      tpu.enqueue_indirect_dma source(%arg9 : memref<512x16xf32, #tpu.memory_space<vmem>>) target(%dma_start3A_64 : memref<10240x16xf32, #tpu.memory_space<vmem_shared>>) offsets(%dma_start3A_61 : memref<512xi32, #tpu.memory_space<vmem>>) semaphore(%arg15 : memref<!tpu.dma_semaphore, #tpu.memory_space<semaphore_mem>>) {add = true}
      %add3A_65 = arith.constant 1 : i32
      %add3A_66 = arith.addi %mul3A_49, %add3A_65 : i32
      %dma_wait3A_67 = arith.constant 0 : i32
      %dma_wait3A_68 = tpu.memref_slice %arg7[%add3A_66, %dma_wait3A_67] : memref<20x512xi32, #tpu.memory_space<vmem>> -> memref<1x512xi32, #tpu.memory_space<vmem>>
      %dma_wait3A_69 = tpu.memref_squeeze %dma_wait3A_68 : memref<1x512xi32, #tpu.memory_space<vmem>> -> memref<512xi32, #tpu.memory_space<vmem>>
      %dma_wait3A_70 = arith.constant 0 : i32
      %dma_wait3A_71 = arith.constant 0 : i32
      %dma_wait3A_72 = tpu.memref_slice %arg2[%dma_wait3A_70, %dma_wait3A_71] : memref<10000x16xf32, #tpu.memory_space<hbm>> -> memref<10000x16xf32, #tpu.memory_space<hbm>>
      tpu.wait_indirect_dma semaphore(%arg16 : memref<!tpu.dma_semaphore, #tpu.memory_space<semaphore_mem>>) src(%dma_wait3A_72 : memref<10000x16xf32, #tpu.memory_space<hbm>>) dst(%arg10 : memref<512x16xf32, #tpu.memory_space<vmem>>)
      %add3A_73 = arith.constant 1 : i32
      %add3A_74 = arith.addi %mul3A_49, %add3A_73 : i32
      %dma_start3A_75 = arith.constant 0 : i32
      %dma_start3A_76 = tpu.memref_slice %arg8[%add3A_74, %dma_start3A_75] : memref<20x512xi32, #tpu.memory_space<vmem>> -> memref<1x512xi32, #tpu.memory_space<vmem>>
      %dma_start3A_77 = tpu.memref_squeeze %dma_start3A_76 : memref<1x512xi32, #tpu.memory_space<vmem>> -> memref<512xi32, #tpu.memory_space<vmem>>
      %dma_start3A_78 = arith.constant 0 : i32
      %dma_start3A_79 = arith.constant 0 : i32
      %dma_start3A_80 = tpu.memref_slice %arg14[%dma_start3A_78, %dma_start3A_79] : memref<10240x16xf32, #tpu.memory_space<vmem_shared>> -> memref<10240x16xf32, #tpu.memory_space<vmem_shared>>
      tpu.enqueue_indirect_dma source(%arg10 : memref<512x16xf32, #tpu.memory_space<vmem>>) target(%dma_start3A_80 : memref<10240x16xf32, #tpu.memory_space<vmem_shared>>) offsets(%dma_start3A_77 : memref<512xi32, #tpu.memory_space<vmem>>) semaphore(%arg16 : memref<!tpu.dma_semaphore, #tpu.memory_space<semaphore_mem>>) {add = true}
      %add3A_81 = arith.constant 2 : i32
      %add3A_82 = arith.addi %mul3A_49, %add3A_81 : i32
      %dma_wait3A_83 = arith.constant 0 : i32
      %dma_wait3A_84 = tpu.memref_slice %arg7[%add3A_82, %dma_wait3A_83] : memref<20x512xi32, #tpu.memory_space<vmem>> -> memref<1x512xi32, #tpu.memory_space<vmem>>
      %dma_wait3A_85 = tpu.memref_squeeze %dma_wait3A_84 : memref<1x512xi32, #tpu.memory_space<vmem>> -> memref<512xi32, #tpu.memory_space<vmem>>
      %dma_wait3A_86 = arith.constant 0 : i32
      %dma_wait3A_87 = arith.constant 0 : i32
      %dma_wait3A_88 = tpu.memref_slice %arg2[%dma_wait3A_86, %dma_wait3A_87] : memref<10000x16xf32, #tpu.memory_space<hbm>> -> memref<10000x16xf32, #tpu.memory_space<hbm>>
      tpu.wait_indirect_dma semaphore(%arg17 : memref<!tpu.dma_semaphore, #tpu.memory_space<semaphore_mem>>) src(%dma_wait3A_88 : memref<10000x16xf32, #tpu.memory_space<hbm>>) dst(%arg11 : memref<512x16xf32, #tpu.memory_space<vmem>>)
      %add3A_89 = arith.constant 2 : i32
      %add3A_90 = arith.addi %mul3A_49, %add3A_89 : i32
      %dma_start3A_91 = arith.constant 0 : i32
      %dma_start3A_92 = tpu.memref_slice %arg8[%add3A_90, %dma_start3A_91] : memref<20x512xi32, #tpu.memory_space<vmem>> -> memref<1x512xi32, #tpu.memory_space<vmem>>
      %dma_start3A_93 = tpu.memref_squeeze %dma_start3A_92 : memref<1x512xi32, #tpu.memory_space<vmem>> -> memref<512xi32, #tpu.memory_space<vmem>>
      %dma_start3A_94 = arith.constant 0 : i32
      %dma_start3A_95 = arith.constant 0 : i32
      %dma_start3A_96 = tpu.memref_slice %arg14[%dma_start3A_94, %dma_start3A_95] : memref<10240x16xf32, #tpu.memory_space<vmem_shared>> -> memref<10240x16xf32, #tpu.memory_space<vmem_shared>>
      tpu.enqueue_indirect_dma source(%arg11 : memref<512x16xf32, #tpu.memory_space<vmem>>) target(%dma_start3A_96 : memref<10240x16xf32, #tpu.memory_space<vmem_shared>>) offsets(%dma_start3A_93 : memref<512xi32, #tpu.memory_space<vmem>>) semaphore(%arg17 : memref<!tpu.dma_semaphore, #tpu.memory_space<semaphore_mem>>) {add = true}
      %add3A_97 = arith.constant 3 : i32
      %add3A_98 = arith.addi %mul3A_49, %add3A_97 : i32
      %dma_wait3A_99 = arith.constant 0 : i32
      %dma_wait3A_100 = tpu.memref_slice %arg7[%add3A_98, %dma_wait3A_99] : memref<20x512xi32, #tpu.memory_space<vmem>> -> memref<1x512xi32, #tpu.memory_space<vmem>>
      %dma_wait3A_101 = tpu.memref_squeeze %dma_wait3A_100 : memref<1x512xi32, #tpu.memory_space<vmem>> -> memref<512xi32, #tpu.memory_space<vmem>>
      %dma_wait3A_102 = arith.constant 0 : i32
      %dma_wait3A_103 = arith.constant 0 : i32
      %dma_wait3A_104 = tpu.memref_slice %arg2[%dma_wait3A_102, %dma_wait3A_103] : memref<10000x16xf32, #tpu.memory_space<hbm>> -> memref<10000x16xf32, #tpu.memory_space<hbm>>
      tpu.wait_indirect_dma semaphore(%arg18 : memref<!tpu.dma_semaphore, #tpu.memory_space<semaphore_mem>>) src(%dma_wait3A_104 : memref<10000x16xf32, #tpu.memory_space<hbm>>) dst(%arg12 : memref<512x16xf32, #tpu.memory_space<vmem>>)
      %add3A_105 = arith.constant 3 : i32
      %add3A_106 = arith.addi %mul3A_49, %add3A_105 : i32
      %dma_start3A_107 = arith.constant 0 : i32
      %dma_start3A_108 = tpu.memref_slice %arg8[%add3A_106, %dma_start3A_107] : memref<20x512xi32, #tpu.memory_space<vmem>> -> memref<1x512xi32, #tpu.memory_space<vmem>>
      %dma_start3A_109 = tpu.memref_squeeze %dma_start3A_108 : memref<1x512xi32, #tpu.memory_space<vmem>> -> memref<512xi32, #tpu.memory_space<vmem>>
      %dma_start3A_110 = arith.constant 0 : i32
      %dma_start3A_111 = arith.constant 0 : i32
      %dma_start3A_112 = tpu.memref_slice %arg14[%dma_start3A_110, %dma_start3A_111] : memref<10240x16xf32, #tpu.memory_space<vmem_shared>> -> memref<10240x16xf32, #tpu.memory_space<vmem_shared>>
      tpu.enqueue_indirect_dma source(%arg12 : memref<512x16xf32, #tpu.memory_space<vmem>>) target(%dma_start3A_112 : memref<10240x16xf32, #tpu.memory_space<vmem_shared>>) offsets(%dma_start3A_109 : memref<512xi32, #tpu.memory_space<vmem>>) semaphore(%arg18 : memref<!tpu.dma_semaphore, #tpu.memory_space<semaphore_mem>>) {add = true}
      %add3A_113 = arith.constant 4 : i32
      %add3A_114 = arith.addi %mul3A_49, %add3A_113 : i32
      %dma_wait3A_115 = arith.constant 0 : i32
      %dma_wait3A_116 = tpu.memref_slice %arg7[%add3A_114, %dma_wait3A_115] : memref<20x512xi32, #tpu.memory_space<vmem>> -> memref<1x512xi32, #tpu.memory_space<vmem>>
      %dma_wait3A_117 = tpu.memref_squeeze %dma_wait3A_116 : memref<1x512xi32, #tpu.memory_space<vmem>> -> memref<512xi32, #tpu.memory_space<vmem>>
      %dma_wait3A_118 = arith.constant 0 : i32
      %dma_wait3A_119 = arith.constant 0 : i32
      %dma_wait3A_120 = tpu.memref_slice %arg2[%dma_wait3A_118, %dma_wait3A_119] : memref<10000x16xf32, #tpu.memory_space<hbm>> -> memref<10000x16xf32, #tpu.memory_space<hbm>>
      tpu.wait_indirect_dma semaphore(%arg19 : memref<!tpu.dma_semaphore, #tpu.memory_space<semaphore_mem>>) src(%dma_wait3A_120 : memref<10000x16xf32, #tpu.memory_space<hbm>>) dst(%arg13 : memref<512x16xf32, #tpu.memory_space<vmem>>)
      %add3A_121 = arith.constant 4 : i32
      %add3A_122 = arith.addi %mul3A_49, %add3A_121 : i32
      %dma_start3A_123 = arith.constant 0 : i32
      %dma_start3A_124 = tpu.memref_slice %arg8[%add3A_122, %dma_start3A_123] : memref<20x512xi32, #tpu.memory_space<vmem>> -> memref<1x512xi32, #tpu.memory_space<vmem>>
      %dma_start3A_125 = tpu.memref_squeeze %dma_start3A_124 : memref<1x512xi32, #tpu.memory_space<vmem>> -> memref<512xi32, #tpu.memory_space<vmem>>
      %dma_start3A_126 = arith.constant 0 : i32
      %dma_start3A_127 = arith.constant 0 : i32
      %dma_start3A_128 = tpu.memref_slice %arg14[%dma_start3A_126, %dma_start3A_127] : memref<10240x16xf32, #tpu.memory_space<vmem_shared>> -> memref<10240x16xf32, #tpu.memory_space<vmem_shared>>
      tpu.enqueue_indirect_dma source(%arg13 : memref<512x16xf32, #tpu.memory_space<vmem>>) target(%dma_start3A_128 : memref<10240x16xf32, #tpu.memory_space<vmem_shared>>) offsets(%dma_start3A_125 : memref<512xi32, #tpu.memory_space<vmem>>) semaphore(%arg19 : memref<!tpu.dma_semaphore, #tpu.memory_space<semaphore_mem>>) {add = true}
      %dma_wait3A_129 = arith.constant 0 : i32
      %dma_wait3A_130 = tpu.memref_slice %arg8[%add3A_58, %dma_wait3A_129] : memref<20x512xi32, #tpu.memory_space<vmem>> -> memref<1x512xi32, #tpu.memory_space<vmem>>
      %dma_wait3A_131 = tpu.memref_squeeze %dma_wait3A_130 : memref<1x512xi32, #tpu.memory_space<vmem>> -> memref<512xi32, #tpu.memory_space<vmem>>
      %dma_wait3A_132 = arith.constant 0 : i32
      %dma_wait3A_133 = arith.constant 0 : i32
      %dma_wait3A_134 = tpu.memref_slice %arg14[%dma_wait3A_132, %dma_wait3A_133] : memref<10240x16xf32, #tpu.memory_space<vmem_shared>> -> memref<10240x16xf32, #tpu.memory_space<vmem_shared>>
      tpu.wait_indirect_dma semaphore(%arg15 : memref<!tpu.dma_semaphore, #tpu.memory_space<semaphore_mem>>) src(%arg9 : memref<512x16xf32, #tpu.memory_space<vmem>>) dst(%dma_wait3A_134 : memref<10240x16xf32, #tpu.memory_space<vmem_shared>>)
      %lt3A = arith.constant 3 : i32
      %lt3A_135 = arith.cmpi slt, %scan3A_47, %lt3A : i32
      %convert_element_type3A = arith.extui %lt3A_135 : i1 to i32
      %cond3A = arith.constant 0 : i32
      %cond3A_136 = arith.cmpi ne, %convert_element_type3A, %cond3A : i32
      scf.if %cond3A_136 {
        %add3A_181 = arith.constant 5 : i32
        %add3A_182 = arith.addi %mul3A_49, %add3A_181 : i32
        %add3A_183 = arith.constant 0 : i32
        %add3A_184 = arith.addi %add3A_182, %add3A_183 : i32
        %dma_start3A_185 = arith.constant 0 : i32
        %dma_start3A_186 = tpu.memref_slice %arg7[%add3A_184, %dma_start3A_185] : memref<20x512xi32, #tpu.memory_space<vmem>> -> memref<1x512xi32, #tpu.memory_space<vmem>>
        %dma_start3A_187 = tpu.memref_squeeze %dma_start3A_186 : memref<1x512xi32, #tpu.memory_space<vmem>> -> memref<512xi32, #tpu.memory_space<vmem>>
        %dma_start3A_188 = arith.constant 0 : i32
        %dma_start3A_189 = arith.constant 0 : i32
        %dma_start3A_190 = tpu.memref_slice %arg2[%dma_start3A_188, %dma_start3A_189] : memref<10000x16xf32, #tpu.memory_space<hbm>> -> memref<10000x16xf32, #tpu.memory_space<hbm>>
        tpu.enqueue_indirect_dma source(%dma_start3A_190 : memref<10000x16xf32, #tpu.memory_space<hbm>>) target(%arg9 : memref<512x16xf32, #tpu.memory_space<vmem>>) offsets(%dma_start3A_187 : memref<512xi32, #tpu.memory_space<vmem>>) semaphore(%arg15 : memref<!tpu.dma_semaphore, #tpu.memory_space<semaphore_mem>>)
      } else {
      }
      %dma_wait3A_137 = arith.constant 0 : i32
      %dma_wait3A_138 = tpu.memref_slice %arg8[%add3A_74, %dma_wait3A_137] : memref<20x512xi32, #tpu.memory_space<vmem>> -> memref<1x512xi32, #tpu.memory_space<vmem>>
      %dma_wait3A_139 = tpu.memref_squeeze %dma_wait3A_138 : memref<1x512xi32, #tpu.memory_space<vmem>> -> memref<512xi32, #tpu.memory_space<vmem>>
      %dma_wait3A_140 = arith.constant 0 : i32
      %dma_wait3A_141 = arith.constant 0 : i32
      %dma_wait3A_142 = tpu.memref_slice %arg14[%dma_wait3A_140, %dma_wait3A_141] : memref<10240x16xf32, #tpu.memory_space<vmem_shared>> -> memref<10240x16xf32, #tpu.memory_space<vmem_shared>>
      tpu.wait_indirect_dma semaphore(%arg16 : memref<!tpu.dma_semaphore, #tpu.memory_space<semaphore_mem>>) src(%arg10 : memref<512x16xf32, #tpu.memory_space<vmem>>) dst(%dma_wait3A_142 : memref<10240x16xf32, #tpu.memory_space<vmem_shared>>)
      %lt3A_143 = arith.constant 3 : i32
      %lt3A_144 = arith.cmpi slt, %scan3A_47, %lt3A_143 : i32
      %convert_element_type3A_145 = arith.extui %lt3A_144 : i1 to i32
      %cond3A_146 = arith.constant 0 : i32
      %cond3A_147 = arith.cmpi ne, %convert_element_type3A_145, %cond3A_146 : i32
      scf.if %cond3A_147 {
        %add3A_181 = arith.constant 5 : i32
        %add3A_182 = arith.addi %mul3A_49, %add3A_181 : i32
        %add3A_183 = arith.constant 1 : i32
        %add3A_184 = arith.addi %add3A_182, %add3A_183 : i32
        %dma_start3A_185 = arith.constant 0 : i32
        %dma_start3A_186 = tpu.memref_slice %arg7[%add3A_184, %dma_start3A_185] : memref<20x512xi32, #tpu.memory_space<vmem>> -> memref<1x512xi32, #tpu.memory_space<vmem>>
        %dma_start3A_187 = tpu.memref_squeeze %dma_start3A_186 : memref<1x512xi32, #tpu.memory_space<vmem>> -> memref<512xi32, #tpu.memory_space<vmem>>
        %dma_start3A_188 = arith.constant 0 : i32
        %dma_start3A_189 = arith.constant 0 : i32
        %dma_start3A_190 = tpu.memref_slice %arg2[%dma_start3A_188, %dma_start3A_189] : memref<10000x16xf32, #tpu.memory_space<hbm>> -> memref<10000x16xf32, #tpu.memory_space<hbm>>
        tpu.enqueue_indirect_dma source(%dma_start3A_190 : memref<10000x16xf32, #tpu.memory_space<hbm>>) target(%arg10 : memref<512x16xf32, #tpu.memory_space<vmem>>) offsets(%dma_start3A_187 : memref<512xi32, #tpu.memory_space<vmem>>) semaphore(%arg16 : memref<!tpu.dma_semaphore, #tpu.memory_space<semaphore_mem>>)
      } else {
      }
      %dma_wait3A_148 = arith.constant 0 : i32
      %dma_wait3A_149 = tpu.memref_slice %arg8[%add3A_90, %dma_wait3A_148] : memref<20x512xi32, #tpu.memory_space<vmem>> -> memref<1x512xi32, #tpu.memory_space<vmem>>
      %dma_wait3A_150 = tpu.memref_squeeze %dma_wait3A_149 : memref<1x512xi32, #tpu.memory_space<vmem>> -> memref<512xi32, #tpu.memory_space<vmem>>
      %dma_wait3A_151 = arith.constant 0 : i32
      %dma_wait3A_152 = arith.constant 0 : i32
      %dma_wait3A_153 = tpu.memref_slice %arg14[%dma_wait3A_151, %dma_wait3A_152] : memref<10240x16xf32, #tpu.memory_space<vmem_shared>> -> memref<10240x16xf32, #tpu.memory_space<vmem_shared>>
      tpu.wait_indirect_dma semaphore(%arg17 : memref<!tpu.dma_semaphore, #tpu.memory_space<semaphore_mem>>) src(%arg11 : memref<512x16xf32, #tpu.memory_space<vmem>>) dst(%dma_wait3A_153 : memref<10240x16xf32, #tpu.memory_space<vmem_shared>>)
      %lt3A_154 = arith.constant 3 : i32
      %lt3A_155 = arith.cmpi slt, %scan3A_47, %lt3A_154 : i32
      %convert_element_type3A_156 = arith.extui %lt3A_155 : i1 to i32
      %cond3A_157 = arith.constant 0 : i32
      %cond3A_158 = arith.cmpi ne, %convert_element_type3A_156, %cond3A_157 : i32
      scf.if %cond3A_158 {
        %add3A_181 = arith.constant 5 : i32
        %add3A_182 = arith.addi %mul3A_49, %add3A_181 : i32
        %add3A_183 = arith.constant 2 : i32
        %add3A_184 = arith.addi %add3A_182, %add3A_183 : i32
        %dma_start3A_185 = arith.constant 0 : i32
        %dma_start3A_186 = tpu.memref_slice %arg7[%add3A_184, %dma_start3A_185] : memref<20x512xi32, #tpu.memory_space<vmem>> -> memref<1x512xi32, #tpu.memory_space<vmem>>
        %dma_start3A_187 = tpu.memref_squeeze %dma_start3A_186 : memref<1x512xi32, #tpu.memory_space<vmem>> -> memref<512xi32, #tpu.memory_space<vmem>>
        %dma_start3A_188 = arith.constant 0 : i32
        %dma_start3A_189 = arith.constant 0 : i32
        %dma_start3A_190 = tpu.memref_slice %arg2[%dma_start3A_188, %dma_start3A_189] : memref<10000x16xf32, #tpu.memory_space<hbm>> -> memref<10000x16xf32, #tpu.memory_space<hbm>>
        tpu.enqueue_indirect_dma source(%dma_start3A_190 : memref<10000x16xf32, #tpu.memory_space<hbm>>) target(%arg11 : memref<512x16xf32, #tpu.memory_space<vmem>>) offsets(%dma_start3A_187 : memref<512xi32, #tpu.memory_space<vmem>>) semaphore(%arg17 : memref<!tpu.dma_semaphore, #tpu.memory_space<semaphore_mem>>)
      } else {
      }
      %dma_wait3A_159 = arith.constant 0 : i32
      %dma_wait3A_160 = tpu.memref_slice %arg8[%add3A_106, %dma_wait3A_159] : memref<20x512xi32, #tpu.memory_space<vmem>> -> memref<1x512xi32, #tpu.memory_space<vmem>>
      %dma_wait3A_161 = tpu.memref_squeeze %dma_wait3A_160 : memref<1x512xi32, #tpu.memory_space<vmem>> -> memref<512xi32, #tpu.memory_space<vmem>>
      %dma_wait3A_162 = arith.constant 0 : i32
      %dma_wait3A_163 = arith.constant 0 : i32
      %dma_wait3A_164 = tpu.memref_slice %arg14[%dma_wait3A_162, %dma_wait3A_163] : memref<10240x16xf32, #tpu.memory_space<vmem_shared>> -> memref<10240x16xf32, #tpu.memory_space<vmem_shared>>
      tpu.wait_indirect_dma semaphore(%arg18 : memref<!tpu.dma_semaphore, #tpu.memory_space<semaphore_mem>>) src(%arg12 : memref<512x16xf32, #tpu.memory_space<vmem>>) dst(%dma_wait3A_164 : memref<10240x16xf32, #tpu.memory_space<vmem_shared>>)
      %lt3A_165 = arith.constant 3 : i32
      %lt3A_166 = arith.cmpi slt, %scan3A_47, %lt3A_165 : i32
      %convert_element_type3A_167 = arith.extui %lt3A_166 : i1 to i32
      %cond3A_168 = arith.constant 0 : i32
      %cond3A_169 = arith.cmpi ne, %convert_element_type3A_167, %cond3A_168 : i32
      scf.if %cond3A_169 {
        %add3A_181 = arith.constant 5 : i32
        %add3A_182 = arith.addi %mul3A_49, %add3A_181 : i32
        %add3A_183 = arith.constant 3 : i32
        %add3A_184 = arith.addi %add3A_182, %add3A_183 : i32
        %dma_start3A_185 = arith.constant 0 : i32
        %dma_start3A_186 = tpu.memref_slice %arg7[%add3A_184, %dma_start3A_185] : memref<20x512xi32, #tpu.memory_space<vmem>> -> memref<1x512xi32, #tpu.memory_space<vmem>>
        %dma_start3A_187 = tpu.memref_squeeze %dma_start3A_186 : memref<1x512xi32, #tpu.memory_space<vmem>> -> memref<512xi32, #tpu.memory_space<vmem>>
        %dma_start3A_188 = arith.constant 0 : i32
        %dma_start3A_189 = arith.constant 0 : i32
        %dma_start3A_190 = tpu.memref_slice %arg2[%dma_start3A_188, %dma_start3A_189] : memref<10000x16xf32, #tpu.memory_space<hbm>> -> memref<10000x16xf32, #tpu.memory_space<hbm>>
        tpu.enqueue_indirect_dma source(%dma_start3A_190 : memref<10000x16xf32, #tpu.memory_space<hbm>>) target(%arg12 : memref<512x16xf32, #tpu.memory_space<vmem>>) offsets(%dma_start3A_187 : memref<512xi32, #tpu.memory_space<vmem>>) semaphore(%arg18 : memref<!tpu.dma_semaphore, #tpu.memory_space<semaphore_mem>>)
      } else {
      }
      %dma_wait3A_170 = arith.constant 0 : i32
      %dma_wait3A_171 = tpu.memref_slice %arg8[%add3A_122, %dma_wait3A_170] : memref<20x512xi32, #tpu.memory_space<vmem>> -> memref<1x512xi32, #tpu.memory_space<vmem>>
      %dma_wait3A_172 = tpu.memref_squeeze %dma_wait3A_171 : memref<1x512xi32, #tpu.memory_space<vmem>> -> memref<512xi32, #tpu.memory_space<vmem>>
      %dma_wait3A_173 = arith.constant 0 : i32
      %dma_wait3A_174 = arith.constant 0 : i32
      %dma_wait3A_175 = tpu.memref_slice %arg14[%dma_wait3A_173, %dma_wait3A_174] : memref<10240x16xf32, #tpu.memory_space<vmem_shared>> -> memref<10240x16xf32, #tpu.memory_space<vmem_shared>>
      tpu.wait_indirect_dma semaphore(%arg19 : memref<!tpu.dma_semaphore, #tpu.memory_space<semaphore_mem>>) src(%arg13 : memref<512x16xf32, #tpu.memory_space<vmem>>) dst(%dma_wait3A_175 : memref<10240x16xf32, #tpu.memory_space<vmem_shared>>)
      %lt3A_176 = arith.constant 3 : i32
      %lt3A_177 = arith.cmpi slt, %scan3A_47, %lt3A_176 : i32
      %convert_element_type3A_178 = arith.extui %lt3A_177 : i1 to i32
      %cond3A_179 = arith.constant 0 : i32
      %cond3A_180 = arith.cmpi ne, %convert_element_type3A_178, %cond3A_179 : i32
      scf.if %cond3A_180 {
        %add3A_181 = arith.constant 5 : i32
        %add3A_182 = arith.addi %mul3A_49, %add3A_181 : i32
        %add3A_183 = arith.constant 4 : i32
        %add3A_184 = arith.addi %add3A_182, %add3A_183 : i32
        %dma_start3A_185 = arith.constant 0 : i32
        %dma_start3A_186 = tpu.memref_slice %arg7[%add3A_184, %dma_start3A_185] : memref<20x512xi32, #tpu.memory_space<vmem>> -> memref<1x512xi32, #tpu.memory_space<vmem>>
        %dma_start3A_187 = tpu.memref_squeeze %dma_start3A_186 : memref<1x512xi32, #tpu.memory_space<vmem>> -> memref<512xi32, #tpu.memory_space<vmem>>
        %dma_start3A_188 = arith.constant 0 : i32
        %dma_start3A_189 = arith.constant 0 : i32
        %dma_start3A_190 = tpu.memref_slice %arg2[%dma_start3A_188, %dma_start3A_189] : memref<10000x16xf32, #tpu.memory_space<hbm>> -> memref<10000x16xf32, #tpu.memory_space<hbm>>
        tpu.enqueue_indirect_dma source(%dma_start3A_190 : memref<10000x16xf32, #tpu.memory_space<hbm>>) target(%arg13 : memref<512x16xf32, #tpu.memory_space<vmem>>) offsets(%dma_start3A_187 : memref<512xi32, #tpu.memory_space<vmem>>) semaphore(%arg19 : memref<!tpu.dma_semaphore, #tpu.memory_space<semaphore_mem>>)
      } else {
      }
    }
    %scan3A_41 = arith.constant 4 : i32
    %barrier3A_42 = arith.constant 0 : index
    tpu.barrier barrier_id(%barrier3A_42)
    %mul3A_43 = arith.constant 640 : i32
    %mul3A_44 = arith.muli %arg1, %mul3A_43 : i32
    %mul3A_45 = arith.constant 640 : i32
    %mul3A_46 = arith.muli %arg1, %mul3A_45 : i32
    "tpu.region"() ({
      %run_scoped3A = tpu.sem_alloc : memref<!tpu.dma_semaphore, #tpu.memory_space<semaphore_mem>>
      %dma_start3A_47 = arith.constant 0 : i32
      %dma_start3A_48 = tpu.memref_slice %arg6[%arg0, %mul3A_46, %dma_start3A_47] : memref<2x10240x16xf32, #tpu.memory_space<hbm>> -> memref<1x640x16xf32, #tpu.memory_space<hbm>>
      %dma_start3A_49 = tpu.memref_squeeze %dma_start3A_48 : memref<1x640x16xf32, #tpu.memory_space<hbm>> -> memref<640x16xf32, #tpu.memory_space<hbm>>
      %dma_start3A_50 = arith.constant 0 : i32
      %dma_start3A_51 = tpu.memref_slice %arg14[%mul3A_44, %dma_start3A_50] : memref<10240x16xf32, #tpu.memory_space<vmem_shared>> -> memref<640x16xf32, #tpu.memory_space<vmem_shared>>
      tpu.enqueue_dma source(%dma_start3A_51 : memref<640x16xf32, #tpu.memory_space<vmem_shared>>) target(%dma_start3A_49 : memref<640x16xf32, #tpu.memory_space<hbm>>) target_semaphore(%run_scoped3A : memref<!tpu.dma_semaphore, #tpu.memory_space<semaphore_mem>>)
      %dma_wait3A = arith.constant 0 : i32
      %dma_wait3A_52 = tpu.memref_slice %arg6[%arg0, %mul3A_46, %dma_wait3A] : memref<2x10240x16xf32, #tpu.memory_space<hbm>> -> memref<1x640x16xf32, #tpu.memory_space<hbm>>
      %dma_wait3A_53 = tpu.memref_squeeze %dma_wait3A_52 : memref<1x640x16xf32, #tpu.memory_space<hbm>> -> memref<640x16xf32, #tpu.memory_space<hbm>>
      %dma_wait3A_54 = arith.constant 0 : i32
      %dma_wait3A_55 = tpu.memref_slice %arg14[%mul3A_44, %dma_wait3A_54] : memref<10240x16xf32, #tpu.memory_space<vmem_shared>> -> memref<640x16xf32, #tpu.memory_space<vmem_shared>>
      tpu.wait_dma2 semaphore(%run_scoped3A : memref<!tpu.dma_semaphore, #tpu.memory_space<semaphore_mem>>) src(%dma_wait3A_55 : memref<640x16xf32, #tpu.memory_space<vmem_shared>>) dst(%dma_wait3A_53 : memref<640x16xf32, #tpu.memory_space<hbm>>)
      tpu.yield
    }) : () -> ()
    return
  }
}

#map = affine_map<(d0, d1) -> (0, 0)>
#map1 = affine_map<(d0, d1) -> (0, 0, 0)>
module attributes {stable_mosaic.version = 14 : i64} {
  func.func @_deg_agg(%arg0: i32, %arg1: i32, %arg2: memref<512x16xf32, #tpu.memory_space<hbm>>, %arg3: memref<32x20x512xi32, #tpu.memory_space<hbm>>, %arg4: memref<640x16xf32, #tpu.memory_space<hbm>>, %arg5: memref<2x10240x16xf32, #tpu.memory_space<hbm>>, %arg6: memref<20x512xi32, #tpu.memory_space<vmem>>, %arg7: memref<512x16xf32, #tpu.memory_space<vmem>>, %arg8: memref<10240x16xf32, #tpu.memory_space<vmem_shared>>, %arg9: memref<!tpu.dma_semaphore, #tpu.memory_space<semaphore_mem>>) attributes {dimension_semantics = [#tpu.dimension_semantics<core_parallel>, #tpu.dimension_semantics<subcore_parallel>], iteration_bounds = array<i64: 2, 16>, scalar_prefetch = 0 : i64, scratch_operands = 4 : i64, tpu.core_type = #tpu.core_type<sc_vector_subcore>, window_params = [{transform_indices = #map}, {transform_indices = #map1}, {transform_indices = #map}, {transform_indices = #map1}]} {
    %mul3A = arith.constant 2 : i32
    %mul3A_0 = arith.muli %arg1, %mul3A : i32
    %add3A = arith.addi %mul3A_0, %arg0 : i32
    "tpu.region"() ({
      %run_scoped3A = tpu.sem_alloc : memref<!tpu.dma_semaphore, #tpu.memory_space<semaphore_mem>>
      tpu.enqueue_dma source(%arg2 : memref<512x16xf32, #tpu.memory_space<hbm>>) target(%arg7 : memref<512x16xf32, #tpu.memory_space<vmem>>) target_semaphore(%run_scoped3A : memref<!tpu.dma_semaphore, #tpu.memory_space<semaphore_mem>>)
      tpu.wait_dma2 semaphore(%run_scoped3A : memref<!tpu.dma_semaphore, #tpu.memory_space<semaphore_mem>>) src(%arg2 : memref<512x16xf32, #tpu.memory_space<hbm>>) dst(%arg7 : memref<512x16xf32, #tpu.memory_space<vmem>>)
      tpu.yield
    }) : () -> ()
    "tpu.region"() ({
      %run_scoped3A = tpu.sem_alloc : memref<!tpu.dma_semaphore, #tpu.memory_space<semaphore_mem>>
      %dma_start3A = arith.constant 0 : i32
      %dma_start3A_19 = arith.constant 0 : i32
      %dma_start3A_20 = tpu.memref_slice %arg3[%add3A, %dma_start3A, %dma_start3A_19] : memref<32x20x512xi32, #tpu.memory_space<hbm>> -> memref<1x20x512xi32, #tpu.memory_space<hbm>>
      %dma_start3A_21 = tpu.memref_squeeze %dma_start3A_20 : memref<1x20x512xi32, #tpu.memory_space<hbm>> -> memref<20x512xi32, #tpu.memory_space<hbm>>
      %dma_start3A_22 = arith.constant 0 : i32
      %dma_start3A_23 = arith.constant 0 : i32
      %dma_start3A_24 = tpu.memref_slice %arg3[%add3A, %dma_start3A_22, %dma_start3A_23] : memref<32x20x512xi32, #tpu.memory_space<hbm>> -> memref<1x20x512xi32, #tpu.memory_space<hbm>>
      %dma_start3A_25 = tpu.memref_squeeze %dma_start3A_24 : memref<1x20x512xi32, #tpu.memory_space<hbm>> -> memref<20x512xi32, #tpu.memory_space<hbm>>
      tpu.enqueue_dma source(%dma_start3A_25 : memref<20x512xi32, #tpu.memory_space<hbm>>) target(%arg6 : memref<20x512xi32, #tpu.memory_space<vmem>>) target_semaphore(%run_scoped3A : memref<!tpu.dma_semaphore, #tpu.memory_space<semaphore_mem>>)
      %dma_wait3A = arith.constant 0 : i32
      %dma_wait3A_26 = arith.constant 0 : i32
      %dma_wait3A_27 = tpu.memref_slice %arg3[%add3A, %dma_wait3A, %dma_wait3A_26] : memref<32x20x512xi32, #tpu.memory_space<hbm>> -> memref<1x20x512xi32, #tpu.memory_space<hbm>>
      %dma_wait3A_28 = tpu.memref_squeeze %dma_wait3A_27 : memref<1x20x512xi32, #tpu.memory_space<hbm>> -> memref<20x512xi32, #tpu.memory_space<hbm>>
      %dma_wait3A_29 = arith.constant 0 : i32
      %dma_wait3A_30 = arith.constant 0 : i32
      %dma_wait3A_31 = tpu.memref_slice %arg3[%add3A, %dma_wait3A_29, %dma_wait3A_30] : memref<32x20x512xi32, #tpu.memory_space<hbm>> -> memref<1x20x512xi32, #tpu.memory_space<hbm>>
      %dma_wait3A_32 = tpu.memref_squeeze %dma_wait3A_31 : memref<1x20x512xi32, #tpu.memory_space<hbm>> -> memref<20x512xi32, #tpu.memory_space<hbm>>
      tpu.wait_dma2 semaphore(%run_scoped3A : memref<!tpu.dma_semaphore, #tpu.memory_space<semaphore_mem>>) src(%dma_wait3A_32 : memref<20x512xi32, #tpu.memory_space<hbm>>) dst(%arg6 : memref<20x512xi32, #tpu.memory_space<vmem>>)
      tpu.yield
    }) : () -> ()
    %mul3A_1 = arith.constant 640 : i32
    %mul3A_2 = arith.muli %arg1, %mul3A_1 : i32
    "tpu.region"() ({
      %run_scoped3A = tpu.sem_alloc : memref<!tpu.dma_semaphore, #tpu.memory_space<semaphore_mem>>
      %dma_start3A = arith.constant 0 : i32
      %dma_start3A_19 = tpu.memref_slice %arg8[%mul3A_2, %dma_start3A] : memref<10240x16xf32, #tpu.memory_space<vmem_shared>> -> memref<640x16xf32, #tpu.memory_space<vmem_shared>>
      tpu.enqueue_dma source(%arg4 : memref<640x16xf32, #tpu.memory_space<hbm>>) target(%dma_start3A_19 : memref<640x16xf32, #tpu.memory_space<vmem_shared>>) target_semaphore(%run_scoped3A : memref<!tpu.dma_semaphore, #tpu.memory_space<semaphore_mem>>)
      %dma_wait3A = arith.constant 0 : i32
      %dma_wait3A_20 = tpu.memref_slice %arg8[%mul3A_2, %dma_wait3A] : memref<10240x16xf32, #tpu.memory_space<vmem_shared>> -> memref<640x16xf32, #tpu.memory_space<vmem_shared>>
      tpu.wait_dma2 semaphore(%run_scoped3A : memref<!tpu.dma_semaphore, #tpu.memory_space<semaphore_mem>>) src(%arg4 : memref<640x16xf32, #tpu.memory_space<hbm>>) dst(%dma_wait3A_20 : memref<640x16xf32, #tpu.memory_space<vmem_shared>>)
      tpu.yield
    }) : () -> ()
    %barrier3A = arith.constant 0 : index
    tpu.barrier barrier_id(%barrier3A)
    %scan3A = arith.constant 0 : i32
    %scan3A_3 = arith.constant 0 : i32
    %scan3A_4 = arith.constant 20 : i32
    %scan3A_5 = arith.addi %scan3A_3, %scan3A_4 : i32
    %scan3A_6 = arith.constant 1 : i32
    scf.for %scan3A_19 = %scan3A_3 to %scan3A_5 step %scan3A_6  : i32 {
      %dma_start3A = arith.constant 0 : i32
      %dma_start3A_20 = tpu.memref_slice %arg6[%scan3A_19, %dma_start3A] : memref<20x512xi32, #tpu.memory_space<vmem>> -> memref<1x512xi32, #tpu.memory_space<vmem>>
      %dma_start3A_21 = tpu.memref_squeeze %dma_start3A_20 : memref<1x512xi32, #tpu.memory_space<vmem>> -> memref<512xi32, #tpu.memory_space<vmem>>
      %dma_start3A_22 = arith.constant 0 : i32
      %dma_start3A_23 = arith.constant 0 : i32
      %dma_start3A_24 = tpu.memref_slice %arg8[%dma_start3A_22, %dma_start3A_23] : memref<10240x16xf32, #tpu.memory_space<vmem_shared>> -> memref<10240x16xf32, #tpu.memory_space<vmem_shared>>
      tpu.enqueue_indirect_dma source(%arg7 : memref<512x16xf32, #tpu.memory_space<vmem>>) target(%dma_start3A_24 : memref<10240x16xf32, #tpu.memory_space<vmem_shared>>) offsets(%dma_start3A_21 : memref<512xi32, #tpu.memory_space<vmem>>) semaphore(%arg9 : memref<!tpu.dma_semaphore, #tpu.memory_space<semaphore_mem>>) {add = true}
    }
    %scan3A_7 = arith.constant 20 : i32
    %scan3A_8 = arith.constant 0 : i32
    %scan3A_9 = arith.constant 0 : i32
    %scan3A_10 = arith.constant 20 : i32
    %scan3A_11 = arith.addi %scan3A_9, %scan3A_10 : i32
    %scan3A_12 = arith.constant 1 : i32
    scf.for %scan3A_19 = %scan3A_9 to %scan3A_11 step %scan3A_12  : i32 {
      %dma_wait3A = arith.constant 0 : i32
      %dma_wait3A_20 = tpu.memref_slice %arg6[%scan3A_19, %dma_wait3A] : memref<20x512xi32, #tpu.memory_space<vmem>> -> memref<1x512xi32, #tpu.memory_space<vmem>>
      %dma_wait3A_21 = tpu.memref_squeeze %dma_wait3A_20 : memref<1x512xi32, #tpu.memory_space<vmem>> -> memref<512xi32, #tpu.memory_space<vmem>>
      %dma_wait3A_22 = arith.constant 0 : i32
      %dma_wait3A_23 = arith.constant 0 : i32
      %dma_wait3A_24 = tpu.memref_slice %arg8[%dma_wait3A_22, %dma_wait3A_23] : memref<10240x16xf32, #tpu.memory_space<vmem_shared>> -> memref<10240x16xf32, #tpu.memory_space<vmem_shared>>
      tpu.wait_indirect_dma semaphore(%arg9 : memref<!tpu.dma_semaphore, #tpu.memory_space<semaphore_mem>>) src(%arg7 : memref<512x16xf32, #tpu.memory_space<vmem>>) dst(%dma_wait3A_24 : memref<10240x16xf32, #tpu.memory_space<vmem_shared>>)
    }
    %scan3A_13 = arith.constant 20 : i32
    %barrier3A_14 = arith.constant 0 : index
    tpu.barrier barrier_id(%barrier3A_14)
    %mul3A_15 = arith.constant 640 : i32
    %mul3A_16 = arith.muli %arg1, %mul3A_15 : i32
    %mul3A_17 = arith.constant 640 : i32
    %mul3A_18 = arith.muli %arg1, %mul3A_17 : i32
    "tpu.region"() ({
      %run_scoped3A = tpu.sem_alloc : memref<!tpu.dma_semaphore, #tpu.memory_space<semaphore_mem>>
      %dma_start3A = arith.constant 0 : i32
      %dma_start3A_19 = tpu.memref_slice %arg5[%arg0, %mul3A_18, %dma_start3A] : memref<2x10240x16xf32, #tpu.memory_space<hbm>> -> memref<1x640x16xf32, #tpu.memory_space<hbm>>
      %dma_start3A_20 = tpu.memref_squeeze %dma_start3A_19 : memref<1x640x16xf32, #tpu.memory_space<hbm>> -> memref<640x16xf32, #tpu.memory_space<hbm>>
      %dma_start3A_21 = arith.constant 0 : i32
      %dma_start3A_22 = tpu.memref_slice %arg8[%mul3A_16, %dma_start3A_21] : memref<10240x16xf32, #tpu.memory_space<vmem_shared>> -> memref<640x16xf32, #tpu.memory_space<vmem_shared>>
      tpu.enqueue_dma source(%dma_start3A_22 : memref<640x16xf32, #tpu.memory_space<vmem_shared>>) target(%dma_start3A_20 : memref<640x16xf32, #tpu.memory_space<hbm>>) target_semaphore(%run_scoped3A : memref<!tpu.dma_semaphore, #tpu.memory_space<semaphore_mem>>)
      %dma_wait3A = arith.constant 0 : i32
      %dma_wait3A_23 = tpu.memref_slice %arg5[%arg0, %mul3A_18, %dma_wait3A] : memref<2x10240x16xf32, #tpu.memory_space<hbm>> -> memref<1x640x16xf32, #tpu.memory_space<hbm>>
      %dma_wait3A_24 = tpu.memref_squeeze %dma_wait3A_23 : memref<1x640x16xf32, #tpu.memory_space<hbm>> -> memref<640x16xf32, #tpu.memory_space<hbm>>
      %dma_wait3A_25 = arith.constant 0 : i32
      %dma_wait3A_26 = tpu.memref_slice %arg8[%mul3A_16, %dma_wait3A_25] : memref<10240x16xf32, #tpu.memory_space<vmem_shared>> -> memref<640x16xf32, #tpu.memory_space<vmem_shared>>
      tpu.wait_dma2 semaphore(%run_scoped3A : memref<!tpu.dma_semaphore, #tpu.memory_space<semaphore_mem>>) src(%dma_wait3A_26 : memref<640x16xf32, #tpu.memory_space<vmem_shared>>) dst(%dma_wait3A_24 : memref<640x16xf32, #tpu.memory_space<hbm>>)
      tpu.yield
    }) : () -> ()
    return
  }
}

module attributes {stable_mosaic.version = 14 : i64} {
  func.func @_tc_b_body(%arg0: memref<10000x1xf32, #tpu.memory_space<vmem>>, %arg1: memref<10000x1xf32, #tpu.memory_space<vmem>>, %arg2: memref<10000x128xf32, #tpu.memory_space<vmem>>, %arg3: memref<128x128xf32, #tpu.memory_space<vmem>>, %arg4: memref<10000x128xf32, #tpu.memory_space<vmem>>, %arg5: memref<2x10000x64xf32, #tpu.memory_space<vmem>>, %arg6: memref<10000x1xf32, #tpu.memory_space<vmem>>) attributes {dimension_semantics = [], scalar_prefetch = 0 : i64, scratch_operands = 0 : i64, tpu.core_type = #tpu.core_type<tc>} {
    %get3A = arith.constant 0 : index
    %get3A_0 = arith.constant 0 : index
    %get3A_1 = vector.load %arg0[%get3A, %get3A_0] : memref<10000x1xf32, #tpu.memory_space<vmem>>, vector<10000x1xf32>
    %get3A_2 = arith.constant 0 : index
    %get3A_3 = arith.constant 0 : index
    %get3A_4 = vector.load %arg1[%get3A_2, %get3A_3] : memref<10000x1xf32, #tpu.memory_space<vmem>>, vector<10000x1xf32>
    %add3A = arith.addf %get3A_1, %get3A_4 : vector<10000x1xf32>
    %add3A_5 = arith.constant 1.000000e+00 : f32
    %add3A_6 = vector.broadcast %add3A_5 : f32 to vector<10000x1xf32>
    %add3A_7 = arith.addf %add3A, %add3A_6 : vector<10000x1xf32>
    %rsqrt3A = math.rsqrt %add3A_7 : vector<10000x1xf32>
    %get3A_8 = arith.constant 0 : index
    %get3A_9 = arith.constant 0 : index
    %get3A_10 = vector.load %arg2[%get3A_8, %get3A_9] : memref<10000x128xf32, #tpu.memory_space<vmem>>, vector<10000x128xf32>
    %get3A_11 = arith.constant 0 : index
    %get3A_12 = arith.constant 0 : index
    %get3A_13 = vector.load %arg3[%get3A_11, %get3A_12] : memref<128x128xf32, #tpu.memory_space<vmem>>, vector<128x128xf32>
    %dot_general3A = arith.constant dense<0.000000e+00> : vector<10000x128xf32>
    %dot_general3A_14 = tpu.matmul %get3A_10, %get3A_13, %dot_general3A {dimension_numbers = #tpu.dot_dimension_numbers<[1], [0], [0], [1], [0, 0, 1, 1], [], []>, transpose_lhs_hint = false} : vector<10000x128xf32>, vector<128x128xf32>, vector<10000x128xf32> -> vector<10000x128xf32>
    %mul3A = vector.broadcast %rsqrt3A : vector<10000x1xf32> to vector<10000x128xf32>
    %mul3A_15 = arith.mulf %dot_general3A_14, %mul3A : vector<10000x128xf32>
    %swap3A = arith.constant 0 : index
    %swap3A_16 = arith.constant 0 : index
    %swap3A_17 = vector.load %arg4[%swap3A, %swap3A_16] : memref<10000x128xf32, #tpu.memory_space<vmem>>, vector<10000x128xf32>
    tpu.vector_store %arg4[%swap3A, %swap3A_16], %mul3A_15 {strides = array<i32>} : memref<10000x128xf32, #tpu.memory_space<vmem>>, vector<10000x128xf32>,
    %slice3A = vector.extract_strided_slice %mul3A_15 {offsets = [0, 0], sizes = [10000, 64], strides = [1, 1]} : vector<10000x128xf32> to vector<10000x64xf32>
    %slice3A_18 = vector.extract_strided_slice %mul3A_15 {offsets = [0, 64], sizes = [10000, 64], strides = [1, 1]} : vector<10000x128xf32> to vector<10000x64xf32>
    %stack3A = vector.shape_cast %slice3A : vector<10000x64xf32> to vector<1x10000x64xf32>
    %stack3A_19 = vector.shape_cast %slice3A_18 : vector<10000x64xf32> to vector<1x10000x64xf32>
    %stack3A_20 = tpu.concatenate %stack3A, %stack3A_19 in 0 : vector<1x10000x64xf32>, vector<1x10000x64xf32> -> vector<2x10000x64xf32>
    %swap3A_21 = arith.constant 0 : index
    %swap3A_22 = arith.constant 0 : index
    %swap3A_23 = arith.constant 0 : index
    %swap3A_24 = vector.load %arg5[%swap3A_21, %swap3A_22, %swap3A_23] : memref<2x10000x64xf32, #tpu.memory_space<vmem>>, vector<2x10000x64xf32>
    tpu.vector_store %arg5[%swap3A_21, %swap3A_22, %swap3A_23], %stack3A_20 {strides = array<i32>} : memref<2x10000x64xf32, #tpu.memory_space<vmem>>, vector<2x10000x64xf32>,
    %swap3A_25 = arith.constant 0 : index
    %swap3A_26 = arith.constant 0 : index
    %swap3A_27 = vector.load %arg6[%swap3A_25, %swap3A_26] : memref<10000x1xf32, #tpu.memory_space<vmem>>, vector<10000x1xf32>
    tpu.vector_store %arg6[%swap3A_25, %swap3A_26], %rsqrt3A {strides = array<i32>} : memref<10000x1xf32, #tpu.memory_space<vmem>>, vector<10000x1xf32>,
    return
  }
}

module attributes {stable_mosaic.version = 14 : i64} {
  func.func @_tc_d_body(%arg0: memref<10000x128xf32, #tpu.memory_space<vmem>>, %arg1: memref<10000x128xf32, #tpu.memory_space<vmem>>, %arg2: memref<10000x1xf32, #tpu.memory_space<vmem>>, %arg3: memref<1x128xf32, #tpu.memory_space<vmem>>, %arg4: memref<128x1xf32, #tpu.memory_space<vmem>>, %arg5: memref<10000x16xf32, #tpu.memory_space<vmem>>) attributes {dimension_semantics = [], scalar_prefetch = 0 : i64, scratch_operands = 0 : i64, tpu.core_type = #tpu.core_type<tc>} {
    %get3A = arith.constant 0 : index
    %get3A_0 = arith.constant 0 : index
    %get3A_1 = vector.load %arg0[%get3A, %get3A_0] : memref<10000x128xf32, #tpu.memory_space<vmem>>, vector<10000x128xf32>
    %get3A_2 = arith.constant 0 : index
    %get3A_3 = arith.constant 0 : index
    %get3A_4 = vector.load %arg1[%get3A_2, %get3A_3] : memref<10000x128xf32, #tpu.memory_space<vmem>>, vector<10000x128xf32>
    %add3A = arith.addf %get3A_1, %get3A_4 : vector<10000x128xf32>
    %get3A_5 = arith.constant 0 : index
    %get3A_6 = arith.constant 0 : index
    %get3A_7 = vector.load %arg2[%get3A_5, %get3A_6] : memref<10000x1xf32, #tpu.memory_space<vmem>>, vector<10000x1xf32>
    %mul3A = vector.broadcast %get3A_7 : vector<10000x1xf32> to vector<10000x128xf32>
    %mul3A_8 = arith.mulf %add3A, %mul3A : vector<10000x128xf32>
    %get3A_9 = arith.constant 0 : index
    %get3A_10 = arith.constant 0 : index
    %get3A_11 = vector.load %arg3[%get3A_9, %get3A_10] : memref<1x128xf32, #tpu.memory_space<vmem>>, vector<1x128xf32>
    %add3A_12 = vector.broadcast %get3A_11 : vector<1x128xf32> to vector<10000x128xf32>
    %add3A_13 = arith.addf %mul3A_8, %add3A_12 : vector<10000x128xf32>
    %max3A = arith.constant 0.000000e+00 : f32
    %max3A_14 = vector.broadcast %max3A : f32 to vector<10000x128xf32>
    %max3A_15 = arith.maximumf %add3A_13, %max3A_14 : vector<10000x128xf32>
    %get3A_16 = arith.constant 0 : index
    %get3A_17 = arith.constant 0 : index
    %get3A_18 = vector.load %arg4[%get3A_16, %get3A_17] : memref<128x1xf32, #tpu.memory_space<vmem>>, vector<128x1xf32>
    %dot_general3A = arith.constant dense<0.000000e+00> : vector<10000x1xf32>
    %dot_general3A_19 = tpu.matmul %max3A_15, %get3A_18, %dot_general3A {dimension_numbers = #tpu.dot_dimension_numbers<[1], [0], [0], [1], [0, 0, 1, 1], [], []>, transpose_lhs_hint = false} : vector<10000x128xf32>, vector<128x1xf32>, vector<10000x1xf32> -> vector<10000x1xf32>
    %get3A_20 = arith.constant 0 : index
    %get3A_21 = arith.constant 0 : index
    %get3A_22 = vector.load %arg2[%get3A_20, %get3A_21] : memref<10000x1xf32, #tpu.memory_space<vmem>>, vector<10000x1xf32>
    %mul3A_23 = arith.mulf %dot_general3A_19, %get3A_22 : vector<10000x1xf32>
    %broadcast_in_dim3A = vector.shape_cast %mul3A_23 : vector<10000x1xf32> to vector<10000x1xf32>
    %broadcast_in_dim3A_24 = vector.broadcast %broadcast_in_dim3A : vector<10000x1xf32> to vector<10000x16xf32>
    %swap3A = arith.constant 0 : index
    %swap3A_25 = arith.constant 0 : index
    %swap3A_26 = vector.load %arg5[%swap3A, %swap3A_25] : memref<10000x16xf32, #tpu.memory_space<vmem>>, vector<10000x16xf32>
    tpu.vector_store %arg5[%swap3A, %swap3A_25], %broadcast_in_dim3A_24 {strides = array<i32>} : memref<10000x16xf32, #tpu.memory_space<vmem>>, vector<10000x16xf32>,
    return
  }
}

module attributes {stable_mosaic.version = 14 : i64} {
  func.func @_tc_f_body(%arg0: memref<10000x1xf32, #tpu.memory_space<vmem>>, %arg1: memref<10000x1xf32, #tpu.memory_space<vmem>>, %arg2: memref<10000x1xf32, #tpu.memory_space<vmem>>, %arg3: memref<10000x1xf32, #tpu.memory_space<vmem>>, %arg4: memref<1x1xf32, #tpu.memory_space<vmem>>, %arg5: memref<1x1xf32, #tpu.memory_space<vmem>>) attributes {dimension_semantics = [], scalar_prefetch = 0 : i64, scratch_operands = 0 : i64, tpu.core_type = #tpu.core_type<tc>} {
    %get3A = arith.constant 0 : index
    %get3A_0 = arith.constant 0 : index
    %get3A_1 = vector.load %arg0[%get3A, %get3A_0] : memref<10000x1xf32, #tpu.memory_space<vmem>>, vector<10000x1xf32>
    %get3A_2 = arith.constant 0 : index
    %get3A_3 = arith.constant 0 : index
    %get3A_4 = vector.load %arg1[%get3A_2, %get3A_3] : memref<10000x1xf32, #tpu.memory_space<vmem>>, vector<10000x1xf32>
    %add3A = arith.addf %get3A_1, %get3A_4 : vector<10000x1xf32>
    %get3A_5 = arith.constant 0 : index
    %get3A_6 = arith.constant 0 : index
    %get3A_7 = vector.load %arg2[%get3A_5, %get3A_6] : memref<10000x1xf32, #tpu.memory_space<vmem>>, vector<10000x1xf32>
    %add3A_8 = arith.addf %add3A, %get3A_7 : vector<10000x1xf32>
    %get3A_9 = arith.constant 0 : index
    %get3A_10 = arith.constant 0 : index
    %get3A_11 = vector.load %arg3[%get3A_9, %get3A_10] : memref<10000x1xf32, #tpu.memory_space<vmem>>, vector<10000x1xf32>
    %mul3A = arith.mulf %add3A_8, %get3A_11 : vector<10000x1xf32>
    %get3A_12 = arith.constant 0 : index
    %get3A_13 = arith.constant 0 : index
    %get3A_14 = vector.load %arg4[%get3A_12, %get3A_13] : memref<1x1xf32, #tpu.memory_space<vmem>>, vector<1x1xf32>
    %add3A_15 = vector.broadcast %get3A_14 : vector<1x1xf32> to vector<10000x1xf32>
    %add3A_16 = arith.addf %mul3A, %add3A_15 : vector<10000x1xf32>
    %logistic3A = arith.negf %add3A_16 : vector<10000x1xf32>
    %logistic3A_17 = math.exp %logistic3A : vector<10000x1xf32>
    %logistic3A_18 = arith.constant 1.000000e+00 : f32
    %logistic3A_19 = vector.broadcast %logistic3A_18 : f32 to vector<10000x1xf32>
    %logistic3A_20 = arith.addf %logistic3A_19, %logistic3A_17 : vector<10000x1xf32>
    %logistic3A_21 = arith.divf %logistic3A_19, %logistic3A_20 : vector<10000x1xf32>
    %reduce_sum3A = vector.shape_cast %logistic3A_21 : vector<10000x1xf32> to vector<1x10000x1xf32>
    %reduce_sum3A_22 = arith.constant dense<0.000000e+00> : vector<1xf32>
    %reduce_sum3A_23 = vector.multi_reduction <add>, %reduce_sum3A, %reduce_sum3A_22 [1, 2] : vector<1x10000x1xf32> to vector<1xf32>
    %reduce_sum3A_24 = vector.shape_cast %reduce_sum3A_23 : vector<1xf32> to vector<1x1x1xf32>
    %reduce_sum3A_25 = vector.extract %reduce_sum3A_24[0, 0, 0] : f32 from vector<1x1x1xf32>
    %div3A = arith.constant 1.000000e+04 : f32
    %div3A_26 = arith.divf %reduce_sum3A_25, %div3A : f32
    %reshape3A = vector.broadcast %div3A_26 : f32 to vector<1x1xf32>
    %swap3A = arith.constant 0 : index
    %swap3A_27 = arith.constant 0 : index
    %swap3A_28 = vector.load %arg5[%swap3A, %swap3A_27] : memref<1x1xf32, #tpu.memory_space<vmem>>, vector<1x1xf32>
    tpu.vector_store %arg5[%swap3A, %swap3A_27], %reshape3A {strides = array<i32>} : memref<1x1xf32, #tpu.memory_space<vmem>>, vector<1x1xf32>,
    return
  }
}

</mosaic_0001>

<sc_bundles>
// kernel: kernel.11.cloned.1.call-start
scs
__scs_entry_jumppad:
0x0: {  	(pc) =	sbr.rel $0x88, $3  }
0x1: {  	(tag) =	ssettag $0x0;
	lr =	simm.s32 $0x1  }
0x2: {  	[smem:$0x3F9B] =	sst lr;
	_ =	strace $0xD0000000  }
0x3: {  	_ = 	snop  }
0x4: {  	_ = 	snop  }
0x5: {  	_ = 	snop  }
0x6: {  	_ = 	snop  }
0x7: {  	_ = 	snop  }
__scs_overlays_trampoline_lowered:
0x8: {  	[smem:$0x3FAA] =	sst s0  }
0x9: {  	[smem:$0x3FAB] =	sst s1  }
0xa: {  	[smem:$0x3FAC] =	sst s2  }
0xb: {  	[smem:$0x3FAD] =	sst s3  }
0xc: {  	[smem:$0x3FAE] =	sst s4  }
0xd: {  	[smem:$0x3FAF] =	sst s5  }
0xe: {  	[smem:$0x3FB0] =	sst s6  }
0xf: {  	[smem:$0x3FB1] =	sst s7  }
0x10: {  	[smem:$0x3FB2] =	sst s8  }
0x11: {  	[smem:$0x3FB3] =	sst s9;
	s0 =	simm.s32 @!p0 $0x0  }
0x12: {  	s1 =	sld [smem:$0x3F99];
	s0 =	simm.s32 @p0 $0x1  }
0x13: {  	[smem:$0x3FB4] =	sst s0;
	s0 =	simm.s32 @!p1 $0x0  }
0x14: {  	s2 =	sld [smem:$0x3F98];
	s0 =	simm.s32 @p1 $0x1  }
0x15: {  	[smem:$0x3FB5] =	sst s0;
	s0 =	simm.s32 @!p2 $0x0  }
0x16: {  	s3 =	sld [smem:$0x3FDB];
	s0 =	simm.s32 @p2 $0x1  }
0x17: {  	s4 =	simm.s32 $0x1BF5;
	[smem:$0x3FB7] =	sst s0  }
0x18: {  	s0 =	sld [smem:$0x3F9A];
	_ =	swait.ge [sflag:s4], $0x0  }
0x19: {  	s7 =	sld [smem:$0x3F9B]  }
0x1a: {  	s8 =	sadd.s32 $0xFFFFE003, lr  }
0x1b: {  	s9 =	sadd.s32 $0xFFFFFEF7, lr;
	s5 =	simm.s32 $0xFFFFFFFF;
	p2 =	slt.u32 s8, $0xFFFFF086  }
0x1c: {  	p1 =	slt.u32 s9, $0xF7A;
	s5 =	simm.s32 @!p2 $0x0  }
0x1d: {  	s5 =	simm.s32 @p1 $0x1;
	p0 =	seq.s32 s7, s2  }
0x1e: {  	s7 =	smul.u32 @!p0 $0xF7A, s2;
	p2 =	seq.s32 @!p0 s5, $0x0  }
0x1f: {  	s9 =	smul.u32 $0xF7A, s1;
	s8 =	simm.s32 @!p0 $0x1BF5;
	p2 =	por !p2, p0  }
0x20: {  	[sflag:s8] =	ssyncset.s32 @!p0 $0xFFFFF086;
	s6 =	sadd.s32 @!p0 s3, s7;
	s7 =	simm.s32 @!p0 $0x108  }
0x21: {  	s3 =	sadd.s32 s3, s9;
	s6 =	sadd.s32 @!p0 $0x88, s6;
	s7 =	simm.s32 @p2 $0x1082  }
0x22: {  	[simem:s7], [sflag:s8] =	dma.local @!p0 [hbm:s6], $0xF7A  }
0x23: {  	s9 =	sor.u32 $0xD0000000, s2;
	s6 =	simm.s32 $0x108;
	_ =	swait.ge @!p0 [sflag:s8], $0x0  }
0x24: {  	s3 =	sadd.s32 $0x88, s3;
	s6 =	simm.s32 @!p1 $0x1082;
	[sflag:s4] =	ssyncset.s32 $0xFFFFF086  }
0x25: {  	[simem:s6], [sflag:s4] =	dma.local [hbm:s3], $0xF7A  }
0x26: {  	[smem:$0x3F9B] =	sst s1;
	(tag) =	ssettag s2;
	_ =	strace s9  }
0x27: {  	s1 =	sld [smem:$0x3FAB]  }
0x28: {  	s2 =	sld [smem:$0x3FAC]  }
0x29: {  	s4 =	sld [smem:$0x3FAE]  }
0x2a: {  	p0 =	seq.s32 s5, $0x0;
	s5 =	sld [smem:$0x3FAF]  }
0x2b: {  	s6 =	sld [smem:$0x3FB0]  }
0x2c: {  	s7 =	sld [smem:$0x3FB1]  }
0x2d: {  	s3 =	simm.s32 $0x108;
	s8 =	sld [smem:$0x3FB2]  }
0x2e: {  	s3 =	simm.s32 @!p0 $0x1082;
	s9 =	sld [smem:$0x3FB3]  }
0x2f: {  	lr =	sadd.s32 s0, s3;
	s0 =	sld [smem:$0x3FAA]  }
0x30: {  	s3 =	sld [smem:$0x3FAD]  }
0x31: {  	[smem:$0x3FB6] =	sst s10  }
0x32: {  	s10 =	sld [smem:$0x3FB4];
	_ =	sdelay $0x3  }
0x33: {  	p0 =	seq.s32 s10, $0x1;
	s10 =	sld [smem:$0x3FB6];
	_ =	sdelay $0x3  }
0x34: {  	[smem:$0x3FB6] =	sst s10  }
0x35: {  	s10 =	sld [smem:$0x3FB5];
	_ =	sdelay $0x3  }
0x36: {  	p1 =	seq.s32 s10, $0x1;
	s10 =	sld [smem:$0x3FB6];
	_ =	sdelay $0x3  }
0x37: {  	[smem:$0x3FB6] =	sst s10  }
0x38: {  	s10 =	sld [smem:$0x3FB7]  }
0x39: {  	_ = 	snop;
	(pc) =	sbr.ind lr, $3  }
0x3a: {  	_ = 	snop  }
0x3b: {  	_ = 	snop  }
0x3c: {  	p2 =	seq.s32 s10, $0x1;
	s10 =	sld [smem:$0x3FB6]  }
0x3d: {  	_ =	shalt  }
0x3e: {  	_ =	shalt  }
0x3f: {  	_ =	shalt  }
0x40: {  	_ =	shalt  }
0x41: {  	_ =	shalt  }
0x42: {  	_ =	shalt  }
0x43: {  	_ =	shalt  }
0x44: {  	_ =	shalt  }
0x45: {  	_ =	shalt  }
0x46: {  	_ =	shalt  }
0x47: {  	_ =	shalt  }
0x48: {  	_ =	shalt  }
0x49: {  	_ =	shalt  }
0x4a: {  	_ =	shalt  }
0x4b: {  	_ =	shalt  }
0x4c: {  	_ =	shalt  }
0x4d: {  	_ =	shalt  }
0x4e: {  	_ =	shalt  }
0x4f: {  	_ =	shalt  }
0x50: {  	_ =	shalt  }
0x51: {  	_ =	shalt  }
0x52: {  	_ =	shalt  }
0x53: {  	_ =	shalt  }
0x54: {  	_ =	shalt  }
0x55: {  	_ =	shalt  }
0x56: {  	_ =	shalt  }
0x57: {  	_ =	shalt  }
0x58: {  	_ =	shalt  }
0x59: {  	_ =	shalt  }
0x5a: {  	_ =	shalt  }
0x5b: {  	_ =	shalt  }
0x5c: {  	_ =	shalt  }
0x5d: {  	_ =	shalt  }
0x5e: {  	_ =	shalt  }
0x5f: {  	_ =	shalt  }
0x60: {  	_ =	shalt  }
0x61: {  	_ =	shalt  }
0x62: {  	_ =	shalt  }
0x63: {  	_ =	shalt  }
0x64: {  	_ =	shalt  }
0x65: {  	_ =	shalt  }
0x66: {  	_ =	shalt  }
0x67: {  	_ =	shalt  }
0x68: {  	_ =	shalt  }
0x69: {  	_ =	shalt  }
0x6a: {  	_ =	shalt  }
0x6b: {  	_ =	shalt  }
0x6c: {  	_ =	shalt  }
0x6d: {  	_ =	shalt  }
0x6e: {  	_ =	shalt  }
0x6f: {  	_ =	shalt  }
0x70: {  	_ =	shalt  }
0x71: {  	_ =	shalt  }
0x72: {  	_ =	shalt  }
0x73: {  	_ =	shalt  }
0x74: {  	_ =	shalt  }
0x75: {  	_ =	shalt  }
0x76: {  	_ =	shalt  }
0x77: {  	_ =	shalt  }
0x78: {  	_ =	shalt  }
0x79: {  	_ =	shalt  }
0x7a: {  	_ =	shalt  }
0x7b: {  	_ =	shalt  }
0x7c: {  	_ =	shalt  }
0x7d: {  	_ =	shalt  }
0x7e: {  	_ =	shalt  }
0x7f: {  	_ =	shalt  }
0x80: {  	_ =	shalt  }
0x81: {  	_ =	shalt  }
0x82: {  	_ =	shalt  }
0x83: {  	_ =	shalt  }
0x84: {  	_ =	shalt  }
0x85: {  	_ =	shalt  }
0x86: {  	_ =	shalt  }
0x87: {  	_ =	shalt  }
.Lfunc_end0:
.L_simem_size_0:
called_computation.1_lowered:
.L_overlay_start_0:
0x88: {  	s2 =	sld [smem:$0x3FD9]  }
0x89: {  	s3 =	sld [smem:$0x3FFE];
	_ =	sdelay $0x1  }
0x8a: {  	s1 =	srdreg.scid  }
0x8b: {  	s0 =	sand.u32 $0x1, s1  }
0x8c: {  	s16 =	sshll.u32 s0, $0xA;
	s2 =	sadd.s32 s3, s2  }
0x8d: {  	s2 =	sadd.s32 s2, s16  }
0x8e: {  	[smem:$0x3FC2] =	sst s2  }
0x8f: {  	_ = 	snop  }
0x90: {  	(tm) =	ssettm $0x1  }
0x91: {  	s17 =	sld [smem:$0x3FFB];
	_ =	sdelay $0x3  }
0x92: {  	_ =	strace s17  }
0x93: {  	s2 =	sld [smem:$0x3FFC];
	_ =	sdelay $0x3  }
0x94: {  	_ =	strace s2  }
0x95: {  	s2 =	sld [smem:$0x3FFD];
	_ =	sdelay $0x3  }
0x96: {  	_ =	strace s2  }
0x97: {  	_ =	strace $0x8FFFFFFF  }
0x98: {  	s18 =	sld [smem:$0x3FDB];
	_ =	sdelay $0x1  }
0x99: {  	s19 =	simm.s32 $_scs_section_size  }
0x9a: {  	s4 =	simm.s32 $_size__tile_overlayer_lowered;
	s5 =	simm.s32 $_tile_overlayer_lowered  }
0x9b: {  	s22 =	simm.s32 $0x1BFF;
	s21 =	sshll.u32 s5, $0x1;
	s2 =	sadd.s32 s19, s18  }
0x9c: {  	s6 =	simm.s32 $0x0;
	s20 =	sshll.u32 s4, $0x1;
	s4 =	sadd.s32 s21, s2  }
0x9d: {  	[timem:s6], [sflag:s22] =	dma.local [hbm:s4], s20  }
0x9e: {  	_ =	swait.ge [sflag:s22], s20  }
0x9f: {  	s3 =	ssub.s32 $0x0, s20;
	[sflag:s22] =	ssyncset.done $0x0  }
0xa0: {  	[sflag:s22] =	ssyncadd.s32 s3;
	_ =	sdelay $0x1  }
0xa1: {  	s23 =	simm.s32 $0x1B8B  }
0xa2: {  	_ =	swait.ge [sflag:s23], $0x1  }
0xa3: {  	[sflag:s23] =	ssyncset.done $0x0  }
0xa4: {  	s25 =	simm.s32 $0x1B8E;
	s24 =	sld [smem:$0x3FFE];
	[sflag:s23] =	ssyncadd.s32 $0xFFFFFFFF  }
0xa5: {  	s26 =	simm.s32 $execute0_lowered;
	[smem:$0x3FD2] =	sst s25  }
0xa6: {  	s4 =	sshll.u32 s26, $0x1;
	_ =	strace $0x80000049;
	[dreg:$0x1] =	wrdreg $0xFFFFFFFF  }
0xa7: {  	s28 =	simm.s32 $_size_execute0_lowered;
	s2 =	sadd.s32 s2, s4;
	[dreg:$0x0] =	wrdreg $0x0  }
0xa8: {  	s4 =	sshll.u32 s28, $0x1;
	[dreg:$0x2] =	wrdreg s2  }
0xa9: {  	[dreg:$0x3] =	wrdreg s4  }
0xaa: {  	[dreg:$0x4] =	wrdreg $0xC0  }
0xab: {  	_ =	task [dreg:s6], $0x5FFFF  }
0xac: {  	[dreg:$0x1] =	wrdreg $0xFFFFFFFF  }
0xad: {  	[dreg:$0x0] =	wrdreg $0x60  }
0xae: {  	[dreg:$0x2] =	wrdreg s24  }
0xaf: {  	[dreg:$0x3] =	wrdreg $0x140000  }
0xb0: {  	[dreg:$0x4] =	wrdreg $0x9  }
0xb1: {  	_ =	task.clear_ibuf [dreg:s6], $0x5FFFF;
	_ =	strace $0x90000049  }
0xb2: {  	s29 =	simm.s32 $0x9;
	_ =	strace $0x8000004B  }
0xb3: {  	_ =	swait.ge [sflag:s29], $0x1  }
0xb4: {  	[sflag:s29] =	ssyncadd.s32 $0xFFFFFFFF  }
0xb5: {  	_ =	strace $0x9000004B  }
0xb6: {  	_ =	sfence  }
0xb7: {  	s30 =	sld [smem:$0x0];
	_ =	sdelay $0x2  }
0xb8: {  	s31 =	sshll.u32 s1, $0xD;
	s1 =	sshrl.u32 s1, $0x2  }
0xb9: {  	s3 =	sand.u32 $0x4000, s31;
	s1 =	sadd.s32 s1, s30  }
0xba: {  	s0 =	sor.u32 s3, s0;
	s1 =	sshll.u32 s1, $0x11  }
0xbb: {  	s0 =	sor.u32 s1, s0  }
0xbc: {  	s0 =	sadd.s32 $0x8F2B, s0  }
0xbd: {  	[sflag:s0] =	ssyncadd.remote.s32 $0x1  }
0xbe: {  	_ =	sfence.sel $0xFFFF  }
0xbf: {  	[dreg:$0x0] =	wrdreg $0xFFFFFFFF;
	(pc) =	sbr.abs _section_cstart, $3  }
0xc0: {  	[dreg:$0x1] =	wrdreg $0xFFFFFFFF  }
0xc1: {  	_ =	task.clear_ibuf [dreg:s6], $0x2FFFF;
	_ =	strace $0x9FFFFFFF  }
0xc2: {  	(tm) =	ssettm $0x7FFFFFFF  }
0xc3: {  	_ =	shalt  }
tec
execute0_lowered:
.L_overlay_start_1:
0x0: {  	(tag) =	ssettag $0x1  }
0x1: {  	s0 =	srdreg.scid  }
0x2: {  	s1 =	rddreg [dreg:$0x0];
	s10 =	stileid.u32  }
0x3: {  	s2 =	rddreg [dreg:$0x1];
	s3 =	simm.s32 $0x0;
	s14 =	simm.s32 $0x80  }
0x4: {  	s15 =	simm.s32 $0xA000;
	s16 =	simm.s32 $0xC000;
	s18 =	simm.s32 $0xE000  }
0x5: {  	s20 =	simm.s32 $0x10000;
	s22 =	simm.s32 $0x12000;
	s23 =	simm.s32 $0x1  }
0x6: {  	s28 =	simm.s32 $0x5;
	s29 =	simm.s32 $0x9D80;
	s5 =	smul.u32 $0xA00, s10  }
0x7: {  	s30 =	simm.s32 $0x9E00;
	s0 =	sand.u32 $0x1, s0;
	s7 =	smul.u32 $0xA000, s10  }
0x8: {  	s31 =	simm.s32 $0x9E80;
	[smem:$0x7FF] =	sst s3;
	s4 =	smul.u32 $0x13880, s0  }
0x9: {  	s26 =	sshll.u32 s10, $0x6;
	s10 =	simm.s32 $0x6;
	s6 =	smul.u32 $0xA0000, s0  }
0xa: {  	_ =	strace $0x8000004A;
	s0 =	ssub.s32 $0x2, s0;
	s12 =	sor.u32 $0x1C06, s26  }
0xb: {  	s26 =	simm.s32 $0x4;
	s9 =	sadd.s32 s5, s1;
	s25 =	sshrl.u32 s0, $0x1  }
0xc: {  	s11 =	sadd.s32 s7, s2;
	s8 =	sadd.s32 s4, s1;
	s24 =	sadd.s32 s7, s6  }
0xd: {  	s4 =	sadd.s32 $0x16400, s1;
	s0 =	ssub.s32 s0, s25;
	s6 =	sadd.s32 $0x1E00, s9  }
0xe: {  	s13 =	sshrl.u32 s11, $0x3;
	s25 =	simm.s32 $0x3;
	s11 =	simm.s32 $0x0  }
0xf: {  	s5 =	sshrl.u32 s24, $0x3;
	s7 =	sadd.s32 $0x8B800, s8;
	s24 =	simm.s32 $0x2  }
0x10: {  	s1 =	sadd.s32 s5, s1;
	s5 =	sadd.s32 $0xBE00, s9;
	s9 =	smax.u32 s0, $0x1  }
0x11: {  	s0 =	simm.s32 $0x9F80;
	s8 =	sadd.s32 $0x17800, s1;
	s1 =	simm.s32 $0x9F00  }
.LBB2_1:
0x12: {  	[tilespmem:s3], [sflag:$0x6] =	stream.linear.gather [hbm4b:s5+s3], $0x5000, $0x38;
	[tilespmem:$0x1E000] =	vst v63  }
0x13: {  	_ =	swait.ge [sflag:s10], $0x5000  }
0x14: {  	[sflag:s10] =	ssyncset.done $0x0  }
0x15: {  	s17 =	simm.s32 $0x5000;
	[sflag:s10] =	ssyncadd.s32 $0xFFFFB000  }
0x16: {  	[tilespmem:s17], [sflag:$0x6] =	stream.linear.gather [hbm4b:s6+s3], $0x5000, $0x38;
	[tilespmem:$0x1E000] =	vst v63  }
0x17: {  	_ =	swait.ge [sflag:s10], $0x5000  }
0x18: {  	[sflag:s10] =	ssyncset.done $0x0  }
0x19: {  	[sflag:s10] =	ssyncadd.s32 $0xFFFFB000  }
0x1a: {  	[spmem:s13], [sflag:s12] =	dma.local [hbm:s4], $0x1400  }
0x1b: {  	_ =	swait.ge [sflag:s10], $0x1400  }
0x1c: {  	[sflag:s10] =	ssyncset.done $0x0  }
0x1d: {  	[sflag:s10] =	ssyncadd.s32 $0xFFFFEC00  }
0x1e: {  	[bflag:$0x0] =	sbarrier.arrive $0xFFFF  }
0x1f: {  	[tilespmem:s15], [sflag:$0x1] =	stream.indirect.gather [hbm4b:s7+s14], $0x40, s3, s14, $0xb8;
	[tilespmem:$0x1E000] =	vst v63  }
0x20: {  	_ = 	snop  }
0x21: {  	[tilespmem:s16], [sflag:$0x2] =	stream.indirect.gather [hbm4b:s7+s14], $0x40, s14, s14, $0xb8;
	[tilespmem:$0x1E000] =	vst v63  }
0x22: {  	s19 =	simm.s32 $0x100  }
0x23: {  	[tilespmem:s18], [sflag:$0x3] =	stream.indirect.gather [hbm4b:s7+s14], $0x40, s19, s14, $0xb8;
	[tilespmem:$0x1E000] =	vst v63  }
0x24: {  	s21 =	simm.s32 $0x180  }
0x25: {  	[tilespmem:s20], [sflag:$0x4] =	stream.indirect.gather [hbm4b:s7+s14], $0x40, s21, s14, $0xb8;
	[tilespmem:$0x1E000] =	vst v63  }
0x26: {  	s19 =	simm.s32 $0x200  }
0x27: {  	[tilespmem:s22], [sflag:$0x5] =	stream.indirect.gather [hbm4b:s7+s14], $0x40, s19, s14, $0xb8;
	[tilespmem:$0x1E000] =	vst v63  }
0x28: {  	_ =	swait.ge [sflag:s23], $0x2000  }
0x29: {  	[sflag:s23] =	ssyncset.done $0x0  }
0x2a: {  	s21 =	simm.s32 $0x5000;
	[sflag:s23] =	ssyncadd.s32 $0xFFFFE000  }
0x2b: {  	[spmem:s2] =	stream.indirect.scatter.add.f32 [tilespmem:s15], [sflag:$0x1], $0x40, s21, s14, $0xb8;
	[tilespmem:$0x1E000] =	vst v63  }
0x2c: {  	_ =	swait.ge [sflag:s24], $0x2000  }
0x2d: {  	[sflag:s24] =	ssyncset.done $0x0  }
0x2e: {  	s19 =	simm.s32 $0x5080;
	[sflag:s24] =	ssyncadd.s32 $0xFFFFE000  }
0x2f: {  	[spmem:s2] =	stream.indirect.scatter.add.f32 [tilespmem:s16], [sflag:$0x2], $0x40, s19, s14, $0xb8;
	[tilespmem:$0x1E000] =	vst v63  }
0x30: {  	_ =	swait.ge [sflag:s25], $0x2000  }
0x31: {  	[sflag:s25] =	ssyncset.done $0x0  }
0x32: {  	s21 =	simm.s32 $0x5100;
	[sflag:s25] =	ssyncadd.s32 $0xFFFFE000  }
0x33: {  	[spmem:s2] =	stream.indirect.scatter.add.f32 [tilespmem:s18], [sflag:$0x3], $0x40, s21, s14, $0xb8;
	[tilespmem:$0x1E000] =	vst v63  }
0x34: {  	_ =	swait.ge [sflag:s26], $0x2000  }
0x35: {  	[sflag:s26] =	ssyncset.done $0x0  }
0x36: {  	s19 =	simm.s32 $0x5180;
	[sflag:s26] =	ssyncadd.s32 $0xFFFFE000  }
0x37: {  	[spmem:s2] =	stream.indirect.scatter.add.f32 [tilespmem:s20], [sflag:$0x4], $0x40, s19, s14, $0xb8;
	[tilespmem:$0x1E000] =	vst v63  }
0x38: {  	_ =	swait.ge [sflag:s28], $0x2000  }
0x39: {  	[sflag:s28] =	ssyncset.done $0x0  }
0x3a: {  	s21 =	simm.s32 $0x5200;
	[sflag:s28] =	ssyncadd.s32 $0xFFFFE000  }
0x3b: {  	[spmem:s2] =	stream.indirect.scatter.add.f32 [tilespmem:s22], [sflag:$0x5], $0x40, s21, s14, $0xb8;
	[tilespmem:$0x1E000] =	vst v63  }
0x3c: {  	_ =	swait.ge [sflag:s23], $0x2000  }
0x3d: {  	[sflag:s23] =	ssyncset.done $0x0  }
0x3e: {  	s19 =	simm.s32 $0x280;
	[sflag:s23] =	ssyncadd.s32 $0xFFFFE000  }
0x3f: {  	[tilespmem:s15], [sflag:$0x1] =	stream.indirect.gather [hbm4b:s7+s14], $0x40, s19, s14, $0xb8;
	[tilespmem:$0x1E000] =	vst v63  }
0x40: {  	_ =	swait.ge [sflag:s24], $0x2000  }
0x41: {  	[sflag:s24] =	ssyncset.done $0x0  }
0x42: {  	s21 =	simm.s32 $0x300;
	[sflag:s24] =	ssyncadd.s32 $0xFFFFE000  }
0x43: {  	[tilespmem:s16], [sflag:$0x2] =	stream.indirect.gather [hbm4b:s7+s14], $0x40, s21, s14, $0xb8;
	[tilespmem:$0x1E000] =	vst v63  }
0x44: {  	_ =	swait.ge [sflag:s25], $0x2000  }
0x45: {  	[sflag:s25] =	ssyncset.done $0x0  }
0x46: {  	s19 =	simm.s32 $0x380;
	[sflag:s25] =	ssyncadd.s32 $0xFFFFE000  }
0x47: {  	[tilespmem:s18], [sflag:$0x3] =	stream.indirect.gather [hbm4b:s7+s14], $0x40, s19, s14, $0xb8;
	[tilespmem:$0x1E000] =	vst v63  }
0x48: {  	_ =	swait.ge [sflag:s26], $0x2000  }
0x49: {  	[sflag:s26] =	ssyncset.done $0x0  }
0x4a: {  	s21 =	simm.s32 $0x400;
	[sflag:s26] =	ssyncadd.s32 $0xFFFFE000  }
0x4b: {  	[tilespmem:s20], [sflag:$0x4] =	stream.indirect.gather [hbm4b:s7+s14], $0x40, s21, s14, $0xb8;
	[tilespmem:$0x1E000] =	vst v63  }
0x4c: {  	_ =	swait.ge [sflag:s28], $0x2000  }
0x4d: {  	[sflag:s28] =	ssyncset.done $0x0  }
0x4e: {  	s17 =	simm.s32 $0xA00;
	s19 =	simm.s32 $0x480;
	[sflag:s28] =	ssyncadd.s32 $0xFFFFE000  }
.LBB2_2:
0x4f: {  	[tilespmem:s22], [sflag:$0x5] =	stream.indirect.gather [hbm4b:s7+s14], $0x40, s19, s14, $0xb8;
	[tilespmem:$0x1E000] =	vst v63  }
0x50: {  	s19 =	smov.u32 s17  }
0x51: {  	p0 =	sne.s32 s17, $0x12C00;
	s17 =	sadd.s32 $0xA00, s17;
	_ =	swait.ge [sflag:s23], $0x2000  }
0x52: {  	s19 =	sshra.s32 s19, $0x2;
	[sflag:s23] =	ssyncset.done $0x0  }
0x53: {  	s21 =	sadd.s32 $0x5000, s19;
	[sflag:s23] =	ssyncadd.s32 $0xFFFFE000  }
0x54: {  	[spmem:s2] =	stream.indirect.scatter.add.f32 [tilespmem:s15], [sflag:$0x1], $0x40, s21, s14, $0xb8;
	[tilespmem:$0x1E000] =	vst v63  }
0x55: {  	_ =	swait.ge [sflag:s24], $0x2000  }
0x56: {  	[sflag:s24] =	ssyncset.done $0x0  }
0x57: {  	s21 =	sadd.s32 $0x5080, s19;
	[sflag:s24] =	ssyncadd.s32 $0xFFFFE000  }
0x58: {  	[spmem:s2] =	stream.indirect.scatter.add.f32 [tilespmem:s16], [sflag:$0x2], $0x40, s21, s14, $0xb8;
	[tilespmem:$0x1E000] =	vst v63  }
0x59: {  	_ =	swait.ge [sflag:s25], $0x2000  }
0x5a: {  	[sflag:s25] =	ssyncset.done $0x0  }
0x5b: {  	s21 =	sadd.s32 $0x5100, s19;
	[sflag:s25] =	ssyncadd.s32 $0xFFFFE000  }
0x5c: {  	[spmem:s2] =	stream.indirect.scatter.add.f32 [tilespmem:s18], [sflag:$0x3], $0x40, s21, s14, $0xb8;
	[tilespmem:$0x1E000] =	vst v63  }
0x5d: {  	_ =	swait.ge [sflag:s26], $0x2000  }
0x5e: {  	[sflag:s26] =	ssyncset.done $0x0  }
0x5f: {  	s21 =	sadd.s32 $0x5180, s19;
	[sflag:s26] =	ssyncadd.s32 $0xFFFFE000  }
0x60: {  	[spmem:s2] =	stream.indirect.scatter.add.f32 [tilespmem:s20], [sflag:$0x4], $0x40, s21, s14, $0xb8;
	[tilespmem:$0x1E000] =	vst v63  }
0x61: {  	_ =	swait.ge [sflag:s28], $0x2000  }
0x62: {  	[sflag:s28] =	ssyncset.done $0x0  }
0x63: {  	s21 =	sadd.s32 $0x5200, s19;
	[sflag:s28] =	ssyncadd.s32 $0xFFFFE000  }
0x64: {  	[spmem:s2] =	stream.indirect.scatter.add.f32 [tilespmem:s22], [sflag:$0x5], $0x40, s21, s14, $0xb8;
	[tilespmem:$0x1E000] =	vst v63  }
0x65: {  	_ =	swait.ge [sflag:s23], $0x2000  }
0x66: {  	[sflag:s23] =	ssyncset.done $0x0  }
0x67: {  	s21 =	sadd.s32 $0x280, s19;
	[sflag:s23] =	ssyncadd.s32 $0xFFFFE000  }
0x68: {  	[tilespmem:s15], [sflag:$0x1] =	stream.indirect.gather [hbm4b:s7+s14], $0x40, s21, s14, $0xb8;
	[tilespmem:$0x1E000] =	vst v63  }
0x69: {  	_ =	swait.ge [sflag:s24], $0x2000  }
0x6a: {  	[sflag:s24] =	ssyncset.done $0x0  }
0x6b: {  	s21 =	sadd.s32 $0x300, s19;
	[sflag:s24] =	ssyncadd.s32 $0xFFFFE000  }
0x6c: {  	[tilespmem:s16], [sflag:$0x2] =	stream.indirect.gather [hbm4b:s7+s14], $0x40, s21, s14, $0xb8;
	[tilespmem:$0x1E000] =	vst v63  }
0x6d: {  	_ =	swait.ge [sflag:s25], $0x2000  }
0x6e: {  	[sflag:s25] =	ssyncset.done $0x0  }
0x6f: {  	s21 =	sadd.s32 $0x380, s19;
	[sflag:s25] =	ssyncadd.s32 $0xFFFFE000  }
0x70: {  	[tilespmem:s18], [sflag:$0x3] =	stream.indirect.gather [hbm4b:s7+s14], $0x40, s21, s14, $0xb8;
	[tilespmem:$0x1E000] =	vst v63  }
0x71: {  	_ =	swait.ge [sflag:s26], $0x2000  }
0x72: {  	[sflag:s26] =	ssyncset.done $0x0  }
.Ltmp0:
0x73: {  	s21 =	sadd.s32 $0x400, s19;
	[sflag:s26] =	ssyncadd.s32 $0xFFFFE000;
	(pc) =	sbr.rel @p0 .LBB2_2-.Ltmp0, $4  }
0x74: {  	[tilespmem:s20], [sflag:$0x4] =	stream.indirect.gather [hbm4b:s7+s14], $0x40, s21, s14, $0xb8;
	[tilespmem:$0x1E000] =	vst v63  }
0x75: {  	_ =	swait.ge [sflag:s28], $0x2000  }
0x76: {  	[sflag:s28] =	ssyncset.done $0x0  }
0x77: {  	s19 =	sadd.s32 $0x480, s19;
	[sflag:s28] =	ssyncadd.s32 $0xFFFFE000  }
0x78: {  	[tilespmem:s22], [sflag:$0x5] =	stream.indirect.gather [hbm4b:s7+s14], $0x40, s19, s14, $0xb8;
	[tilespmem:$0x1E000] =	vst v63  }
0x79: {  	_ =	swait.ge [sflag:s23], $0x2000  }
0x7a: {  	[sflag:s23] =	ssyncset.done $0x0  }
0x7b: {  	[sflag:s23] =	ssyncadd.s32 $0xFFFFE000  }
0x7c: {  	[spmem:s2] =	stream.indirect.scatter.add.f32 [tilespmem:s15], [sflag:$0x1], $0x40, s29, s14, $0xb8;
	[tilespmem:$0x1E000] =	vst v63  }
0x7d: {  	_ =	swait.ge [sflag:s24], $0x2000  }
0x7e: {  	[sflag:s24] =	ssyncset.done $0x0  }
0x7f: {  	[sflag:s24] =	ssyncadd.s32 $0xFFFFE000  }
0x80: {  	[spmem:s2] =	stream.indirect.scatter.add.f32 [tilespmem:s16], [sflag:$0x2], $0x40, s30, s14, $0xb8;
	[tilespmem:$0x1E000] =	vst v63  }
0x81: {  	_ =	swait.ge [sflag:s25], $0x2000  }
0x82: {  	[sflag:s25] =	ssyncset.done $0x0  }
0x83: {  	[sflag:s25] =	ssyncadd.s32 $0xFFFFE000  }
0x84: {  	[spmem:s2] =	stream.indirect.scatter.add.f32 [tilespmem:s18], [sflag:$0x3], $0x40, s31, s14, $0xb8;
	[tilespmem:$0x1E000] =	vst v63  }
0x85: {  	_ =	swait.ge [sflag:s26], $0x2000  }
0x86: {  	[sflag:s26] =	ssyncset.done $0x0  }
0x87: {  	[sflag:s26] =	ssyncadd.s32 $0xFFFFE000  }
0x88: {  	[spmem:s2] =	stream.indirect.scatter.add.f32 [tilespmem:s20], [sflag:$0x4], $0x40, s1, s14, $0xb8;
	[tilespmem:$0x1E000] =	vst v63  }
0x89: {  	_ =	swait.ge [sflag:s28], $0x2000  }
0x8a: {  	[sflag:s28] =	ssyncset.done $0x0  }
0x8b: {  	[sflag:s28] =	ssyncadd.s32 $0xFFFFE000  }
0x8c: {  	[spmem:s2] =	stream.indirect.scatter.add.f32 [tilespmem:s22], [sflag:$0x5], $0x40, s0, s14, $0xb8;
	[tilespmem:$0x1E000] =	vst v63  }
0x8d: {  	_ =	swait.ge [sflag:s23], $0x2000  }
0x8e: {  	[sflag:s23] =	ssyncset.done $0x0  }
0x8f: {  	[sflag:s23] =	ssyncadd.s32 $0xFFFFE000  }
0x90: {  	_ =	swait.ge [sflag:s24], $0x2000  }
0x91: {  	[sflag:s24] =	ssyncset.done $0x0  }
0x92: {  	[sflag:s24] =	ssyncadd.s32 $0xFFFFE000  }
0x93: {  	_ =	swait.ge [sflag:s25], $0x2000  }
0x94: {  	[sflag:s25] =	ssyncset.done $0x0  }
0x95: {  	[sflag:s25] =	ssyncadd.s32 $0xFFFFE000  }
0x96: {  	_ =	swait.ge [sflag:s26], $0x2000  }
0x97: {  	[sflag:s26] =	ssyncset.done $0x0  }
0x98: {  	[sflag:s26] =	ssyncadd.s32 $0xFFFFE000  }
0x99: {  	_ =	swait.ge [sflag:s28], $0x2000  }
0x9a: {  	s11 =	sadd.s32 $0x1, s11;
	[sflag:s28] =	ssyncset.done $0x0  }
0x9b: {  	p0 =	sne.s32 s11, s9;
	[sflag:s28] =	ssyncadd.s32 $0xFFFFE000  }
.Ltmp1:
0x9c: {  	[bflag:$0x0] =	sbarrier.arrive $0xFFFF;
	(pc) =	sbr.rel @p0 .LBB2_1-.Ltmp1, $4  }
0x9d: {  	[hbm:s8], [sflag:s12] =	dma.local [spmem:s13], $0x1400  }
0x9e: {  	_ =	swait.ge [sflag:s10], $0x1400  }
0x9f: {  	[sflag:s10] =	ssyncset.done $0x0  }
0xa0: {  	[sflag:s10] =	ssyncadd.s32 $0xFFFFEC00  }
0xa1: {  	_ =	sfence.sel $0x180000  }
0xa2: {  	[bflag:$0x0] =	sbarrier.arrive $0xFFFF  }
0xa3: {  	_ =	strace $0x9000004A  }
0xa4: {  	s0 =	stileid.u32;
	[bflag:$0x2] =	sbarrier.arrive $0xFFFF  }
0xa5: {  	p0 =	sne.s32 s0, $0x0;
	s0 =	rddreg [dreg:$0x2]  }
0xa6: {  	s0 =	sadd.s32 @!p0 $0x100000, s0  }
0xa7: {  	[sflag:s0] =	ssyncadd.tile.s32 @!p0 $0x1;
	_ =	shalt  }
.Lfunc_end2:
_tile_overlayer_lowered:
.L_overlay_start_2:
0xa8: {  	(tag) =	ssettag $0x2  }
0xa9: {  	s0 =	rddreg [dreg:$0x0];
	s2 =	stileid.u32  }
0xaa: {  	s1 =	rddreg [dreg:$0x1];
	p0 =	sne.s32 s2, $0x0  }
0xab: {  	s3 =	rddreg [dreg:$0x2];
	[bflag:$0x3] =	sbarrier.arrive $0xFFFF;
	s2 =	simm.s32 @!p0 $0x1C06  }
0xac: {  	[timem:s3], [sflag:s2] =	dma.local @!p0 [hbm:s0], s1  }
0xad: {  	s0 =	simm.s32 @!p0 $0x6  }
0xae: {  	_ =	swait.ge @!p0 [sflag:s0], s1  }
0xaf: {  	s1 =	ssub.s32 @!p0 $0x0, s1;
	[sflag:s0] =	ssyncset.done @!p0 $0x0  }
0xb0: {  	[sflag:s0] =	ssyncadd.s32 @!p0 s1  }
0xb1: {  	[bflag:$0x3] =	sbarrier.arrive $0xFFFF  }
0xb2: {  	_ =	shalt  }

// kernel: kernel.14.cloned.1.call-start
scs
__scs_entry_jumppad:
0x0: {  	(pc) =	sbr.rel $0x88, $3  }
0x1: {  	(tag) =	ssettag $0x0;
	lr =	simm.s32 $0x1  }
0x2: {  	[smem:$0x3F9B] =	sst lr;
	_ =	strace $0xD0000000  }
0x3: {  	_ = 	snop  }
0x4: {  	_ = 	snop  }
0x5: {  	_ = 	snop  }
0x6: {  	_ = 	snop  }
0x7: {  	_ = 	snop  }
__scs_overlays_trampoline_lowered:
0x8: {  	[smem:$0x3FAA] =	sst s0  }
0x9: {  	[smem:$0x3FAB] =	sst s1  }
0xa: {  	[smem:$0x3FAC] =	sst s2  }
0xb: {  	[smem:$0x3FAD] =	sst s3  }
0xc: {  	[smem:$0x3FAE] =	sst s4  }
0xd: {  	[smem:$0x3FAF] =	sst s5  }
0xe: {  	[smem:$0x3FB0] =	sst s6  }
0xf: {  	[smem:$0x3FB1] =	sst s7  }
0x10: {  	[smem:$0x3FB2] =	sst s8  }
0x11: {  	[smem:$0x3FB3] =	sst s9;
	s0 =	simm.s32 @!p0 $0x0  }
0x12: {  	s1 =	sld [smem:$0x3F99];
	s0 =	simm.s32 @p0 $0x1  }
0x13: {  	[smem:$0x3FB4] =	sst s0;
	s0 =	simm.s32 @!p1 $0x0  }
0x14: {  	s2 =	sld [smem:$0x3F98];
	s0 =	simm.s32 @p1 $0x1  }
0x15: {  	[smem:$0x3FB5] =	sst s0;
	s0 =	simm.s32 @!p2 $0x0  }
0x16: {  	s3 =	sld [smem:$0x3FDB];
	s0 =	simm.s32 @p2 $0x1  }
0x17: {  	s4 =	simm.s32 $0x1BF5;
	[smem:$0x3FB7] =	sst s0  }
0x18: {  	s0 =	sld [smem:$0x3F9A];
	_ =	swait.ge [sflag:s4], $0x0  }
0x19: {  	s7 =	sld [smem:$0x3F9B]  }
0x1a: {  	s8 =	sadd.s32 $0xFFFFE003, lr  }
0x1b: {  	s9 =	sadd.s32 $0xFFFFFEF7, lr;
	s5 =	simm.s32 $0xFFFFFFFF;
	p2 =	slt.u32 s8, $0xFFFFF086  }
0x1c: {  	p1 =	slt.u32 s9, $0xF7A;
	s5 =	simm.s32 @!p2 $0x0  }
0x1d: {  	s5 =	simm.s32 @p1 $0x1;
	p0 =	seq.s32 s7, s2  }
0x1e: {  	s7 =	smul.u32 @!p0 $0xF7A, s2;
	p2 =	seq.s32 @!p0 s5, $0x0  }
0x1f: {  	s9 =	smul.u32 $0xF7A, s1;
	s8 =	simm.s32 @!p0 $0x1BF5;
	p2 =	por !p2, p0  }
0x20: {  	[sflag:s8] =	ssyncset.s32 @!p0 $0xFFFFF086;
	s6 =	sadd.s32 @!p0 s3, s7;
	s7 =	simm.s32 @!p0 $0x108  }
0x21: {  	s3 =	sadd.s32 s3, s9;
	s6 =	sadd.s32 @!p0 $0x88, s6;
	s7 =	simm.s32 @p2 $0x1082  }
0x22: {  	[simem:s7], [sflag:s8] =	dma.local @!p0 [hbm:s6], $0xF7A  }
0x23: {  	s9 =	sor.u32 $0xD0000000, s2;
	s6 =	simm.s32 $0x108;
	_ =	swait.ge @!p0 [sflag:s8], $0x0  }
0x24: {  	s3 =	sadd.s32 $0x88, s3;
	s6 =	simm.s32 @!p1 $0x1082;
	[sflag:s4] =	ssyncset.s32 $0xFFFFF086  }
0x25: {  	[simem:s6], [sflag:s4] =	dma.local [hbm:s3], $0xF7A  }
0x26: {  	[smem:$0x3F9B] =	sst s1;
	(tag) =	ssettag s2;
	_ =	strace s9  }
0x27: {  	s1 =	sld [smem:$0x3FAB]  }
0x28: {  	s2 =	sld [smem:$0x3FAC]  }
0x29: {  	s4 =	sld [smem:$0x3FAE]  }
0x2a: {  	p0 =	seq.s32 s5, $0x0;
	s5 =	sld [smem:$0x3FAF]  }
0x2b: {  	s6 =	sld [smem:$0x3FB0]  }
0x2c: {  	s7 =	sld [smem:$0x3FB1]  }
0x2d: {  	s3 =	simm.s32 $0x108;
	s8 =	sld [smem:$0x3FB2]  }
0x2e: {  	s3 =	simm.s32 @!p0 $0x1082;
	s9 =	sld [smem:$0x3FB3]  }
0x2f: {  	lr =	sadd.s32 s0, s3;
	s0 =	sld [smem:$0x3FAA]  }
0x30: {  	s3 =	sld [smem:$0x3FAD]  }
0x31: {  	[smem:$0x3FB6] =	sst s10  }
0x32: {  	s10 =	sld [smem:$0x3FB4];
	_ =	sdelay $0x3  }
0x33: {  	p0 =	seq.s32 s10, $0x1;
	s10 =	sld [smem:$0x3FB6];
	_ =	sdelay $0x3  }
0x34: {  	[smem:$0x3FB6] =	sst s10  }
0x35: {  	s10 =	sld [smem:$0x3FB5];
	_ =	sdelay $0x3  }
0x36: {  	p1 =	seq.s32 s10, $0x1;
	s10 =	sld [smem:$0x3FB6];
	_ =	sdelay $0x3  }
0x37: {  	[smem:$0x3FB6] =	sst s10  }
0x38: {  	s10 =	sld [smem:$0x3FB7]  }
0x39: {  	_ = 	snop;
	(pc) =	sbr.ind lr, $3  }
0x3a: {  	_ = 	snop  }
0x3b: {  	_ = 	snop  }
0x3c: {  	p2 =	seq.s32 s10, $0x1;
	s10 =	sld [smem:$0x3FB6]  }
0x3d: {  	_ =	shalt  }
0x3e: {  	_ =	shalt  }
0x3f: {  	_ =	shalt  }
0x40: {  	_ =	shalt  }
0x41: {  	_ =	shalt  }
0x42: {  	_ =	shalt  }
0x43: {  	_ =	shalt  }
0x44: {  	_ =	shalt  }
0x45: {  	_ =	shalt  }
0x46: {  	_ =	shalt  }
0x47: {  	_ =	shalt  }
0x48: {  	_ =	shalt  }
0x49: {  	_ =	shalt  }
0x4a: {  	_ =	shalt  }
0x4b: {  	_ =	shalt  }
0x4c: {  	_ =	shalt  }
0x4d: {  	_ =	shalt  }
0x4e: {  	_ =	shalt  }
0x4f: {  	_ =	shalt  }
0x50: {  	_ =	shalt  }
0x51: {  	_ =	shalt  }
0x52: {  	_ =	shalt  }
0x53: {  	_ =	shalt  }
0x54: {  	_ =	shalt  }
0x55: {  	_ =	shalt  }
0x56: {  	_ =	shalt  }
0x57: {  	_ =	shalt  }
0x58: {  	_ =	shalt  }
0x59: {  	_ =	shalt  }
0x5a: {  	_ =	shalt  }
0x5b: {  	_ =	shalt  }
0x5c: {  	_ =	shalt  }
0x5d: {  	_ =	shalt  }
0x5e: {  	_ =	shalt  }
0x5f: {  	_ =	shalt  }
0x60: {  	_ =	shalt  }
0x61: {  	_ =	shalt  }
0x62: {  	_ =	shalt  }
0x63: {  	_ =	shalt  }
0x64: {  	_ =	shalt  }
0x65: {  	_ =	shalt  }
0x66: {  	_ =	shalt  }
0x67: {  	_ =	shalt  }
0x68: {  	_ =	shalt  }
0x69: {  	_ =	shalt  }
0x6a: {  	_ =	shalt  }
0x6b: {  	_ =	shalt  }
0x6c: {  	_ =	shalt  }
0x6d: {  	_ =	shalt  }
0x6e: {  	_ =	shalt  }
0x6f: {  	_ =	shalt  }
0x70: {  	_ =	shalt  }
0x71: {  	_ =	shalt  }
0x72: {  	_ =	shalt  }
0x73: {  	_ =	shalt  }
0x74: {  	_ =	shalt  }
0x75: {  	_ =	shalt  }
0x76: {  	_ =	shalt  }
0x77: {  	_ =	shalt  }
0x78: {  	_ =	shalt  }
0x79: {  	_ =	shalt  }
0x7a: {  	_ =	shalt  }
0x7b: {  	_ =	shalt  }
0x7c: {  	_ =	shalt  }
0x7d: {  	_ =	shalt  }
0x7e: {  	_ =	shalt  }
0x7f: {  	_ =	shalt  }
0x80: {  	_ =	shalt  }
0x81: {  	_ =	shalt  }
0x82: {  	_ =	shalt  }
0x83: {  	_ =	shalt  }
0x84: {  	_ =	shalt  }
0x85: {  	_ =	shalt  }
0x86: {  	_ =	shalt  }
0x87: {  	_ =	shalt  }
.Lfunc_end0:
.L_simem_size_0:
called_computation.2_lowered:
.L_overlay_start_0:
0x88: {  	s2 =	sld [smem:$0x3FD9]  }
0x89: {  	s3 =	sld [smem:$0x3FFE];
	_ =	sdelay $0x1  }
0x8a: {  	s1 =	srdreg.scid  }
0x8b: {  	s0 =	sand.u32 $0x1, s1  }
0x8c: {  	s16 =	sshll.u32 s0, $0xA;
	s2 =	sadd.s32 s3, s2  }
0x8d: {  	s2 =	sadd.s32 s2, s16  }
0x8e: {  	[smem:$0x3FC2] =	sst s2  }
0x8f: {  	_ = 	snop  }
0x90: {  	(tm) =	ssettm $0x1  }
0x91: {  	s17 =	sld [smem:$0x3FFB];
	_ =	sdelay $0x3  }
0x92: {  	_ =	strace s17  }
0x93: {  	s2 =	sld [smem:$0x3FFC];
	_ =	sdelay $0x3  }
0x94: {  	_ =	strace s2  }
0x95: {  	s2 =	sld [smem:$0x3FFD];
	_ =	sdelay $0x3  }
0x96: {  	_ =	strace s2  }
0x97: {  	_ =	strace $0x8FFFFFFF  }
0x98: {  	s18 =	sld [smem:$0x3FDB];
	_ =	sdelay $0x1  }
0x99: {  	s19 =	simm.s32 $_scs_section_size  }
0x9a: {  	s4 =	simm.s32 $_size__tile_overlayer_lowered;
	s5 =	simm.s32 $_tile_overlayer_lowered  }
0x9b: {  	s22 =	simm.s32 $0x1BFF;
	s21 =	sshll.u32 s5, $0x1;
	s2 =	sadd.s32 s19, s18  }
0x9c: {  	s6 =	simm.s32 $0x0;
	s20 =	sshll.u32 s4, $0x1;
	s4 =	sadd.s32 s21, s2  }
0x9d: {  	[timem:s6], [sflag:s22] =	dma.local [hbm:s4], s20  }
0x9e: {  	_ =	swait.ge [sflag:s22], s20  }
0x9f: {  	s3 =	ssub.s32 $0x0, s20;
	[sflag:s22] =	ssyncset.done $0x0  }
0xa0: {  	[sflag:s22] =	ssyncadd.s32 s3;
	_ =	sdelay $0x1  }
0xa1: {  	s23 =	simm.s32 $0x1B8B  }
0xa2: {  	_ =	swait.ge [sflag:s23], $0x1  }
0xa3: {  	[sflag:s23] =	ssyncset.done $0x0  }
0xa4: {  	s25 =	simm.s32 $0x1B8E;
	s24 =	sld [smem:$0x3FFE];
	[sflag:s23] =	ssyncadd.s32 $0xFFFFFFFF  }
0xa5: {  	s26 =	simm.s32 $execute0_lowered;
	[smem:$0x3FD2] =	sst s25  }
0xa6: {  	s4 =	sshll.u32 s26, $0x1;
	_ =	strace $0x8000004C;
	[dreg:$0x1] =	wrdreg $0xFFFFFFFF  }
0xa7: {  	s28 =	simm.s32 $_size_execute0_lowered;
	s2 =	sadd.s32 s2, s4;
	[dreg:$0x0] =	wrdreg $0x0  }
0xa8: {  	s4 =	sshll.u32 s28, $0x1;
	[dreg:$0x2] =	wrdreg s2  }
0xa9: {  	[dreg:$0x3] =	wrdreg s4  }
0xaa: {  	[dreg:$0x4] =	wrdreg $0xC0  }
0xab: {  	_ =	task [dreg:s6], $0x5FFFF  }
0xac: {  	[dreg:$0x1] =	wrdreg $0xFFFFFFFF  }
0xad: {  	[dreg:$0x0] =	wrdreg $0x60  }
0xae: {  	[dreg:$0x2] =	wrdreg s24  }
0xaf: {  	[dreg:$0x3] =	wrdreg $0xF0000  }
0xb0: {  	[dreg:$0x4] =	wrdreg $0x9  }
0xb1: {  	_ =	task.clear_ibuf [dreg:s6], $0x5FFFF;
	_ =	strace $0x9000004C  }
0xb2: {  	s29 =	simm.s32 $0x9;
	_ =	strace $0x8000004E  }
0xb3: {  	_ =	swait.ge [sflag:s29], $0x1  }
0xb4: {  	[sflag:s29] =	ssyncadd.s32 $0xFFFFFFFF  }
0xb5: {  	_ =	strace $0x9000004E  }
0xb6: {  	_ =	sfence  }
0xb7: {  	s30 =	sld [smem:$0x0];
	_ =	sdelay $0x2  }
0xb8: {  	s31 =	sshll.u32 s1, $0xD;
	s1 =	sshrl.u32 s1, $0x2  }
0xb9: {  	s3 =	sand.u32 $0x4000, s31;
	s1 =	sadd.s32 s1, s30  }
0xba: {  	s0 =	sor.u32 s3, s0;
	s1 =	sshll.u32 s1, $0x11  }
0xbb: {  	s0 =	sor.u32 s1, s0  }
0xbc: {  	s0 =	sadd.s32 $0x8F2B, s0  }
0xbd: {  	[sflag:s0] =	ssyncadd.remote.s32 $0x1  }
0xbe: {  	_ =	sfence.sel $0xFFFF  }
0xbf: {  	[dreg:$0x0] =	wrdreg $0xFFFFFFFF;
	(pc) =	sbr.abs _section_cstart, $3  }
0xc0: {  	[dreg:$0x1] =	wrdreg $0xFFFFFFFF  }
0xc1: {  	_ =	task.clear_ibuf [dreg:s6], $0x2FFFF;
	_ =	strace $0x9FFFFFFF  }
0xc2: {  	(tm) =	ssettm $0x7FFFFFFF  }
0xc3: {  	_ =	shalt  }
tec
execute0_lowered:
.L_overlay_start_1:
0x0: {  	(tag) =	ssettag $0x1  }
0x1: {  	s3 =	rddreg [dreg:$0x0]  }
0x2: {  	s2 =	rddreg [dreg:$0x1];
	s30 =	simm.s32 $0x0  }
0x3: {  	s0 =	srdreg.scid;
	[smem:$0x7FF] =	sst s30;
	s6 =	sadd.s32 $0x15E00, s3  }
0x4: {  	s16 =	simm.s32 $0x400;
	_ =	strace $0x8000004D;
	[dreg:$0x3] =	wrdreg s6  }
0x5: {  	s18 =	stileid.u32;
	s17 =	simm.s32 $0x600;
	[dreg:$0x7] =	wrdreg s16  }
0x6: {  	s19 =	simm.s32 $0x800;
	s20 =	simm.s32 $0x2A00;
	[dreg:$0x8] =	wrdreg s17  }
0x7: {  	s21 =	simm.s32 $0x2C00;
	s22 =	simm.s32 $0x2E00;
	[dreg:$0x9] =	wrdreg s19  }
0x8: {  	s23 =	simm.s32 $0x3000;
	s24 =	simm.s32 $0xA00;
	[dreg:$0xa] =	wrdreg s20  }
0x9: {  	s26 =	simm.s32 $0xC00;
	s8 =	simm.s32 $0x1000;
	[dreg:$0xb] =	wrdreg s21  }
0xa: {  	s9 =	simm.s32 $0x1200;
	s10 =	simm.s32 $0x3200;
	[dreg:$0xc] =	wrdreg s22  }
0xb: {  	s31 =	simm.s32 $0x2800;
	s11 =	simm.s32 $0x3400;
	[dreg:$0xd] =	wrdreg s23  }
0xc: {  	s13 =	simm.s32 $0x3600;
	s29 =	simm.s32 $0x1E00;
	[dreg:$0xe] =	wrdreg s24  }
0xd: {  	s28 =	simm.s32 $0x2000;
	p0 =	por $0x0, $0x0;
	[dreg:$0xf] =	wrdreg s26  }
0xe: {  	s0 =	sand.u32 $0x1, s0;
	s1 =	sshll.u32 s18, $0x1;
	[dreg:$0x11] =	wrdreg s8  }
0xf: {  	s4 =	smul.u32 $0x2800, s18;
	s12 =	sshll.u32 s18, $0x6;
	[dreg:$0x12] =	wrdreg s9  }
0x10: {  	s1 =	sor.u32 s0, s1;
	s5 =	smul.u32 $0x28000, s0;
	[dreg:$0x13] =	wrdreg s10  }
0x11: {  	s6 =	sadd.s32 $0x16400, s3;
	s0 =	ssub.s32 $0x2, s0;
	[dreg:$0x14] =	wrdreg s11  }
0x12: {  	[dreg:$0x15] =	wrdreg s13;
	s16 =	simm.s32 $0x1400;
	s17 =	simm.s32 $0x5000  }
0x13: {  	s19 =	simm.s32 $0x1600;
	s20 =	simm.s32 $0x1800;
	[dreg:$0x18] =	wrdreg s16  }
0x14: {  	s21 =	simm.s32 $0x1A00;
	s22 =	simm.s32 $0x1C00;
	[dreg:$0x19] =	wrdreg s19  }
0x15: {  	s9 =	simm.s32 $0xD000;
	s23 =	simm.s32 $0x3C00;
	[dreg:$0x1a] =	wrdreg s20  }
0x16: {  	s10 =	simm.s32 $0x1;
	s24 =	simm.s32 $0x3E00;
	[dreg:$0x1b] =	wrdreg s21  }
0x17: {  	s11 =	simm.s32 $0x2;
	s26 =	simm.s32 $0x4200;
	[dreg:$0x1c] =	wrdreg s22  }
0x18: {  	s13 =	simm.s32 $0x4;
	s8 =	simm.s32 $0x5;
	[dreg:$0x1d] =	wrdreg s23  }
0x19: {  	s1 =	smul.u32 $0x500, s1;
	s25 =	sshrl.u32 s0, $0x1;
	[dreg:$0x1e] =	wrdreg s24  }
0x1a: {  	s7 =	sadd.s32 s4, s2;
	s16 =	simm.s32 $0x7000;
	[smem:$0x7FD] =	sst s26  }
0x1b: {  	s24 =	simm.s32 $0x4400;
	s26 =	simm.s32 $0x2200;
	s23 =	simm.s32 $0x4600  }
0x1c: {  	s22 =	simm.s32 $0x4800;
	s21 =	simm.s32 $0x4A00;
	s20 =	simm.s32 $0x4C00  }
0x1d: {  	s19 =	simm.s32 $0x4E00;
	s5 =	sadd.s32 s4, s5;
	s0 =	ssub.s32 s0, s25  }
0x1e: {  	s4 =	sor.u32 $0x1C06, s12;
	s25 =	simm.s32 $0x4000;
	s12 =	simm.s32 $0x3  }
0x1f: {  	s1 =	sadd.s32 s1, s3;
	s5 =	sshrl.u32 s5, $0x3;
	s0 =	smax.u32 s0, $0x1  }
0x20: {  	[dreg:$0x1f] =	wrdreg s25;
	s25 =	simm.s32 $0x2600;
	s14 =	sadd.s32 $0xBE00, s1  }
0x21: {  	s5 =	sadd.s32 s5, s3;
	s1 =	sadd.s32 $0x1E00, s1;
	[dreg:$0x4] =	wrdreg s14  }
0x22: {  	p1 =	sne.s32 s0, $0x1;
	[dreg:$0x5] =	wrdreg s1;
	s15 =	sadd.s32 $0x1B400, s5  }
.Ltmp0:
0x23: {  	s5 =	simm.s32 $0xE00;
	[dreg:$0x6] =	wrdreg s15;
	(pc) =	sbr.rel @!p1 .LBB2_1-.Ltmp0, $4  }
0x24: {  	s3 =	simm.s32 $0x6;
	s14 =	simm.s32 $0x3800;
	[dreg:$0x10] =	wrdreg s5  }
0x25: {  	s1 =	sadd.s32 $0xFFFFFFFF, s0;
	s5 =	sshrl.u32 s7, $0x3;
	[dreg:$0x16] =	wrdreg s14  }
0x26: {  	s15 =	simm.s32 $0x3A00;
	s7 =	simm.s32 $0x200;
	s0 =	rddreg [dreg:$0x4]  }
0x27: {  	s14 =	simm.s32 $0xB000;
	[dreg:$0x17] =	wrdreg s15;
	s15 =	simm.s32 $0x9000  }
0x28: {  	[tilespmem:s30], [sflag:$0x6] =	stream.linear.gather [hbm4b:s0+s30], $0x2800, $0x38;
	[tilespmem:$0x11800] =	vst v63  }
0x29: {  	_ =	swait.ge [sflag:s3], $0x2800  }
0x2a: {  	[sflag:s3] =	ssyncset.done $0x0  }
0x2b: {  	s18 =	rddreg [dreg:$0x5];
	[sflag:s3] =	ssyncadd.s32 $0xFFFFD800  }
0x2c: {  	[tilespmem:s31], [sflag:$0x6] =	stream.linear.gather [hbm4b:s18+s30], $0x2800, $0x38;
	[tilespmem:$0x11800] =	vst v63  }
0x2d: {  	_ =	swait.ge [sflag:s3], $0x2800  }
0x2e: {  	[sflag:s3] =	ssyncset.done $0x0  }
0x2f: {  	s18 =	rddreg [dreg:$0x3];
	[sflag:s3] =	ssyncadd.s32 $0xFFFFD800  }
0x30: {  	[spmem:s5], [sflag:s4] =	dma.local [hbm:s18], $0x500  }
0x31: {  	_ =	swait.ge [sflag:s3], $0x500  }
0x32: {  	[sflag:s3] =	ssyncset.done $0x0  }
0x33: {  	[sflag:s3] =	ssyncadd.s32 $0xFFFFFB00  }
0x34: {  	[bflag:$0x0] =	sbarrier.arrive $0xFFFF  }
0x35: {  	[tilespmem:s17], [sflag:$0x1] =	stream.indirect.gather [hbm4b:s6+s7], $0x10, s30, s7, $0xb8;
	[tilespmem:$0x11800] =	vst v63  }
0x36: {  	_ = 	snop  }
0x37: {  	[tilespmem:s16], [sflag:$0x2] =	stream.indirect.gather [hbm4b:s6+s7], $0x10, s7, s7, $0xb8;
	[tilespmem:$0x11800] =	vst v63  }
0x38: {  	s0 =	rddreg [dreg:$0x7]  }
0x39: {  	[tilespmem:s15], [sflag:$0x3] =	stream.indirect.gather [hbm4b:s6+s7], $0x10, s0, s7, $0xb8;
	[tilespmem:$0x11800] =	vst v63  }
0x3a: {  	s18 =	smov.u32 s1;
	s1 =	rddreg [dreg:$0x8]  }
0x3b: {  	[tilespmem:s14], [sflag:$0x4] =	stream.indirect.gather [hbm4b:s6+s7], $0x10, s1, s7, $0xb8;
	[tilespmem:$0x11800] =	vst v63  }
0x3c: {  	s0 =	rddreg [dreg:$0x9]  }
0x3d: {  	[tilespmem:s9], [sflag:$0x5] =	stream.indirect.gather [hbm4b:s6+s7], $0x10, s0, s7, $0xb8;
	[tilespmem:$0x11800] =	vst v63  }
0x3e: {  	_ =	swait.ge [sflag:s10], $0x2000  }
0x3f: {  	[sflag:s10] =	ssyncset.done $0x0  }
0x40: {  	[sflag:s10] =	ssyncadd.s32 $0xFFFFE000  }
0x41: {  	[spmem:s2] =	stream.indirect.scatter.add.f32 [tilespmem:s17], [sflag:$0x1], $0x10, s31, s7, $0xb8;
	[tilespmem:$0x11800] =	vst v63  }
0x42: {  	_ =	swait.ge [sflag:s11], $0x2000  }
0x43: {  	[sflag:s11] =	ssyncset.done $0x0  }
0x44: {  	s1 =	rddreg [dreg:$0xa];
	[sflag:s11] =	ssyncadd.s32 $0xFFFFE000  }
0x45: {  	[spmem:s2] =	stream.indirect.scatter.add.f32 [tilespmem:s16], [sflag:$0x2], $0x10, s1, s7, $0xb8;
	[tilespmem:$0x11800] =	vst v63  }
0x46: {  	_ =	swait.ge [sflag:s12], $0x2000  }
0x47: {  	[sflag:s12] =	ssyncset.done $0x0  }
0x48: {  	s1 =	rddreg [dreg:$0xb];
	[sflag:s12] =	ssyncadd.s32 $0xFFFFE000  }
0x49: {  	[spmem:s2] =	stream.indirect.scatter.add.f32 [tilespmem:s15], [sflag:$0x3], $0x10, s1, s7, $0xb8;
	[tilespmem:$0x11800] =	vst v63  }
0x4a: {  	_ =	swait.ge [sflag:s13], $0x2000  }
0x4b: {  	[sflag:s13] =	ssyncset.done $0x0  }
0x4c: {  	s1 =	rddreg [dreg:$0xc];
	[sflag:s13] =	ssyncadd.s32 $0xFFFFE000  }
0x4d: {  	[spmem:s2] =	stream.indirect.scatter.add.f32 [tilespmem:s14], [sflag:$0x4], $0x10, s1, s7, $0xb8;
	[tilespmem:$0x11800] =	vst v63  }
0x4e: {  	_ =	swait.ge [sflag:s8], $0x2000  }
0x4f: {  	[sflag:s8] =	ssyncset.done $0x0  }
0x50: {  	s1 =	rddreg [dreg:$0xd];
	[sflag:s8] =	ssyncadd.s32 $0xFFFFE000  }
0x51: {  	[spmem:s2] =	stream.indirect.scatter.add.f32 [tilespmem:s9], [sflag:$0x5], $0x10, s1, s7, $0xb8;
	[tilespmem:$0x11800] =	vst v63  }
0x52: {  	_ =	swait.ge [sflag:s10], $0x2000  }
0x53: {  	[sflag:s10] =	ssyncset.done $0x0  }
0x54: {  	s1 =	rddreg [dreg:$0xe];
	[sflag:s10] =	ssyncadd.s32 $0xFFFFE000  }
0x55: {  	[tilespmem:s17], [sflag:$0x1] =	stream.indirect.gather [hbm4b:s6+s7], $0x10, s1, s7, $0xb8;
	[tilespmem:$0x11800] =	vst v63  }
0x56: {  	_ =	swait.ge [sflag:s11], $0x2000  }
0x57: {  	[sflag:s11] =	ssyncset.done $0x0  }
0x58: {  	s1 =	rddreg [dreg:$0xf];
	[sflag:s11] =	ssyncadd.s32 $0xFFFFE000  }
0x59: {  	[tilespmem:s16], [sflag:$0x2] =	stream.indirect.gather [hbm4b:s6+s7], $0x10, s1, s7, $0xb8;
	[tilespmem:$0x11800] =	vst v63  }
0x5a: {  	_ =	swait.ge [sflag:s12], $0x2000  }
0x5b: {  	[sflag:s12] =	ssyncset.done $0x0  }
0x5c: {  	s1 =	rddreg [dreg:$0x10];
	[sflag:s12] =	ssyncadd.s32 $0xFFFFE000  }
0x5d: {  	[tilespmem:s15], [sflag:$0x3] =	stream.indirect.gather [hbm4b:s6+s7], $0x10, s1, s7, $0xb8;
	[tilespmem:$0x11800] =	vst v63  }
0x5e: {  	_ =	swait.ge [sflag:s13], $0x2000  }
0x5f: {  	[sflag:s13] =	ssyncset.done $0x0  }
0x60: {  	s1 =	rddreg [dreg:$0x11];
	[sflag:s13] =	ssyncadd.s32 $0xFFFFE000  }
0x61: {  	[tilespmem:s14], [sflag:$0x4] =	stream.indirect.gather [hbm4b:s6+s7], $0x10, s1, s7, $0xb8;
	[tilespmem:$0x11800] =	vst v63  }
0x62: {  	_ =	swait.ge [sflag:s8], $0x2000  }
0x63: {  	[sflag:s8] =	ssyncset.done $0x0  }
0x64: {  	s1 =	rddreg [dreg:$0x12];
	[sflag:s8] =	ssyncadd.s32 $0xFFFFE000  }
0x65: {  	[tilespmem:s9], [sflag:$0x5] =	stream.indirect.gather [hbm4b:s6+s7], $0x10, s1, s7, $0xb8;
	[tilespmem:$0x11800] =	vst v63  }
0x66: {  	_ =	swait.ge [sflag:s10], $0x2000  }
0x67: {  	[sflag:s10] =	ssyncset.done $0x0  }
0x68: {  	s1 =	rddreg [dreg:$0x13];
	[sflag:s10] =	ssyncadd.s32 $0xFFFFE000  }
0x69: {  	[spmem:s2] =	stream.indirect.scatter.add.f32 [tilespmem:s17], [sflag:$0x1], $0x10, s1, s7, $0xb8;
	[tilespmem:$0x11800] =	vst v63  }
0x6a: {  	_ =	swait.ge [sflag:s11], $0x2000  }
0x6b: {  	[sflag:s11] =	ssyncset.done $0x0  }
0x6c: {  	s1 =	rddreg [dreg:$0x14];
	[sflag:s11] =	ssyncadd.s32 $0xFFFFE000  }
0x6d: {  	[spmem:s2] =	stream.indirect.scatter.add.f32 [tilespmem:s16], [sflag:$0x2], $0x10, s1, s7, $0xb8;
	[tilespmem:$0x11800] =	vst v63  }
0x6e: {  	_ =	swait.ge [sflag:s12], $0x2000  }
0x6f: {  	[sflag:s12] =	ssyncset.done $0x0  }
0x70: {  	s1 =	rddreg [dreg:$0x15];
	[sflag:s12] =	ssyncadd.s32 $0xFFFFE000  }
0x71: {  	[spmem:s2] =	stream.indirect.scatter.add.f32 [tilespmem:s15], [sflag:$0x3], $0x10, s1, s7, $0xb8;
	[tilespmem:$0x11800] =	vst v63  }
0x72: {  	_ =	swait.ge [sflag:s13], $0x2000  }
0x73: {  	[sflag:s13] =	ssyncset.done $0x0  }
0x74: {  	s1 =	rddreg [dreg:$0x16];
	[sflag:s13] =	ssyncadd.s32 $0xFFFFE000  }
0x75: {  	[spmem:s2] =	stream.indirect.scatter.add.f32 [tilespmem:s14], [sflag:$0x4], $0x10, s1, s7, $0xb8;
	[tilespmem:$0x11800] =	vst v63  }
0x76: {  	_ =	swait.ge [sflag:s8], $0x2000  }
0x77: {  	[sflag:s8] =	ssyncset.done $0x0  }
0x78: {  	s1 =	rddreg [dreg:$0x17];
	[sflag:s8] =	ssyncadd.s32 $0xFFFFE000  }
0x79: {  	[spmem:s2] =	stream.indirect.scatter.add.f32 [tilespmem:s9], [sflag:$0x5], $0x10, s1, s7, $0xb8;
	[tilespmem:$0x11800] =	vst v63  }
0x7a: {  	_ =	swait.ge [sflag:s10], $0x2000  }
0x7b: {  	[sflag:s10] =	ssyncset.done $0x0  }
0x7c: {  	s1 =	rddreg [dreg:$0x18];
	[sflag:s10] =	ssyncadd.s32 $0xFFFFE000  }
0x7d: {  	[tilespmem:s17], [sflag:$0x1] =	stream.indirect.gather [hbm4b:s6+s7], $0x10, s1, s7, $0xb8;
	[tilespmem:$0x11800] =	vst v63  }
0x7e: {  	_ =	swait.ge [sflag:s11], $0x2000  }
0x7f: {  	[sflag:s11] =	ssyncset.done $0x0  }
0x80: {  	s1 =	rddreg [dreg:$0x19];
	[sflag:s11] =	ssyncadd.s32 $0xFFFFE000  }
0x81: {  	[tilespmem:s16], [sflag:$0x2] =	stream.indirect.gather [hbm4b:s6+s7], $0x10, s1, s7, $0xb8;
	[tilespmem:$0x11800] =	vst v63  }
0x82: {  	_ =	swait.ge [sflag:s12], $0x2000  }
0x83: {  	[sflag:s12] =	ssyncset.done $0x0  }
0x84: {  	s1 =	rddreg [dreg:$0x1a];
	[sflag:s12] =	ssyncadd.s32 $0xFFFFE000  }
0x85: {  	[tilespmem:s15], [sflag:$0x3] =	stream.indirect.gather [hbm4b:s6+s7], $0x10, s1, s7, $0xb8;
	[tilespmem:$0x11800] =	vst v63  }
0x86: {  	_ =	swait.ge [sflag:s13], $0x2000  }
0x87: {  	[sflag:s13] =	ssyncset.done $0x0  }
0x88: {  	s1 =	rddreg [dreg:$0x1b];
	[sflag:s13] =	ssyncadd.s32 $0xFFFFE000  }
0x89: {  	[tilespmem:s14], [sflag:$0x4] =	stream.indirect.gather [hbm4b:s6+s7], $0x10, s1, s7, $0xb8;
	[tilespmem:$0x11800] =	vst v63  }
0x8a: {  	_ =	swait.ge [sflag:s8], $0x2000  }
0x8b: {  	[sflag:s8] =	ssyncset.done $0x0  }
0x8c: {  	s1 =	rddreg [dreg:$0x1c];
	[sflag:s8] =	ssyncadd.s32 $0xFFFFE000  }
0x8d: {  	[tilespmem:s9], [sflag:$0x5] =	stream.indirect.gather [hbm4b:s6+s7], $0x10, s1, s7, $0xb8;
	[tilespmem:$0x11800] =	vst v63  }
0x8e: {  	_ =	swait.ge [sflag:s10], $0x2000  }
0x8f: {  	[sflag:s10] =	ssyncset.done $0x0  }
0x90: {  	s1 =	rddreg [dreg:$0x1d];
	[sflag:s10] =	ssyncadd.s32 $0xFFFFE000  }
0x91: {  	[spmem:s2] =	stream.indirect.scatter.add.f32 [tilespmem:s17], [sflag:$0x1], $0x10, s1, s7, $0xb8;
	[tilespmem:$0x11800] =	vst v63  }
0x92: {  	_ =	swait.ge [sflag:s11], $0x2000  }
0x93: {  	[sflag:s11] =	ssyncset.done $0x0  }
0x94: {  	s1 =	rddreg [dreg:$0x1e];
	[sflag:s11] =	ssyncadd.s32 $0xFFFFE000  }
0x95: {  	[spmem:s2] =	stream.indirect.scatter.add.f32 [tilespmem:s16], [sflag:$0x2], $0x10, s1, s7, $0xb8;
	[tilespmem:$0x11800] =	vst v63  }
0x96: {  	_ =	swait.ge [sflag:s12], $0x2000  }
0x97: {  	[sflag:s12] =	ssyncset.done $0x0  }
0x98: {  	s1 =	rddreg [dreg:$0x1f];
	[sflag:s12] =	ssyncadd.s32 $0xFFFFE000  }
0x99: {  	[spmem:s2] =	stream.indirect.scatter.add.f32 [tilespmem:s15], [sflag:$0x3], $0x10, s1, s7, $0xb8;
	[tilespmem:$0x11800] =	vst v63  }
0x9a: {  	_ =	swait.ge [sflag:s13], $0x2000  }
0x9b: {  	s1 =	sld [smem:$0x7FD]  }
0x9c: {  	[sflag:s13] =	ssyncset.done $0x0  }
0x9d: {  	[sflag:s13] =	ssyncadd.s32 $0xFFFFE000  }
0x9e: {  	[spmem:s2] =	stream.indirect.scatter.add.f32 [tilespmem:s14], [sflag:$0x4], $0x10, s1, s7, $0xb8;
	[tilespmem:$0x11800] =	vst v63  }
0x9f: {  	_ =	swait.ge [sflag:s8], $0x2000  }
0xa0: {  	[sflag:s8] =	ssyncset.done $0x0  }
0xa1: {  	[sflag:s8] =	ssyncadd.s32 $0xFFFFE000  }
0xa2: {  	[spmem:s2] =	stream.indirect.scatter.add.f32 [tilespmem:s9], [sflag:$0x5], $0x10, s24, s7, $0xb8;
	[tilespmem:$0x11800] =	vst v63  }
0xa3: {  	_ =	swait.ge [sflag:s10], $0x2000  }
0xa4: {  	[sflag:s10] =	ssyncset.done $0x0  }
0xa5: {  	[sflag:s10] =	ssyncadd.s32 $0xFFFFE000  }
0xa6: {  	[tilespmem:s17], [sflag:$0x1] =	stream.indirect.gather [hbm4b:s6+s7], $0x10, s29, s7, $0xb8;
	[tilespmem:$0x11800] =	vst v63  }
0xa7: {  	_ =	swait.ge [sflag:s11], $0x2000  }
0xa8: {  	[sflag:s11] =	ssyncset.done $0x0  }
0xa9: {  	[sflag:s11] =	ssyncadd.s32 $0xFFFFE000  }
0xaa: {  	[tilespmem:s16], [sflag:$0x2] =	stream.indirect.gather [hbm4b:s6+s7], $0x10, s28, s7, $0xb8;
	[tilespmem:$0x11800] =	vst v63  }
0xab: {  	_ =	swait.ge [sflag:s12], $0x2000  }
0xac: {  	[sflag:s12] =	ssyncset.done $0x0  }
0xad: {  	[sflag:s12] =	ssyncadd.s32 $0xFFFFE000  }
0xae: {  	[tilespmem:s15], [sflag:$0x3] =	stream.indirect.gather [hbm4b:s6+s7], $0x10, s26, s7, $0xb8;
	[tilespmem:$0x11800] =	vst v63  }
0xaf: {  	_ =	swait.ge [sflag:s13], $0x2000  }
0xb0: {  	[sflag:s13] =	ssyncset.done $0x0  }
0xb1: {  	s1 =	simm.s32 $0x2400;
	[sflag:s13] =	ssyncadd.s32 $0xFFFFE000  }
0xb2: {  	[tilespmem:s14], [sflag:$0x4] =	stream.indirect.gather [hbm4b:s6+s7], $0x10, s1, s7, $0xb8;
	[tilespmem:$0x11800] =	vst v63  }
0xb3: {  	_ =	swait.ge [sflag:s8], $0x2000  }
0xb4: {  	[sflag:s8] =	ssyncset.done $0x0  }
0xb5: {  	[sflag:s8] =	ssyncadd.s32 $0xFFFFE000  }
0xb6: {  	[tilespmem:s9], [sflag:$0x5] =	stream.indirect.gather [hbm4b:s6+s7], $0x10, s25, s7, $0xb8;
	[tilespmem:$0x11800] =	vst v63  }
0xb7: {  	_ =	swait.ge [sflag:s10], $0x2000  }
0xb8: {  	[sflag:s10] =	ssyncset.done $0x0  }
0xb9: {  	[sflag:s10] =	ssyncadd.s32 $0xFFFFE000  }
0xba: {  	[spmem:s2] =	stream.indirect.scatter.add.f32 [tilespmem:s17], [sflag:$0x1], $0x10, s23, s7, $0xb8;
	[tilespmem:$0x11800] =	vst v63  }
0xbb: {  	_ =	swait.ge [sflag:s11], $0x2000  }
0xbc: {  	[sflag:s11] =	ssyncset.done $0x0  }
0xbd: {  	[sflag:s11] =	ssyncadd.s32 $0xFFFFE000  }
0xbe: {  	[spmem:s2] =	stream.indirect.scatter.add.f32 [tilespmem:s16], [sflag:$0x2], $0x10, s22, s7, $0xb8;
	[tilespmem:$0x11800] =	vst v63  }
0xbf: {  	_ =	swait.ge [sflag:s12], $0x2000  }
0xc0: {  	[sflag:s12] =	ssyncset.done $0x0  }
0xc1: {  	[sflag:s12] =	ssyncadd.s32 $0xFFFFE000  }
0xc2: {  	[spmem:s2] =	stream.indirect.scatter.add.f32 [tilespmem:s15], [sflag:$0x3], $0x10, s21, s7, $0xb8;
	[tilespmem:$0x11800] =	vst v63  }
0xc3: {  	_ =	swait.ge [sflag:s13], $0x2000  }
0xc4: {  	[sflag:s13] =	ssyncset.done $0x0  }
0xc5: {  	[sflag:s13] =	ssyncadd.s32 $0xFFFFE000  }
0xc6: {  	[spmem:s2] =	stream.indirect.scatter.add.f32 [tilespmem:s14], [sflag:$0x4], $0x10, s20, s7, $0xb8;
	[tilespmem:$0x11800] =	vst v63  }
0xc7: {  	_ =	swait.ge [sflag:s8], $0x2000  }
0xc8: {  	[sflag:s8] =	ssyncset.done $0x0  }
0xc9: {  	[sflag:s8] =	ssyncadd.s32 $0xFFFFE000  }
0xca: {  	[spmem:s2] =	stream.indirect.scatter.add.f32 [tilespmem:s9], [sflag:$0x5], $0x10, s19, s7, $0xb8;
	[tilespmem:$0x11800] =	vst v63  }
0xcb: {  	_ =	swait.ge [sflag:s10], $0x2000  }
0xcc: {  	[sflag:s10] =	ssyncset.done $0x0  }
0xcd: {  	[sflag:s10] =	ssyncadd.s32 $0xFFFFE000  }
0xce: {  	_ =	swait.ge [sflag:s11], $0x2000  }
0xcf: {  	[sflag:s11] =	ssyncset.done $0x0  }
0xd0: {  	[sflag:s11] =	ssyncadd.s32 $0xFFFFE000  }
0xd1: {  	_ =	swait.ge [sflag:s12], $0x2000  }
0xd2: {  	[sflag:s12] =	ssyncset.done $0x0  }
0xd3: {  	[sflag:s12] =	ssyncadd.s32 $0xFFFFE000  }
0xd4: {  	_ =	swait.ge [sflag:s13], $0x2000  }
0xd5: {  	[sflag:s13] =	ssyncset.done $0x0  }
0xd6: {  	[sflag:s13] =	ssyncadd.s32 $0xFFFFE000  }
0xd7: {  	_ =	swait.ge [sflag:s8], $0x2000  }
0xd8: {  	[sflag:s8] =	ssyncset.done $0x0  }
0xd9: {  	p1 =	sne.s32 s18, $0x1;
	[sflag:s8] =	ssyncadd.s32 $0xFFFFE000  }
.Ltmp1:
0xda: {  	[bflag:$0x0] =	sbarrier.arrive $0xFFFF;
	(pc) =	sbr.rel @!p1 .LBB2_3-.Ltmp1, $4  }
0xdb: {  	s1 =	rddreg [dreg:$0x6]  }
0xdc: {  	[hbm:s1], [sflag:s4] =	dma.local [spmem:s5], $0x500  }
0xdd: {  	p0 =	por $0x1, $0x1;
	_ =	swait.ge [sflag:s3], $0x500  }
0xde: {  	s1 =	sadd.s32 $0xFFFFFFFF, s18;
	s0 =	rddreg [dreg:$0x4];
	[sflag:s3] =	ssyncset.done $0x0  }
.LBB2_4:
0xdf: {  	[sflag:s3] =	ssyncadd.s32 $0xFFFFFB00  }
0xe0: {  	[tilespmem:s30], [sflag:$0x6] =	stream.linear.gather [hbm4b:s0+s30], $0x2800, $0x38;
	[tilespmem:$0x11800] =	vst v63  }
0xe1: {  	_ =	swait.ge [sflag:s3], $0x2800  }
0xe2: {  	[sflag:s3] =	ssyncset.done $0x0  }
0xe3: {  	s18 =	rddreg [dreg:$0x5];
	[sflag:s3] =	ssyncadd.s32 $0xFFFFD800  }
0xe4: {  	[tilespmem:s31], [sflag:$0x6] =	stream.linear.gather [hbm4b:s18+s30], $0x2800, $0x38;
	[tilespmem:$0x11800] =	vst v63  }
0xe5: {  	_ =	swait.ge [sflag:s3], $0x2800  }
0xe6: {  	[sflag:s3] =	ssyncset.done $0x0  }
0xe7: {  	s18 =	rddreg [dreg:$0x3];
	[sflag:s3] =	ssyncadd.s32 $0xFFFFD800  }
0xe8: {  	[spmem:s5], [sflag:s4] =	dma.local [hbm:s18], $0x500  }
0xe9: {  	_ =	swait.ge [sflag:s3], $0x500  }
0xea: {  	[sflag:s3] =	ssyncset.done $0x0  }
0xeb: {  	[sflag:s3] =	ssyncadd.s32 $0xFFFFFB00  }
0xec: {  	[bflag:$0x0] =	sbarrier.arrive $0xFFFF  }
0xed: {  	[tilespmem:s17], [sflag:$0x1] =	stream.indirect.gather [hbm4b:s6+s7], $0x10, s30, s7, $0xb8;
	[tilespmem:$0x11800] =	vst v63  }
0xee: {  	_ = 	snop  }
0xef: {  	[tilespmem:s16], [sflag:$0x2] =	stream.indirect.gather [hbm4b:s6+s7], $0x10, s7, s7, $0xb8;
	[tilespmem:$0x11800] =	vst v63  }
0xf0: {  	s0 =	rddreg [dreg:$0x7]  }
0xf1: {  	[tilespmem:s15], [sflag:$0x3] =	stream.indirect.gather [hbm4b:s6+s7], $0x10, s0, s7, $0xb8;
	[tilespmem:$0x11800] =	vst v63  }
0xf2: {  	s18 =	rddreg [dreg:$0x8]  }
0xf3: {  	[tilespmem:s14], [sflag:$0x4] =	stream.indirect.gather [hbm4b:s6+s7], $0x10, s18, s7, $0xb8;
	[tilespmem:$0x11800] =	vst v63  }
0xf4: {  	s0 =	rddreg [dreg:$0x9]  }
0xf5: {  	[tilespmem:s9], [sflag:$0x5] =	stream.indirect.gather [hbm4b:s6+s7], $0x10, s0, s7, $0xb8;
	[tilespmem:$0x11800] =	vst v63  }
0xf6: {  	_ =	swait.ge [sflag:s10], $0x2000  }
0xf7: {  	[sflag:s10] =	ssyncset.done $0x0  }
0xf8: {  	[sflag:s10] =	ssyncadd.s32 $0xFFFFE000  }
0xf9: {  	[spmem:s2] =	stream.indirect.scatter.add.f32 [tilespmem:s17], [sflag:$0x1], $0x10, s31, s7, $0xb8;
	[tilespmem:$0x11800] =	vst v63  }
0xfa: {  	_ =	swait.ge [sflag:s11], $0x2000  }
0xfb: {  	[sflag:s11] =	ssyncset.done $0x0  }
0xfc: {  	s18 =	rddreg [dreg:$0xa];
	[sflag:s11] =	ssyncadd.s32 $0xFFFFE000  }
0xfd: {  	[spmem:s2] =	stream.indirect.scatter.add.f32 [tilespmem:s16], [sflag:$0x2], $0x10, s18, s7, $0xb8;
	[tilespmem:$0x11800] =	vst v63  }
0xfe: {  	_ =	swait.ge [sflag:s12], $0x2000  }
0xff: {  	[sflag:s12] =	ssyncset.done $0x0  }
0x100: {  	s18 =	rddreg [dreg:$0xb];
	[sflag:s12] =	ssyncadd.s32 $0xFFFFE000  }
0x101: {  	[spmem:s2] =	stream.indirect.scatter.add.f32 [tilespmem:s15], [sflag:$0x3], $0x10, s18, s7, $0xb8;
	[tilespmem:$0x11800] =	vst v63  }
0x102: {  	_ =	swait.ge [sflag:s13], $0x2000  }
0x103: {  	[sflag:s13] =	ssyncset.done $0x0  }
0x104: {  	s18 =	rddreg [dreg:$0xc];
	[sflag:s13] =	ssyncadd.s32 $0xFFFFE000  }
0x105: {  	[spmem:s2] =	stream.indirect.scatter.add.f32 [tilespmem:s14], [sflag:$0x4], $0x10, s18, s7, $0xb8;
	[tilespmem:$0x11800] =	vst v63  }
0x106: {  	_ =	swait.ge [sflag:s8], $0x2000  }
0x107: {  	[sflag:s8] =	ssyncset.done $0x0  }
0x108: {  	s18 =	rddreg [dreg:$0xd];
	[sflag:s8] =	ssyncadd.s32 $0xFFFFE000  }
0x109: {  	[spmem:s2] =	stream.indirect.scatter.add.f32 [tilespmem:s9], [sflag:$0x5], $0x10, s18, s7, $0xb8;
	[tilespmem:$0x11800] =	vst v63  }
0x10a: {  	_ =	swait.ge [sflag:s10], $0x2000  }
0x10b: {  	[sflag:s10] =	ssyncset.done $0x0  }
0x10c: {  	s18 =	rddreg [dreg:$0xe];
	[sflag:s10] =	ssyncadd.s32 $0xFFFFE000  }
0x10d: {  	[tilespmem:s17], [sflag:$0x1] =	stream.indirect.gather [hbm4b:s6+s7], $0x10, s18, s7, $0xb8;
	[tilespmem:$0x11800] =	vst v63  }
0x10e: {  	_ =	swait.ge [sflag:s11], $0x2000  }
0x10f: {  	[sflag:s11] =	ssyncset.done $0x0  }
0x110: {  	s18 =	rddreg [dreg:$0xf];
	[sflag:s11] =	ssyncadd.s32 $0xFFFFE000  }
0x111: {  	[tilespmem:s16], [sflag:$0x2] =	stream.indirect.gather [hbm4b:s6+s7], $0x10, s18, s7, $0xb8;
	[tilespmem:$0x11800] =	vst v63  }
0x112: {  	_ =	swait.ge [sflag:s12], $0x2000  }
0x113: {  	[sflag:s12] =	ssyncset.done $0x0  }
0x114: {  	s18 =	rddreg [dreg:$0x10];
	[sflag:s12] =	ssyncadd.s32 $0xFFFFE000  }
0x115: {  	[tilespmem:s15], [sflag:$0x3] =	stream.indirect.gather [hbm4b:s6+s7], $0x10, s18, s7, $0xb8;
	[tilespmem:$0x11800] =	vst v63  }
0x116: {  	_ =	swait.ge [sflag:s13], $0x2000  }
0x117: {  	[sflag:s13] =	ssyncset.done $0x0  }
0x118: {  	s18 =	rddreg [dreg:$0x11];
	[sflag:s13] =	ssyncadd.s32 $0xFFFFE000  }
0x119: {  	[tilespmem:s14], [sflag:$0x4] =	stream.indirect.gather [hbm4b:s6+s7], $0x10, s18, s7, $0xb8;
	[tilespmem:$0x11800] =	vst v63  }
0x11a: {  	_ =	swait.ge [sflag:s8], $0x2000  }
0x11b: {  	[sflag:s8] =	ssyncset.done $0x0  }
0x11c: {  	s18 =	rddreg [dreg:$0x12];
	[sflag:s8] =	ssyncadd.s32 $0xFFFFE000  }
0x11d: {  	[tilespmem:s9], [sflag:$0x5] =	stream.indirect.gather [hbm4b:s6+s7], $0x10, s18, s7, $0xb8;
	[tilespmem:$0x11800] =	vst v63  }
0x11e: {  	_ =	swait.ge [sflag:s10], $0x2000  }
0x11f: {  	[sflag:s10] =	ssyncset.done $0x0  }
0x120: {  	s18 =	rddreg [dreg:$0x13];
	[sflag:s10] =	ssyncadd.s32 $0xFFFFE000  }
0x121: {  	[spmem:s2] =	stream.indirect.scatter.add.f32 [tilespmem:s17], [sflag:$0x1], $0x10, s18, s7, $0xb8;
	[tilespmem:$0x11800] =	vst v63  }
0x122: {  	_ =	swait.ge [sflag:s11], $0x2000  }
0x123: {  	[sflag:s11] =	ssyncset.done $0x0  }
0x124: {  	s18 =	rddreg [dreg:$0x14];
	[sflag:s11] =	ssyncadd.s32 $0xFFFFE000  }
0x125: {  	[spmem:s2] =	stream.indirect.scatter.add.f32 [tilespmem:s16], [sflag:$0x2], $0x10, s18, s7, $0xb8;
	[tilespmem:$0x11800] =	vst v63  }
0x126: {  	_ =	swait.ge [sflag:s12], $0x2000  }
0x127: {  	[sflag:s12] =	ssyncset.done $0x0  }
0x128: {  	s18 =	rddreg [dreg:$0x15];
	[sflag:s12] =	ssyncadd.s32 $0xFFFFE000  }
0x129: {  	[spmem:s2] =	stream.indirect.scatter.add.f32 [tilespmem:s15], [sflag:$0x3], $0x10, s18, s7, $0xb8;
	[tilespmem:$0x11800] =	vst v63  }
0x12a: {  	_ =	swait.ge [sflag:s13], $0x2000  }
0x12b: {  	[sflag:s13] =	ssyncset.done $0x0  }
0x12c: {  	s18 =	rddreg [dreg:$0x16];
	[sflag:s13] =	ssyncadd.s32 $0xFFFFE000  }
0x12d: {  	[spmem:s2] =	stream.indirect.scatter.add.f32 [tilespmem:s14], [sflag:$0x4], $0x10, s18, s7, $0xb8;
	[tilespmem:$0x11800] =	vst v63  }
0x12e: {  	_ =	swait.ge [sflag:s8], $0x2000  }
0x12f: {  	[sflag:s8] =	ssyncset.done $0x0  }
0x130: {  	s18 =	rddreg [dreg:$0x17];
	[sflag:s8] =	ssyncadd.s32 $0xFFFFE000  }
0x131: {  	[spmem:s2] =	stream.indirect.scatter.add.f32 [tilespmem:s9], [sflag:$0x5], $0x10, s18, s7, $0xb8;
	[tilespmem:$0x11800] =	vst v63  }
0x132: {  	_ =	swait.ge [sflag:s10], $0x2000  }
0x133: {  	[sflag:s10] =	ssyncset.done $0x0  }
0x134: {  	s18 =	rddreg [dreg:$0x18];
	[sflag:s10] =	ssyncadd.s32 $0xFFFFE000  }
0x135: {  	[tilespmem:s17], [sflag:$0x1] =	stream.indirect.gather [hbm4b:s6+s7], $0x10, s18, s7, $0xb8;
	[tilespmem:$0x11800] =	vst v63  }
0x136: {  	_ =	swait.ge [sflag:s11], $0x2000  }
0x137: {  	[sflag:s11] =	ssyncset.done $0x0  }
0x138: {  	s18 =	rddreg [dreg:$0x19];
	[sflag:s11] =	ssyncadd.s32 $0xFFFFE000  }
0x139: {  	[tilespmem:s16], [sflag:$0x2] =	stream.indirect.gather [hbm4b:s6+s7], $0x10, s18, s7, $0xb8;
	[tilespmem:$0x11800] =	vst v63  }
0x13a: {  	_ =	swait.ge [sflag:s12], $0x2000  }
0x13b: {  	[sflag:s12] =	ssyncset.done $0x0  }
0x13c: {  	s18 =	rddreg [dreg:$0x1a];
	[sflag:s12] =	ssyncadd.s32 $0xFFFFE000  }
0x13d: {  	[tilespmem:s15], [sflag:$0x3] =	stream.indirect.gather [hbm4b:s6+s7], $0x10, s18, s7, $0xb8;
	[tilespmem:$0x11800] =	vst v63  }
0x13e: {  	_ =	swait.ge [sflag:s13], $0x2000  }
0x13f: {  	[sflag:s13] =	ssyncset.done $0x0  }
0x140: {  	s18 =	rddreg [dreg:$0x1b];
	[sflag:s13] =	ssyncadd.s32 $0xFFFFE000  }
0x141: {  	[tilespmem:s14], [sflag:$0x4] =	stream.indirect.gather [hbm4b:s6+s7], $0x10, s18, s7, $0xb8;
	[tilespmem:$0x11800] =	vst v63  }
0x142: {  	_ =	swait.ge [sflag:s8], $0x2000  }
0x143: {  	[sflag:s8] =	ssyncset.done $0x0  }
0x144: {  	s18 =	rddreg [dreg:$0x1c];
	[sflag:s8] =	ssyncadd.s32 $0xFFFFE000  }
0x145: {  	[tilespmem:s9], [sflag:$0x5] =	stream.indirect.gather [hbm4b:s6+s7], $0x10, s18, s7, $0xb8;
	[tilespmem:$0x11800] =	vst v63  }
0x146: {  	_ =	swait.ge [sflag:s10], $0x2000  }
0x147: {  	[sflag:s10] =	ssyncset.done $0x0  }
0x148: {  	s18 =	rddreg [dreg:$0x1d];
	[sflag:s10] =	ssyncadd.s32 $0xFFFFE000  }
0x149: {  	[spmem:s2] =	stream.indirect.scatter.add.f32 [tilespmem:s17], [sflag:$0x1], $0x10, s18, s7, $0xb8;
	[tilespmem:$0x11800] =	vst v63  }
0x14a: {  	_ =	swait.ge [sflag:s11], $0x2000  }
0x14b: {  	[sflag:s11] =	ssyncset.done $0x0  }
0x14c: {  	s18 =	rddreg [dreg:$0x1e];
	[sflag:s11] =	ssyncadd.s32 $0xFFFFE000  }
0x14d: {  	[spmem:s2] =	stream.indirect.scatter.add.f32 [tilespmem:s16], [sflag:$0x2], $0x10, s18, s7, $0xb8;
	[tilespmem:$0x11800] =	vst v63  }
0x14e: {  	_ =	swait.ge [sflag:s12], $0x2000  }
0x14f: {  	[sflag:s12] =	ssyncset.done $0x0  }
0x150: {  	s18 =	rddreg [dreg:$0x1f];
	[sflag:s12] =	ssyncadd.s32 $0xFFFFE000  }
0x151: {  	[spmem:s2] =	stream.indirect.scatter.add.f32 [tilespmem:s15], [sflag:$0x3], $0x10, s18, s7, $0xb8;
	[tilespmem:$0x11800] =	vst v63  }
0x152: {  	_ =	swait.ge [sflag:s13], $0x2000  }
0x153: {  	s18 =	sld [smem:$0x7FD]  }
0x154: {  	[sflag:s13] =	ssyncset.done $0x0  }
0x155: {  	[sflag:s13] =	ssyncadd.s32 $0xFFFFE000  }
0x156: {  	[spmem:s2] =	stream.indirect.scatter.add.f32 [tilespmem:s14], [sflag:$0x4], $0x10, s18, s7, $0xb8;
	[tilespmem:$0x11800] =	vst v63  }
0x157: {  	_ =	swait.ge [sflag:s8], $0x2000  }
0x158: {  	[sflag:s8] =	ssyncset.done $0x0  }
0x159: {  	[sflag:s8] =	ssyncadd.s32 $0xFFFFE000  }
0x15a: {  	[spmem:s2] =	stream.indirect.scatter.add.f32 [tilespmem:s9], [sflag:$0x5], $0x10, s24, s7, $0xb8;
	[tilespmem:$0x11800] =	vst v63  }
0x15b: {  	_ =	swait.ge [sflag:s10], $0x2000  }
0x15c: {  	[sflag:s10] =	ssyncset.done $0x0  }
0x15d: {  	[sflag:s10] =	ssyncadd.s32 $0xFFFFE000  }
0x15e: {  	[tilespmem:s17], [sflag:$0x1] =	stream.indirect.gather [hbm4b:s6+s7], $0x10, s29, s7, $0xb8;
	[tilespmem:$0x11800] =	vst v63  }
0x15f: {  	_ =	swait.ge [sflag:s11], $0x2000  }
0x160: {  	[sflag:s11] =	ssyncset.done $0x0  }
0x161: {  	[sflag:s11] =	ssyncadd.s32 $0xFFFFE000  }
0x162: {  	[tilespmem:s16], [sflag:$0x2] =	stream.indirect.gather [hbm4b:s6+s7], $0x10, s28, s7, $0xb8;
	[tilespmem:$0x11800] =	vst v63  }
0x163: {  	_ =	swait.ge [sflag:s12], $0x2000  }
0x164: {  	[sflag:s12] =	ssyncset.done $0x0  }
0x165: {  	[sflag:s12] =	ssyncadd.s32 $0xFFFFE000  }
0x166: {  	[tilespmem:s15], [sflag:$0x3] =	stream.indirect.gather [hbm4b:s6+s7], $0x10, s26, s7, $0xb8;
	[tilespmem:$0x11800] =	vst v63  }
0x167: {  	_ =	swait.ge [sflag:s13], $0x2000  }
0x168: {  	[sflag:s13] =	ssyncset.done $0x0  }
0x169: {  	s18 =	simm.s32 $0x2400;
	[sflag:s13] =	ssyncadd.s32 $0xFFFFE000  }
0x16a: {  	[tilespmem:s14], [sflag:$0x4] =	stream.indirect.gather [hbm4b:s6+s7], $0x10, s18, s7, $0xb8;
	[tilespmem:$0x11800] =	vst v63  }
0x16b: {  	_ =	swait.ge [sflag:s8], $0x2000  }
0x16c: {  	[sflag:s8] =	ssyncset.done $0x0  }
0x16d: {  	[sflag:s8] =	ssyncadd.s32 $0xFFFFE000  }
0x16e: {  	[tilespmem:s9], [sflag:$0x5] =	stream.indirect.gather [hbm4b:s6+s7], $0x10, s25, s7, $0xb8;
	[tilespmem:$0x11800] =	vst v63  }
0x16f: {  	_ =	swait.ge [sflag:s10], $0x2000  }
0x170: {  	[sflag:s10] =	ssyncset.done $0x0  }
0x171: {  	[sflag:s10] =	ssyncadd.s32 $0xFFFFE000  }
0x172: {  	[spmem:s2] =	stream.indirect.scatter.add.f32 [tilespmem:s17], [sflag:$0x1], $0x10, s23, s7, $0xb8;
	[tilespmem:$0x11800] =	vst v63  }
0x173: {  	_ =	swait.ge [sflag:s11], $0x2000  }
0x174: {  	[sflag:s11] =	ssyncset.done $0x0  }
0x175: {  	[sflag:s11] =	ssyncadd.s32 $0xFFFFE000  }
0x176: {  	[spmem:s2] =	stream.indirect.scatter.add.f32 [tilespmem:s16], [sflag:$0x2], $0x10, s22, s7, $0xb8;
	[tilespmem:$0x11800] =	vst v63  }
0x177: {  	_ =	swait.ge [sflag:s12], $0x2000  }
0x178: {  	[sflag:s12] =	ssyncset.done $0x0  }
0x179: {  	[sflag:s12] =	ssyncadd.s32 $0xFFFFE000  }
0x17a: {  	[spmem:s2] =	stream.indirect.scatter.add.f32 [tilespmem:s15], [sflag:$0x3], $0x10, s21, s7, $0xb8;
	[tilespmem:$0x11800] =	vst v63  }
0x17b: {  	_ =	swait.ge [sflag:s13], $0x2000  }
0x17c: {  	[sflag:s13] =	ssyncset.done $0x0  }
0x17d: {  	[sflag:s13] =	ssyncadd.s32 $0xFFFFE000  }
0x17e: {  	[spmem:s2] =	stream.indirect.scatter.add.f32 [tilespmem:s14], [sflag:$0x4], $0x10, s20, s7, $0xb8;
	[tilespmem:$0x11800] =	vst v63  }
0x17f: {  	_ =	swait.ge [sflag:s8], $0x2000  }
0x180: {  	[sflag:s8] =	ssyncset.done $0x0  }
0x181: {  	[sflag:s8] =	ssyncadd.s32 $0xFFFFE000  }
0x182: {  	[spmem:s2] =	stream.indirect.scatter.add.f32 [tilespmem:s9], [sflag:$0x5], $0x10, s19, s7, $0xb8;
	[tilespmem:$0x11800] =	vst v63  }
0x183: {  	_ =	swait.ge [sflag:s10], $0x2000  }
0x184: {  	[sflag:s10] =	ssyncset.done $0x0  }
0x185: {  	[sflag:s10] =	ssyncadd.s32 $0xFFFFE000  }
0x186: {  	_ =	swait.ge [sflag:s11], $0x2000  }
0x187: {  	[sflag:s11] =	ssyncset.done $0x0  }
0x188: {  	[sflag:s11] =	ssyncadd.s32 $0xFFFFE000  }
0x189: {  	_ =	swait.ge [sflag:s12], $0x2000  }
0x18a: {  	[sflag:s12] =	ssyncset.done $0x0  }
0x18b: {  	[sflag:s12] =	ssyncadd.s32 $0xFFFFE000  }
0x18c: {  	_ =	swait.ge [sflag:s13], $0x2000  }
0x18d: {  	[sflag:s13] =	ssyncset.done $0x0  }
0x18e: {  	[sflag:s13] =	ssyncadd.s32 $0xFFFFE000  }
0x18f: {  	_ =	swait.ge [sflag:s8], $0x2000  }
0x190: {  	[sflag:s8] =	ssyncset.done $0x0  }
0x191: {  	p1 =	sne.s32 s1, $0x1;
	[sflag:s8] =	ssyncadd.s32 $0xFFFFE000  }
.Ltmp2:
0x192: {  	[bflag:$0x0] =	sbarrier.arrive $0xFFFF;
	(pc) =	sbr.rel @p1 .LBB2_4-.Ltmp2, $4  }
0x193: {  	s18 =	rddreg [dreg:$0x6]  }
0x194: {  	[hbm:s18], [sflag:s4] =	dma.local [spmem:s5], $0x500  }
0x195: {  	_ =	swait.ge [sflag:s3], $0x500  }
0x196: {  	s1 =	sadd.s32 $0xFFFFFFFF, s1;
	s0 =	rddreg [dreg:$0x4];
	[sflag:s3] =	ssyncset.done $0x0  }
0x197: {  	s19 =	simm.s32 $0x4400;
	s29 =	simm.s32 $0x1E00  }
0x198: {  	s28 =	simm.s32 $0x2000;
	s26 =	simm.s32 $0x2200;
	s25 =	simm.s32 $0x2600  }
0x199: {  	s24 =	simm.s32 $0x2400;
	s23 =	simm.s32 $0x4600;
	s22 =	simm.s32 $0x4800  }
0x19a: {  	s21 =	simm.s32 $0x4A00;
	s20 =	simm.s32 $0x4C00;
	s18 =	stileid.u32  }
.LBB2_6:
0x19b: {  	[sflag:s3] =	ssyncadd.s32 @p0 $0xFFFFFB00  }
0x19c: {  	[tilespmem:s30], [sflag:$0x6] =	stream.linear.gather [hbm4b:s0+s30], $0x2800, $0x38;
	[tilespmem:$0x11800] =	vst v63  }
0x19d: {  	_ =	swait.ge [sflag:s3], $0x2800  }
0x19e: {  	[sflag:s3] =	ssyncset.done $0x0  }
0x19f: {  	s1 =	rddreg [dreg:$0x5];
	[sflag:s3] =	ssyncadd.s32 $0xFFFFD800  }
0x1a0: {  	[tilespmem:s31], [sflag:$0x6] =	stream.linear.gather [hbm4b:s1+s30], $0x2800, $0x38;
	[tilespmem:$0x11800] =	vst v63  }
0x1a1: {  	_ =	swait.ge [sflag:s3], $0x2800  }
0x1a2: {  	[sflag:s3] =	ssyncset.done $0x0  }
0x1a3: {  	s1 =	rddreg [dreg:$0x3];
	[sflag:s3] =	ssyncadd.s32 $0xFFFFD800  }
0x1a4: {  	[spmem:s5], [sflag:s4] =	dma.local [hbm:s1], $0x500  }
0x1a5: {  	_ =	swait.ge [sflag:s3], $0x500  }
0x1a6: {  	[sflag:s3] =	ssyncset.done $0x0  }
0x1a7: {  	[sflag:s3] =	ssyncadd.s32 $0xFFFFFB00  }
0x1a8: {  	[bflag:$0x0] =	sbarrier.arrive $0xFFFF  }
0x1a9: {  	[tilespmem:s17], [sflag:$0x1] =	stream.indirect.gather [hbm4b:s6+s7], $0x10, s30, s7, $0xb8;
	[tilespmem:$0x11800] =	vst v63  }
0x1aa: {  	_ = 	snop  }
0x1ab: {  	[tilespmem:s16], [sflag:$0x2] =	stream.indirect.gather [hbm4b:s6+s7], $0x10, s7, s7, $0xb8;
	[tilespmem:$0x11800] =	vst v63  }
0x1ac: {  	s30 =	rddreg [dreg:$0x7]  }
0x1ad: {  	[tilespmem:s15], [sflag:$0x3] =	stream.indirect.gather [hbm4b:s6+s7], $0x10, s30, s7, $0xb8;
	[tilespmem:$0x11800] =	vst v63  }
0x1ae: {  	s1 =	rddreg [dreg:$0x8]  }
0x1af: {  	[tilespmem:s14], [sflag:$0x4] =	stream.indirect.gather [hbm4b:s6+s7], $0x10, s1, s7, $0xb8;
	[tilespmem:$0x11800] =	vst v63  }
0x1b0: {  	s30 =	rddreg [dreg:$0x9]  }
0x1b1: {  	[tilespmem:s9], [sflag:$0x5] =	stream.indirect.gather [hbm4b:s6+s7], $0x10, s30, s7, $0xb8;
	[tilespmem:$0x11800] =	vst v63  }
0x1b2: {  	_ =	swait.ge [sflag:s10], $0x2000  }
0x1b3: {  	[sflag:s10] =	ssyncset.done $0x0  }
0x1b4: {  	[sflag:s10] =	ssyncadd.s32 $0xFFFFE000  }
0x1b5: {  	[spmem:s2] =	stream.indirect.scatter.add.f32 [tilespmem:s17], [sflag:$0x1], $0x10, s31, s7, $0xb8;
	[tilespmem:$0x11800] =	vst v63  }
0x1b6: {  	_ =	swait.ge [sflag:s11], $0x2000  }
0x1b7: {  	[sflag:s11] =	ssyncset.done $0x0  }
0x1b8: {  	s31 =	rddreg [dreg:$0xa];
	[sflag:s11] =	ssyncadd.s32 $0xFFFFE000  }
0x1b9: {  	[spmem:s2] =	stream.indirect.scatter.add.f32 [tilespmem:s16], [sflag:$0x2], $0x10, s31, s7, $0xb8;
	[tilespmem:$0x11800] =	vst v63  }
0x1ba: {  	_ =	swait.ge [sflag:s12], $0x2000  }
0x1bb: {  	[sflag:s12] =	ssyncset.done $0x0  }
0x1bc: {  	s1 =	rddreg [dreg:$0xb];
	[sflag:s12] =	ssyncadd.s32 $0xFFFFE000  }
0x1bd: {  	[spmem:s2] =	stream.indirect.scatter.add.f32 [tilespmem:s15], [sflag:$0x3], $0x10, s1, s7, $0xb8;
	[tilespmem:$0x11800] =	vst v63  }
0x1be: {  	_ =	swait.ge [sflag:s13], $0x2000  }
0x1bf: {  	[sflag:s13] =	ssyncset.done $0x0  }
0x1c0: {  	s30 =	rddreg [dreg:$0xc];
	[sflag:s13] =	ssyncadd.s32 $0xFFFFE000  }
0x1c1: {  	[spmem:s2] =	stream.indirect.scatter.add.f32 [tilespmem:s14], [sflag:$0x4], $0x10, s30, s7, $0xb8;
	[tilespmem:$0x11800] =	vst v63  }
0x1c2: {  	_ =	swait.ge [sflag:s8], $0x2000  }
0x1c3: {  	[sflag:s8] =	ssyncset.done $0x0  }
0x1c4: {  	s31 =	rddreg [dreg:$0xd];
	[sflag:s8] =	ssyncadd.s32 $0xFFFFE000  }
0x1c5: {  	[spmem:s2] =	stream.indirect.scatter.add.f32 [tilespmem:s9], [sflag:$0x5], $0x10, s31, s7, $0xb8;
	[tilespmem:$0x11800] =	vst v63  }
0x1c6: {  	_ =	swait.ge [sflag:s10], $0x2000  }
0x1c7: {  	[sflag:s10] =	ssyncset.done $0x0  }
0x1c8: {  	s1 =	rddreg [dreg:$0xe];
	[sflag:s10] =	ssyncadd.s32 $0xFFFFE000  }
0x1c9: {  	[tilespmem:s17], [sflag:$0x1] =	stream.indirect.gather [hbm4b:s6+s7], $0x10, s1, s7, $0xb8;
	[tilespmem:$0x11800] =	vst v63  }
0x1ca: {  	_ =	swait.ge [sflag:s11], $0x2000  }
0x1cb: {  	[sflag:s11] =	ssyncset.done $0x0  }
0x1cc: {  	s30 =	rddreg [dreg:$0xf];
	[sflag:s11] =	ssyncadd.s32 $0xFFFFE000  }
0x1cd: {  	[tilespmem:s16], [sflag:$0x2] =	stream.indirect.gather [hbm4b:s6+s7], $0x10, s30, s7, $0xb8;
	[tilespmem:$0x11800] =	vst v63  }
0x1ce: {  	_ =	swait.ge [sflag:s12], $0x2000  }
0x1cf: {  	[sflag:s12] =	ssyncset.done $0x0  }
0x1d0: {  	s31 =	rddreg [dreg:$0x10];
	[sflag:s12] =	ssyncadd.s32 $0xFFFFE000  }
0x1d1: {  	[tilespmem:s15], [sflag:$0x3] =	stream.indirect.gather [hbm4b:s6+s7], $0x10, s31, s7, $0xb8;
	[tilespmem:$0x11800] =	vst v63  }
0x1d2: {  	_ =	swait.ge [sflag:s13], $0x2000  }
0x1d3: {  	[sflag:s13] =	ssyncset.done $0x0  }
0x1d4: {  	s1 =	rddreg [dreg:$0x11];
	[sflag:s13] =	ssyncadd.s32 $0xFFFFE000  }
0x1d5: {  	[tilespmem:s14], [sflag:$0x4] =	stream.indirect.gather [hbm4b:s6+s7], $0x10, s1, s7, $0xb8;
	[tilespmem:$0x11800] =	vst v63  }
0x1d6: {  	_ =	swait.ge [sflag:s8], $0x2000  }
0x1d7: {  	[sflag:s8] =	ssyncset.done $0x0  }
0x1d8: {  	s30 =	rddreg [dreg:$0x12];
	[sflag:s8] =	ssyncadd.s32 $0xFFFFE000  }
0x1d9: {  	[tilespmem:s9], [sflag:$0x5] =	stream.indirect.gather [hbm4b:s6+s7], $0x10, s30, s7, $0xb8;
	[tilespmem:$0x11800] =	vst v63  }
0x1da: {  	_ =	swait.ge [sflag:s10], $0x2000  }
0x1db: {  	[sflag:s10] =	ssyncset.done $0x0  }
0x1dc: {  	s31 =	rddreg [dreg:$0x13];
	[sflag:s10] =	ssyncadd.s32 $0xFFFFE000  }
0x1dd: {  	[spmem:s2] =	stream.indirect.scatter.add.f32 [tilespmem:s17], [sflag:$0x1], $0x10, s31, s7, $0xb8;
	[tilespmem:$0x11800] =	vst v63  }
0x1de: {  	_ =	swait.ge [sflag:s11], $0x2000  }
0x1df: {  	[sflag:s11] =	ssyncset.done $0x0  }
0x1e0: {  	s1 =	rddreg [dreg:$0x14];
	[sflag:s11] =	ssyncadd.s32 $0xFFFFE000  }
0x1e1: {  	[spmem:s2] =	stream.indirect.scatter.add.f32 [tilespmem:s16], [sflag:$0x2], $0x10, s1, s7, $0xb8;
	[tilespmem:$0x11800] =	vst v63  }
0x1e2: {  	_ =	swait.ge [sflag:s12], $0x2000  }
0x1e3: {  	[sflag:s12] =	ssyncset.done $0x0  }
0x1e4: {  	s30 =	rddreg [dreg:$0x15];
	[sflag:s12] =	ssyncadd.s32 $0xFFFFE000  }
0x1e5: {  	[spmem:s2] =	stream.indirect.scatter.add.f32 [tilespmem:s15], [sflag:$0x3], $0x10, s30, s7, $0xb8;
	[tilespmem:$0x11800] =	vst v63  }
0x1e6: {  	_ =	swait.ge [sflag:s13], $0x2000  }
0x1e7: {  	[sflag:s13] =	ssyncset.done $0x0  }
0x1e8: {  	s31 =	rddreg [dreg:$0x16];
	[sflag:s13] =	ssyncadd.s32 $0xFFFFE000  }
0x1e9: {  	[spmem:s2] =	stream.indirect.scatter.add.f32 [tilespmem:s14], [sflag:$0x4], $0x10, s31, s7, $0xb8;
	[tilespmem:$0x11800] =	vst v63  }
0x1ea: {  	_ =	swait.ge [sflag:s8], $0x2000  }
0x1eb: {  	[sflag:s8] =	ssyncset.done $0x0  }
0x1ec: {  	s1 =	rddreg [dreg:$0x17];
	[sflag:s8] =	ssyncadd.s32 $0xFFFFE000  }
0x1ed: {  	[spmem:s2] =	stream.indirect.scatter.add.f32 [tilespmem:s9], [sflag:$0x5], $0x10, s1, s7, $0xb8;
	[tilespmem:$0x11800] =	vst v63  }
0x1ee: {  	_ =	swait.ge [sflag:s10], $0x2000  }
0x1ef: {  	[sflag:s10] =	ssyncset.done $0x0  }
0x1f0: {  	s30 =	rddreg [dreg:$0x18];
	[sflag:s10] =	ssyncadd.s32 $0xFFFFE000  }
0x1f1: {  	[tilespmem:s17], [sflag:$0x1] =	stream.indirect.gather [hbm4b:s6+s7], $0x10, s30, s7, $0xb8;
	[tilespmem:$0x11800] =	vst v63  }
0x1f2: {  	_ =	swait.ge [sflag:s11], $0x2000  }
0x1f3: {  	[sflag:s11] =	ssyncset.done $0x0  }
0x1f4: {  	s31 =	rddreg [dreg:$0x19];
	[sflag:s11] =	ssyncadd.s32 $0xFFFFE000  }
0x1f5: {  	[tilespmem:s16], [sflag:$0x2] =	stream.indirect.gather [hbm4b:s6+s7], $0x10, s31, s7, $0xb8;
	[tilespmem:$0x11800] =	vst v63  }
0x1f6: {  	_ =	swait.ge [sflag:s12], $0x2000  }
0x1f7: {  	[sflag:s12] =	ssyncset.done $0x0  }
0x1f8: {  	s1 =	rddreg [dreg:$0x1a];
	[sflag:s12] =	ssyncadd.s32 $0xFFFFE000  }
0x1f9: {  	[tilespmem:s15], [sflag:$0x3] =	stream.indirect.gather [hbm4b:s6+s7], $0x10, s1, s7, $0xb8;
	[tilespmem:$0x11800] =	vst v63  }
0x1fa: {  	_ =	swait.ge [sflag:s13], $0x2000  }
0x1fb: {  	[sflag:s13] =	ssyncset.done $0x0  }
0x1fc: {  	s30 =	rddreg [dreg:$0x1b];
	[sflag:s13] =	ssyncadd.s32 $0xFFFFE000  }
0x1fd: {  	[tilespmem:s14], [sflag:$0x4] =	stream.indirect.gather [hbm4b:s6+s7], $0x10, s30, s7, $0xb8;
	[tilespmem:$0x11800] =	vst v63  }
0x1fe: {  	_ =	swait.ge [sflag:s8], $0x2000  }
0x1ff: {  	[sflag:s8] =	ssyncset.done $0x0  }
0x200: {  	s31 =	rddreg [dreg:$0x1c];
	[sflag:s8] =	ssyncadd.s32 $0xFFFFE000  }
0x201: {  	[tilespmem:s9], [sflag:$0x5] =	stream.indirect.gather [hbm4b:s6+s7], $0x10, s31, s7, $0xb8;
	[tilespmem:$0x11800] =	vst v63  }
0x202: {  	_ =	swait.ge [sflag:s10], $0x2000  }
0x203: {  	[sflag:s10] =	ssyncset.done $0x0  }
0x204: {  	s1 =	rddreg [dreg:$0x1d];
	[sflag:s10] =	ssyncadd.s32 $0xFFFFE000  }
0x205: {  	[spmem:s2] =	stream.indirect.scatter.add.f32 [tilespmem:s17], [sflag:$0x1], $0x10, s1, s7, $0xb8;
	[tilespmem:$0x11800] =	vst v63  }
0x206: {  	_ =	swait.ge [sflag:s11], $0x2000  }
0x207: {  	[sflag:s11] =	ssyncset.done $0x0  }
0x208: {  	s30 =	rddreg [dreg:$0x1e];
	[sflag:s11] =	ssyncadd.s32 $0xFFFFE000  }
0x209: {  	[spmem:s2] =	stream.indirect.scatter.add.f32 [tilespmem:s16], [sflag:$0x2], $0x10, s30, s7, $0xb8;
	[tilespmem:$0x11800] =	vst v63  }
0x20a: {  	_ =	swait.ge [sflag:s12], $0x2000  }
0x20b: {  	[sflag:s12] =	ssyncset.done $0x0  }
0x20c: {  	s31 =	rddreg [dreg:$0x1f];
	[sflag:s12] =	ssyncadd.s32 $0xFFFFE000  }
0x20d: {  	[spmem:s2] =	stream.indirect.scatter.add.f32 [tilespmem:s15], [sflag:$0x3], $0x10, s31, s7, $0xb8;
	[tilespmem:$0x11800] =	vst v63  }
0x20e: {  	_ =	swait.ge [sflag:s13], $0x2000  }
0x20f: {  	s1 =	sld [smem:$0x7FD]  }
0x210: {  	[sflag:s13] =	ssyncset.done $0x0  }
0x211: {  	[sflag:s13] =	ssyncadd.s32 $0xFFFFE000  }
0x212: {  	[spmem:s2] =	stream.indirect.scatter.add.f32 [tilespmem:s14], [sflag:$0x4], $0x10, s1, s7, $0xb8;
	[tilespmem:$0x11800] =	vst v63  }
0x213: {  	_ =	swait.ge [sflag:s8], $0x2000  }
0x214: {  	[sflag:s8] =	ssyncset.done $0x0  }
0x215: {  	[sflag:s8] =	ssyncadd.s32 $0xFFFFE000  }
0x216: {  	[spmem:s2] =	stream.indirect.scatter.add.f32 [tilespmem:s9], [sflag:$0x5], $0x10, s19, s7, $0xb8;
	[tilespmem:$0x11800] =	vst v63  }
0x217: {  	_ =	swait.ge [sflag:s10], $0x2000  }
0x218: {  	[sflag:s10] =	ssyncset.done $0x0  }
0x219: {  	[sflag:s10] =	ssyncadd.s32 $0xFFFFE000  }
0x21a: {  	[tilespmem:s17], [sflag:$0x1] =	stream.indirect.gather [hbm4b:s6+s7], $0x10, s29, s7, $0xb8;
	[tilespmem:$0x11800] =	vst v63  }
0x21b: {  	_ =	swait.ge [sflag:s11], $0x2000  }
0x21c: {  	[sflag:s11] =	ssyncset.done $0x0  }
0x21d: {  	[sflag:s11] =	ssyncadd.s32 $0xFFFFE000  }
0x21e: {  	[tilespmem:s16], [sflag:$0x2] =	stream.indirect.gather [hbm4b:s6+s7], $0x10, s28, s7, $0xb8;
	[tilespmem:$0x11800] =	vst v63  }
0x21f: {  	_ =	swait.ge [sflag:s12], $0x2000  }
0x220: {  	[sflag:s12] =	ssyncset.done $0x0  }
0x221: {  	[sflag:s12] =	ssyncadd.s32 $0xFFFFE000  }
0x222: {  	[tilespmem:s15], [sflag:$0x3] =	stream.indirect.gather [hbm4b:s6+s7], $0x10, s26, s7, $0xb8;
	[tilespmem:$0x11800] =	vst v63  }
0x223: {  	_ =	swait.ge [sflag:s13], $0x2000  }
0x224: {  	[sflag:s13] =	ssyncset.done $0x0  }
0x225: {  	[sflag:s13] =	ssyncadd.s32 $0xFFFFE000  }
0x226: {  	[tilespmem:s14], [sflag:$0x4] =	stream.indirect.gather [hbm4b:s6+s7], $0x10, s24, s7, $0xb8;
	[tilespmem:$0x11800] =	vst v63  }
0x227: {  	_ =	swait.ge [sflag:s8], $0x2000  }
0x228: {  	[sflag:s8] =	ssyncset.done $0x0  }
0x229: {  	[sflag:s8] =	ssyncadd.s32 $0xFFFFE000  }
0x22a: {  	[tilespmem:s9], [sflag:$0x5] =	stream.indirect.gather [hbm4b:s6+s7], $0x10, s25, s7, $0xb8;
	[tilespmem:$0x11800] =	vst v63  }
0x22b: {  	_ =	swait.ge [sflag:s10], $0x2000  }
0x22c: {  	[sflag:s10] =	ssyncset.done $0x0  }
0x22d: {  	[sflag:s10] =	ssyncadd.s32 $0xFFFFE000  }
0x22e: {  	[spmem:s2] =	stream.indirect.scatter.add.f32 [tilespmem:s17], [sflag:$0x1], $0x10, s23, s7, $0xb8;
	[tilespmem:$0x11800] =	vst v63  }
0x22f: {  	_ =	swait.ge [sflag:s11], $0x2000  }
0x230: {  	[sflag:s11] =	ssyncset.done $0x0  }
0x231: {  	[sflag:s11] =	ssyncadd.s32 $0xFFFFE000  }
0x232: {  	[spmem:s2] =	stream.indirect.scatter.add.f32 [tilespmem:s16], [sflag:$0x2], $0x10, s22, s7, $0xb8;
	[tilespmem:$0x11800] =	vst v63  }
0x233: {  	_ =	swait.ge [sflag:s12], $0x2000  }
0x234: {  	[sflag:s12] =	ssyncset.done $0x0  }
0x235: {  	[sflag:s12] =	ssyncadd.s32 $0xFFFFE000  }
0x236: {  	[spmem:s2] =	stream.indirect.scatter.add.f32 [tilespmem:s15], [sflag:$0x3], $0x10, s21, s7, $0xb8;
	[tilespmem:$0x11800] =	vst v63  }
0x237: {  	_ =	swait.ge [sflag:s13], $0x2000  }
0x238: {  	[sflag:s13] =	ssyncset.done $0x0  }
0x239: {  	[sflag:s13] =	ssyncadd.s32 $0xFFFFE000  }
0x23a: {  	[spmem:s2] =	stream.indirect.scatter.add.f32 [tilespmem:s14], [sflag:$0x4], $0x10, s20, s7, $0xb8;
	[tilespmem:$0x11800] =	vst v63  }
0x23b: {  	_ =	swait.ge [sflag:s8], $0x2000  }
0x23c: {  	[sflag:s8] =	ssyncset.done $0x0  }
0x23d: {  	s30 =	simm.s32 $0x4E00;
	[sflag:s8] =	ssyncadd.s32 $0xFFFFE000  }
0x23e: {  	[spmem:s2] =	stream.indirect.scatter.add.f32 [tilespmem:s9], [sflag:$0x5], $0x10, s30, s7, $0xb8;
	[tilespmem:$0x11800] =	vst v63  }
0x23f: {  	_ =	swait.ge [sflag:s10], $0x2000  }
0x240: {  	[sflag:s10] =	ssyncset.done $0x0  }
0x241: {  	[sflag:s10] =	ssyncadd.s32 $0xFFFFE000  }
0x242: {  	_ =	swait.ge [sflag:s11], $0x2000  }
0x243: {  	[sflag:s11] =	ssyncset.done $0x0  }
0x244: {  	[sflag:s11] =	ssyncadd.s32 $0xFFFFE000  }
0x245: {  	_ =	swait.ge [sflag:s12], $0x2000  }
0x246: {  	[sflag:s12] =	ssyncset.done $0x0  }
0x247: {  	[sflag:s12] =	ssyncadd.s32 $0xFFFFE000  }
0x248: {  	_ =	swait.ge [sflag:s13], $0x2000  }
0x249: {  	[sflag:s13] =	ssyncset.done $0x0  }
0x24a: {  	[sflag:s13] =	ssyncadd.s32 $0xFFFFE000  }
0x24b: {  	_ =	swait.ge [sflag:s8], $0x2000  }
0x24c: {  	[sflag:s8] =	ssyncset.done $0x0  }
0x24d: {  	[sflag:s8] =	ssyncadd.s32 $0xFFFFE000  }
0x24e: {  	[bflag:$0x0] =	sbarrier.arrive $0xFFFF  }
0x24f: {  	s31 =	rddreg [dreg:$0x6]  }
0x250: {  	[hbm:s31], [sflag:s4] =	dma.local [spmem:s5], $0x500  }
0x251: {  	_ =	swait.ge [sflag:s3], $0x500  }
0x252: {  	[sflag:s3] =	ssyncset.done $0x0  }
0x253: {  	[sflag:s3] =	ssyncadd.s32 $0xFFFFFB00  }
0x254: {  	_ =	sfence.sel $0x180000  }
0x255: {  	[bflag:$0x0] =	sbarrier.arrive $0xFFFF  }
0x256: {  	_ =	strace $0x9000004D  }
0x257: {  	[bflag:$0x2] =	sbarrier.arrive $0xFFFF  }
0x258: {  	p0 =	sne.s32 s18, $0x0;
	s0 =	rddreg [dreg:$0x2]  }
0x259: {  	s0 =	sadd.s32 @!p0 $0x100000, s0  }
0x25a: {  	[sflag:s0] =	ssyncadd.tile.s32 @!p0 $0x1;
	_ =	shalt  }
.LBB2_1:
.Ltmp3:
0x25b: {  	(pc) =	sbr.rel .LBB2_6-.Ltmp3, $4  }
0x25c: {  	s19 =	simm.s32 $0x4400  }
0x25d: {  	s29 =	simm.s32 $0x1E00;
	s28 =	simm.s32 $0x2000;
	s26 =	simm.s32 $0x2200  }
0x25e: {  	s25 =	simm.s32 $0x2600;
	s24 =	simm.s32 $0x2400;
	s23 =	simm.s32 $0x4600  }
0x25f: {  	s22 =	simm.s32 $0x4800;
	s21 =	simm.s32 $0x4A00;
	s20 =	simm.s32 $0x4C00  }
.LBB2_3:
.Ltmp4:
0x260: {  	(pc) =	sbr.rel .LBB2_6-.Ltmp4, $4  }
0x261: {  	s19 =	simm.s32 $0x4400;
	s29 =	simm.s32 $0x1E00  }
0x262: {  	s28 =	simm.s32 $0x2000;
	s26 =	simm.s32 $0x2200;
	s25 =	simm.s32 $0x2600  }
0x263: {  	s24 =	simm.s32 $0x2400;
	s23 =	simm.s32 $0x4600;
	s22 =	simm.s32 $0x4800  }
0x264: {  	s21 =	simm.s32 $0x4A00;
	s20 =	simm.s32 $0x4C00;
	s18 =	stileid.u32  }
.Lfunc_end2:
_tile_overlayer_lowered:
.L_overlay_start_2:
0x265: {  	(tag) =	ssettag $0x2  }
0x266: {  	s0 =	rddreg [dreg:$0x0];
	s2 =	stileid.u32  }
0x267: {  	s1 =	rddreg [dreg:$0x1];
	p0 =	sne.s32 s2, $0x0  }
0x268: {  	s3 =	rddreg [dreg:$0x2];
	[bflag:$0x3] =	sbarrier.arrive $0xFFFF;
	s2 =	simm.s32 @!p0 $0x1C06  }
0x269: {  	[timem:s3], [sflag:s2] =	dma.local @!p0 [hbm:s0], s1  }
0x26a: {  	s0 =	simm.s32 @!p0 $0x6  }
0x26b: {  	_ =	swait.ge @!p0 [sflag:s0], s1  }
0x26c: {  	s1 =	ssub.s32 @!p0 $0x0, s1;
	[sflag:s0] =	ssyncset.done @!p0 $0x0  }
0x26d: {  	[sflag:s0] =	ssyncadd.s32 @!p0 s1  }
0x26e: {  	[bflag:$0x3] =	sbarrier.arrive $0xFFFF  }
0x26f: {  	_ =	shalt  }

// kernel: kernel.8.cloned.1.call-start
scs
__scs_entry_jumppad:
0x0: {  	(pc) =	sbr.rel $0x88, $3  }
0x1: {  	(tag) =	ssettag $0x0;
	lr =	simm.s32 $0x1  }
0x2: {  	[smem:$0x3F9B] =	sst lr;
	_ =	strace $0xD0000000  }
0x3: {  	_ = 	snop  }
0x4: {  	_ = 	snop  }
0x5: {  	_ = 	snop  }
0x6: {  	_ = 	snop  }
0x7: {  	_ = 	snop  }
__scs_overlays_trampoline_lowered:
0x8: {  	[smem:$0x3FAA] =	sst s0  }
0x9: {  	[smem:$0x3FAB] =	sst s1  }
0xa: {  	[smem:$0x3FAC] =	sst s2  }
0xb: {  	[smem:$0x3FAD] =	sst s3  }
0xc: {  	[smem:$0x3FAE] =	sst s4  }
0xd: {  	[smem:$0x3FAF] =	sst s5  }
0xe: {  	[smem:$0x3FB0] =	sst s6  }
0xf: {  	[smem:$0x3FB1] =	sst s7  }
0x10: {  	[smem:$0x3FB2] =	sst s8  }
0x11: {  	[smem:$0x3FB3] =	sst s9;
	s0 =	simm.s32 @!p0 $0x0  }
0x12: {  	s1 =	sld [smem:$0x3F99];
	s0 =	simm.s32 @p0 $0x1  }
0x13: {  	[smem:$0x3FB4] =	sst s0;
	s0 =	simm.s32 @!p1 $0x0  }
0x14: {  	s2 =	sld [smem:$0x3F98];
	s0 =	simm.s32 @p1 $0x1  }
0x15: {  	[smem:$0x3FB5] =	sst s0;
	s0 =	simm.s32 @!p2 $0x0  }
0x16: {  	s3 =	sld [smem:$0x3FDB];
	s0 =	simm.s32 @p2 $0x1  }
0x17: {  	s4 =	simm.s32 $0x1BF5;
	[smem:$0x3FB7] =	sst s0  }
0x18: {  	s0 =	sld [smem:$0x3F9A];
	_ =	swait.ge [sflag:s4], $0x0  }
0x19: {  	s7 =	sld [smem:$0x3F9B]  }
0x1a: {  	s8 =	sadd.s32 $0xFFFFE003, lr  }
0x1b: {  	s9 =	sadd.s32 $0xFFFFFEF7, lr;
	s5 =	simm.s32 $0xFFFFFFFF;
	p2 =	slt.u32 s8, $0xFFFFF086  }
0x1c: {  	p1 =	slt.u32 s9, $0xF7A;
	s5 =	simm.s32 @!p2 $0x0  }
0x1d: {  	s5 =	simm.s32 @p1 $0x1;
	p0 =	seq.s32 s7, s2  }
0x1e: {  	s7 =	smul.u32 @!p0 $0xF7A, s2;
	p2 =	seq.s32 @!p0 s5, $0x0  }
0x1f: {  	s9 =	smul.u32 $0xF7A, s1;
	s8 =	simm.s32 @!p0 $0x1BF5;
	p2 =	por !p2, p0  }
0x20: {  	[sflag:s8] =	ssyncset.s32 @!p0 $0xFFFFF086;
	s6 =	sadd.s32 @!p0 s3, s7;
	s7 =	simm.s32 @!p0 $0x108  }
0x21: {  	s3 =	sadd.s32 s3, s9;
	s6 =	sadd.s32 @!p0 $0x88, s6;
	s7 =	simm.s32 @p2 $0x1082  }
0x22: {  	[simem:s7], [sflag:s8] =	dma.local @!p0 [hbm:s6], $0xF7A  }
0x23: {  	s9 =	sor.u32 $0xD0000000, s2;
	s6 =	simm.s32 $0x108;
	_ =	swait.ge @!p0 [sflag:s8], $0x0  }
0x24: {  	s3 =	sadd.s32 $0x88, s3;
	s6 =	simm.s32 @!p1 $0x1082;
	[sflag:s4] =	ssyncset.s32 $0xFFFFF086  }
0x25: {  	[simem:s6], [sflag:s4] =	dma.local [hbm:s3], $0xF7A  }
0x26: {  	[smem:$0x3F9B] =	sst s1;
	(tag) =	ssettag s2;
	_ =	strace s9  }
0x27: {  	s1 =	sld [smem:$0x3FAB]  }
0x28: {  	s2 =	sld [smem:$0x3FAC]  }
0x29: {  	s4 =	sld [smem:$0x3FAE]  }
0x2a: {  	p0 =	seq.s32 s5, $0x0;
	s5 =	sld [smem:$0x3FAF]  }
0x2b: {  	s6 =	sld [smem:$0x3FB0]  }
0x2c: {  	s7 =	sld [smem:$0x3FB1]  }
0x2d: {  	s3 =	simm.s32 $0x108;
	s8 =	sld [smem:$0x3FB2]  }
0x2e: {  	s3 =	simm.s32 @!p0 $0x1082;
	s9 =	sld [smem:$0x3FB3]  }
0x2f: {  	lr =	sadd.s32 s0, s3;
	s0 =	sld [smem:$0x3FAA]  }
0x30: {  	s3 =	sld [smem:$0x3FAD]  }
0x31: {  	[smem:$0x3FB6] =	sst s10  }
0x32: {  	s10 =	sld [smem:$0x3FB4];
	_ =	sdelay $0x3  }
0x33: {  	p0 =	seq.s32 s10, $0x1;
	s10 =	sld [smem:$0x3FB6];
	_ =	sdelay $0x3  }
0x34: {  	[smem:$0x3FB6] =	sst s10  }
0x35: {  	s10 =	sld [smem:$0x3FB5];
	_ =	sdelay $0x3  }
0x36: {  	p1 =	seq.s32 s10, $0x1;
	s10 =	sld [smem:$0x3FB6];
	_ =	sdelay $0x3  }
0x37: {  	[smem:$0x3FB6] =	sst s10  }
0x38: {  	s10 =	sld [smem:$0x3FB7]  }
0x39: {  	_ = 	snop;
	(pc) =	sbr.ind lr, $3  }
0x3a: {  	_ = 	snop  }
0x3b: {  	_ = 	snop  }
0x3c: {  	p2 =	seq.s32 s10, $0x1;
	s10 =	sld [smem:$0x3FB6]  }
0x3d: {  	_ =	shalt  }
0x3e: {  	_ =	shalt  }
0x3f: {  	_ =	shalt  }
0x40: {  	_ =	shalt  }
0x41: {  	_ =	shalt  }
0x42: {  	_ =	shalt  }
0x43: {  	_ =	shalt  }
0x44: {  	_ =	shalt  }
0x45: {  	_ =	shalt  }
0x46: {  	_ =	shalt  }
0x47: {  	_ =	shalt  }
0x48: {  	_ =	shalt  }
0x49: {  	_ =	shalt  }
0x4a: {  	_ =	shalt  }
0x4b: {  	_ =	shalt  }
0x4c: {  	_ =	shalt  }
0x4d: {  	_ =	shalt  }
0x4e: {  	_ =	shalt  }
0x4f: {  	_ =	shalt  }
0x50: {  	_ =	shalt  }
0x51: {  	_ =	shalt  }
0x52: {  	_ =	shalt  }
0x53: {  	_ =	shalt  }
0x54: {  	_ =	shalt  }
0x55: {  	_ =	shalt  }
0x56: {  	_ =	shalt  }
0x57: {  	_ =	shalt  }
0x58: {  	_ =	shalt  }
0x59: {  	_ =	shalt  }
0x5a: {  	_ =	shalt  }
0x5b: {  	_ =	shalt  }
0x5c: {  	_ =	shalt  }
0x5d: {  	_ =	shalt  }
0x5e: {  	_ =	shalt  }
0x5f: {  	_ =	shalt  }
0x60: {  	_ =	shalt  }
0x61: {  	_ =	shalt  }
0x62: {  	_ =	shalt  }
0x63: {  	_ =	shalt  }
0x64: {  	_ =	shalt  }
0x65: {  	_ =	shalt  }
0x66: {  	_ =	shalt  }
0x67: {  	_ =	shalt  }
0x68: {  	_ =	shalt  }
0x69: {  	_ =	shalt  }
0x6a: {  	_ =	shalt  }
0x6b: {  	_ =	shalt  }
0x6c: {  	_ =	shalt  }
0x6d: {  	_ =	shalt  }
0x6e: {  	_ =	shalt  }
0x6f: {  	_ =	shalt  }
0x70: {  	_ =	shalt  }
0x71: {  	_ =	shalt  }
0x72: {  	_ =	shalt  }
0x73: {  	_ =	shalt  }
0x74: {  	_ =	shalt  }
0x75: {  	_ =	shalt  }
0x76: {  	_ =	shalt  }
0x77: {  	_ =	shalt  }
0x78: {  	_ =	shalt  }
0x79: {  	_ =	shalt  }
0x7a: {  	_ =	shalt  }
0x7b: {  	_ =	shalt  }
0x7c: {  	_ =	shalt  }
0x7d: {  	_ =	shalt  }
0x7e: {  	_ =	shalt  }
0x7f: {  	_ =	shalt  }
0x80: {  	_ =	shalt  }
0x81: {  	_ =	shalt  }
0x82: {  	_ =	shalt  }
0x83: {  	_ =	shalt  }
0x84: {  	_ =	shalt  }
0x85: {  	_ =	shalt  }
0x86: {  	_ =	shalt  }
0x87: {  	_ =	shalt  }
.Lfunc_end0:
.L_simem_size_0:
called_computation_lowered:
.L_overlay_start_0:
0x88: {  	s2 =	sld [smem:$0x3FD9]  }
0x89: {  	s3 =	sld [smem:$0x3FFE];
	_ =	sdelay $0x1  }
0x8a: {  	s1 =	srdreg.scid  }
0x8b: {  	s0 =	sand.u32 $0x1, s1  }
0x8c: {  	s16 =	sshll.u32 s0, $0xA;
	s2 =	sadd.s32 s3, s2  }
0x8d: {  	s2 =	sadd.s32 s2, s16  }
0x8e: {  	[smem:$0x3FC2] =	sst s2  }
0x8f: {  	_ = 	snop  }
0x90: {  	(tm) =	ssettm $0x1  }
0x91: {  	s17 =	sld [smem:$0x3FFB];
	_ =	sdelay $0x3  }
0x92: {  	_ =	strace s17  }
0x93: {  	s2 =	sld [smem:$0x3FFC];
	_ =	sdelay $0x3  }
0x94: {  	_ =	strace s2  }
0x95: {  	s2 =	sld [smem:$0x3FFD];
	_ =	sdelay $0x3  }
0x96: {  	_ =	strace s2  }
0x97: {  	_ =	strace $0x8FFFFFFF  }
0x98: {  	s18 =	sld [smem:$0x3FDB];
	_ =	sdelay $0x1  }
0x99: {  	s19 =	simm.s32 $_scs_section_size  }
0x9a: {  	s4 =	simm.s32 $_size__tile_overlayer_lowered;
	s5 =	simm.s32 $_tile_overlayer_lowered  }
0x9b: {  	s22 =	simm.s32 $0x1BFF;
	s21 =	sshll.u32 s5, $0x1;
	s2 =	sadd.s32 s19, s18  }
0x9c: {  	s6 =	simm.s32 $0x0;
	s20 =	sshll.u32 s4, $0x1;
	s4 =	sadd.s32 s21, s2  }
0x9d: {  	[timem:s6], [sflag:s22] =	dma.local [hbm:s4], s20  }
0x9e: {  	_ =	swait.ge [sflag:s22], s20  }
0x9f: {  	s3 =	ssub.s32 $0x0, s20;
	[sflag:s22] =	ssyncset.done $0x0  }
0xa0: {  	[sflag:s22] =	ssyncadd.s32 s3;
	_ =	sdelay $0x1  }
0xa1: {  	s23 =	simm.s32 $0x1B8B  }
0xa2: {  	_ =	swait.ge [sflag:s23], $0x1  }
0xa3: {  	[sflag:s23] =	ssyncset.done $0x0  }
0xa4: {  	s25 =	simm.s32 $0x1B8E;
	s24 =	sld [smem:$0x3FFE];
	[sflag:s23] =	ssyncadd.s32 $0xFFFFFFFF  }
0xa5: {  	s26 =	simm.s32 $execute0_lowered;
	[smem:$0x3FD2] =	sst s25  }
0xa6: {  	s4 =	sshll.u32 s26, $0x1;
	_ =	strace $0x80000046;
	[dreg:$0x1] =	wrdreg $0xFFFFFFFF  }
0xa7: {  	s28 =	simm.s32 $_size_execute0_lowered;
	s2 =	sadd.s32 s2, s4;
	[dreg:$0x0] =	wrdreg $0x0  }
0xa8: {  	s4 =	sshll.u32 s28, $0x1;
	[dreg:$0x2] =	wrdreg s2  }
0xa9: {  	[dreg:$0x3] =	wrdreg s4  }
0xaa: {  	[dreg:$0x4] =	wrdreg $0xC0  }
0xab: {  	_ =	task [dreg:s6], $0x5FFFF  }
0xac: {  	[dreg:$0x1] =	wrdreg $0xFFFFFFFF  }
0xad: {  	[dreg:$0x0] =	wrdreg $0x60  }
0xae: {  	[dreg:$0x2] =	wrdreg s24  }
0xaf: {  	[dreg:$0x3] =	wrdreg $0x48000  }
0xb0: {  	[dreg:$0x4] =	wrdreg $0x9  }
0xb1: {  	_ =	task.clear_ibuf [dreg:s6], $0x5FFFF;
	_ =	strace $0x90000046  }
0xb2: {  	s29 =	simm.s32 $0x9;
	_ =	strace $0x80000048  }
0xb3: {  	_ =	swait.ge [sflag:s29], $0x1  }
0xb4: {  	[sflag:s29] =	ssyncadd.s32 $0xFFFFFFFF  }
0xb5: {  	_ =	strace $0x90000048  }
0xb6: {  	_ =	sfence  }
0xb7: {  	s30 =	sld [smem:$0x0];
	_ =	sdelay $0x2  }
0xb8: {  	s31 =	sshll.u32 s1, $0xD;
	s1 =	sshrl.u32 s1, $0x2  }
0xb9: {  	s3 =	sand.u32 $0x4000, s31;
	s1 =	sadd.s32 s1, s30  }
0xba: {  	s0 =	sor.u32 s3, s0;
	s1 =	sshll.u32 s1, $0x11  }
0xbb: {  	s0 =	sor.u32 s1, s0  }
0xbc: {  	s0 =	sadd.s32 $0x8F2B, s0  }
0xbd: {  	[sflag:s0] =	ssyncadd.remote.s32 $0x1  }
0xbe: {  	_ =	sfence.sel $0xFFFF  }
0xbf: {  	[dreg:$0x0] =	wrdreg $0xFFFFFFFF;
	(pc) =	sbr.abs _section_cstart, $3  }
0xc0: {  	[dreg:$0x1] =	wrdreg $0xFFFFFFFF  }
0xc1: {  	_ =	task.clear_ibuf [dreg:s6], $0x2FFFF;
	_ =	strace $0x9FFFFFFF  }
0xc2: {  	(tm) =	ssettm $0x7FFFFFFF  }
0xc3: {  	_ =	shalt  }
tec
execute0_lowered:
.L_overlay_start_1:
0x0: {  	(tag) =	ssettag $0x1  }
0x1: {  	s0 =	rddreg [dreg:$0x0]  }
0x2: {  	s7 =	rddreg [dreg:$0x1];
	s8 =	simm.s32 $0x0  }
0x3: {  	s1 =	srdreg.scid;
	s6 =	stileid.u32;
	s9 =	simm.s32 $0x2800  }
0x4: {  	s10 =	simm.s32 $0x200;
	s12 =	simm.s32 $0x400;
	s13 =	simm.s32 $0x600  }
0x5: {  	s14 =	simm.s32 $0x800;
	s15 =	simm.s32 $0xA00;
	s16 =	simm.s32 $0xC00  }
0x6: {  	s17 =	simm.s32 $0xE00;
	s18 =	simm.s32 $0x1000;
	s19 =	simm.s32 $0x1200  }
0x7: {  	s20 =	simm.s32 $0x1400;
	s21 =	simm.s32 $0x1600;
	s22 =	simm.s32 $0x1800  }
0x8: {  	p0 =	por $0x0, $0x0;
	s1 =	sand.u32 $0x1, s1;
	s3 =	smul.u32 $0x2800, s6  }
0x9: {  	s28 =	simm.s32 $0x2000;
	s2 =	sshll.u32 s6, $0x1;
	s4 =	smul.u32 $0x28000, s1  }
0xa: {  	s29 =	simm.s32 $0x2200;
	s5 =	sadd.s32 $0x16400, s0;
	s2 =	sor.u32 s1, s2  }
0xb: {  	s1 =	ssub.s32 $0x2, s1;
	s2 =	smul.u32 $0x500, s2;
	s4 =	sadd.s32 s3, s4  }
0xc: {  	s11 =	sadd.s32 $0x15E00, s0;
	s23 =	sshrl.u32 s1, $0x1;
	s4 =	sshrl.u32 s4, $0x3  }
0xd: {  	s1 =	ssub.s32 s1, s23;
	s2 =	sadd.s32 s2, s0;
	s0 =	sadd.s32 s4, s0  }
0xe: {  	s25 =	sadd.s32 $0x1E00, s2;
	s2 =	sadd.s32 $0x16800, s0;
	s0 =	smax.u32 s1, $0x1  }
0xf: {  	s30 =	simm.s32 $0x2400;
	s31 =	simm.s32 $0x2600;
	p1 =	sne.s32 s0, $0x1  }
.Ltmp0:
0x10: {  	[smem:$0x7FF] =	sst s8;
	s26 =	sshll.u32 s6, $0x6;
	(pc) =	sbr.rel @!p1 .LBB2_3-.Ltmp0, $4  }
0x11: {  	s6 =	simm.s32 $0x1;
	_ =	strace $0x80000047;
	s24 =	sadd.s32 s3, s7  }
0x12: {  	[dreg:$0x3] =	wrdreg s5;
	s3 =	simm.s32 $0x2;
	s5 =	sshrl.u32 s24, $0x3  }
0x13: {  	s23 =	simm.s32 $0x1A00;
	s24 =	simm.s32 $0x1C00;
	s4 =	sor.u32 $0x1C02, s26  }
0x14: {  	s26 =	simm.s32 $0x1E00;
	s1 =	rddreg [dreg:$0x3];
	s0 =	sadd.s32 $0xFFFFFFFF, s0  }
0x15: {  	[tilespmem:s9], [sflag:$0x2] =	stream.linear.gather [hbm4b:s1+s8], $0x2000, $0x38;
	[tilespmem:$0x7000] =	vst v63  }
0x16: {  	_ =	swait.ge [sflag:s3], $0x2000  }
0x17: {  	[sflag:s3] =	ssyncset.done $0x0  }
0x18: {  	[sflag:s3] =	ssyncadd.s32 $0xFFFFE000  }
0x19: {  	[tilespmem:s8], [sflag:$0x2] =	stream.linear.gather [hbm4b:s25+s8], $0x2800, $0x38;
	[tilespmem:$0x7000] =	vst v63  }
0x1a: {  	_ =	swait.ge [sflag:s3], $0x2800  }
0x1b: {  	[sflag:s3] =	ssyncset.done $0x0  }
0x1c: {  	[sflag:s3] =	ssyncadd.s32 $0xFFFFD800  }
0x1d: {  	[spmem:s5], [sflag:s4] =	dma.local [hbm:s11], $0x500  }
0x1e: {  	_ =	swait.ge [sflag:s3], $0x500  }
0x1f: {  	[sflag:s3] =	ssyncset.done $0x0  }
0x20: {  	[sflag:s3] =	ssyncadd.s32 $0xFFFFFB00  }
0x21: {  	[bflag:$0x0] =	sbarrier.arrive $0xFFFF  }
0x22: {  	[spmem:s7] =	stream.indirect.scatter.add.f32 [tilespmem:s9], [sflag:$0x1], $0x10, s8, s10, $0xb8;
	[tilespmem:$0x7000] =	vst v63  }
0x23: {  	_ = 	snop  }
0x24: {  	[spmem:s7] =	stream.indirect.scatter.add.f32 [tilespmem:s9], [sflag:$0x1], $0x10, s10, s10, $0xb8;
	[tilespmem:$0x7000] =	vst v63  }
0x25: {  	_ = 	snop  }
0x26: {  	[spmem:s7] =	stream.indirect.scatter.add.f32 [tilespmem:s9], [sflag:$0x1], $0x10, s12, s10, $0xb8;
	[tilespmem:$0x7000] =	vst v63  }
0x27: {  	_ = 	snop  }
0x28: {  	[spmem:s7] =	stream.indirect.scatter.add.f32 [tilespmem:s9], [sflag:$0x1], $0x10, s13, s10, $0xb8;
	[tilespmem:$0x7000] =	vst v63  }
0x29: {  	_ = 	snop  }
0x2a: {  	[spmem:s7] =	stream.indirect.scatter.add.f32 [tilespmem:s9], [sflag:$0x1], $0x10, s14, s10, $0xb8;
	[tilespmem:$0x7000] =	vst v63  }
0x2b: {  	_ = 	snop  }
0x2c: {  	[spmem:s7] =	stream.indirect.scatter.add.f32 [tilespmem:s9], [sflag:$0x1], $0x10, s15, s10, $0xb8;
	[tilespmem:$0x7000] =	vst v63  }
0x2d: {  	_ = 	snop  }
0x2e: {  	[spmem:s7] =	stream.indirect.scatter.add.f32 [tilespmem:s9], [sflag:$0x1], $0x10, s16, s10, $0xb8;
	[tilespmem:$0x7000] =	vst v63  }
0x2f: {  	_ = 	snop  }
0x30: {  	[spmem:s7] =	stream.indirect.scatter.add.f32 [tilespmem:s9], [sflag:$0x1], $0x10, s17, s10, $0xb8;
	[tilespmem:$0x7000] =	vst v63  }
0x31: {  	_ = 	snop  }
0x32: {  	[spmem:s7] =	stream.indirect.scatter.add.f32 [tilespmem:s9], [sflag:$0x1], $0x10, s18, s10, $0xb8;
	[tilespmem:$0x7000] =	vst v63  }
0x33: {  	_ = 	snop  }
0x34: {  	[spmem:s7] =	stream.indirect.scatter.add.f32 [tilespmem:s9], [sflag:$0x1], $0x10, s19, s10, $0xb8;
	[tilespmem:$0x7000] =	vst v63  }
0x35: {  	_ = 	snop  }
0x36: {  	[spmem:s7] =	stream.indirect.scatter.add.f32 [tilespmem:s9], [sflag:$0x1], $0x10, s20, s10, $0xb8;
	[tilespmem:$0x7000] =	vst v63  }
0x37: {  	_ = 	snop  }
0x38: {  	[spmem:s7] =	stream.indirect.scatter.add.f32 [tilespmem:s9], [sflag:$0x1], $0x10, s21, s10, $0xb8;
	[tilespmem:$0x7000] =	vst v63  }
0x39: {  	_ = 	snop  }
0x3a: {  	[spmem:s7] =	stream.indirect.scatter.add.f32 [tilespmem:s9], [sflag:$0x1], $0x10, s22, s10, $0xb8;
	[tilespmem:$0x7000] =	vst v63  }
0x3b: {  	_ = 	snop  }
0x3c: {  	[spmem:s7] =	stream.indirect.scatter.add.f32 [tilespmem:s9], [sflag:$0x1], $0x10, s23, s10, $0xb8;
	[tilespmem:$0x7000] =	vst v63  }
0x3d: {  	_ = 	snop  }
0x3e: {  	[spmem:s7] =	stream.indirect.scatter.add.f32 [tilespmem:s9], [sflag:$0x1], $0x10, s24, s10, $0xb8;
	[tilespmem:$0x7000] =	vst v63  }
0x3f: {  	_ = 	snop  }
0x40: {  	[spmem:s7] =	stream.indirect.scatter.add.f32 [tilespmem:s9], [sflag:$0x1], $0x10, s26, s10, $0xb8;
	[tilespmem:$0x7000] =	vst v63  }
0x41: {  	_ = 	snop  }
0x42: {  	[spmem:s7] =	stream.indirect.scatter.add.f32 [tilespmem:s9], [sflag:$0x1], $0x10, s28, s10, $0xb8;
	[tilespmem:$0x7000] =	vst v63  }
0x43: {  	_ = 	snop  }
0x44: {  	[spmem:s7] =	stream.indirect.scatter.add.f32 [tilespmem:s9], [sflag:$0x1], $0x10, s29, s10, $0xb8;
	[tilespmem:$0x7000] =	vst v63  }
0x45: {  	_ = 	snop  }
0x46: {  	[spmem:s7] =	stream.indirect.scatter.add.f32 [tilespmem:s9], [sflag:$0x1], $0x10, s30, s10, $0xb8;
	[tilespmem:$0x7000] =	vst v63  }
0x47: {  	_ = 	snop  }
0x48: {  	[spmem:s7] =	stream.indirect.scatter.add.f32 [tilespmem:s9], [sflag:$0x1], $0x10, s31, s10, $0xb8;
	[tilespmem:$0x7000] =	vst v63  }
0x49: {  	_ =	swait.ge [sflag:s6], $0x2000  }
0x4a: {  	[sflag:s6] =	ssyncset.done $0x0  }
0x4b: {  	[sflag:s6] =	ssyncadd.s32 $0xFFFFE000  }
0x4c: {  	_ =	swait.ge [sflag:s6], $0x2000  }
0x4d: {  	[sflag:s6] =	ssyncset.done $0x0  }
0x4e: {  	[sflag:s6] =	ssyncadd.s32 $0xFFFFE000  }
0x4f: {  	_ =	swait.ge [sflag:s6], $0x2000  }
0x50: {  	[sflag:s6] =	ssyncset.done $0x0  }
0x51: {  	[sflag:s6] =	ssyncadd.s32 $0xFFFFE000  }
0x52: {  	_ =	swait.ge [sflag:s6], $0x2000  }
0x53: {  	[sflag:s6] =	ssyncset.done $0x0  }
0x54: {  	[sflag:s6] =	ssyncadd.s32 $0xFFFFE000  }
0x55: {  	_ =	swait.ge [sflag:s6], $0x2000  }
0x56: {  	[sflag:s6] =	ssyncset.done $0x0  }
0x57: {  	[sflag:s6] =	ssyncadd.s32 $0xFFFFE000  }
0x58: {  	_ =	swait.ge [sflag:s6], $0x2000  }
0x59: {  	[sflag:s6] =	ssyncset.done $0x0  }
0x5a: {  	[sflag:s6] =	ssyncadd.s32 $0xFFFFE000  }
0x5b: {  	_ =	swait.ge [sflag:s6], $0x2000  }
0x5c: {  	[sflag:s6] =	ssyncset.done $0x0  }
0x5d: {  	[sflag:s6] =	ssyncadd.s32 $0xFFFFE000  }
0x5e: {  	_ =	swait.ge [sflag:s6], $0x2000  }
0x5f: {  	[sflag:s6] =	ssyncset.done $0x0  }
0x60: {  	[sflag:s6] =	ssyncadd.s32 $0xFFFFE000  }
0x61: {  	_ =	swait.ge [sflag:s6], $0x2000  }
0x62: {  	[sflag:s6] =	ssyncset.done $0x0  }
0x63: {  	[sflag:s6] =	ssyncadd.s32 $0xFFFFE000  }
0x64: {  	_ =	swait.ge [sflag:s6], $0x2000  }
0x65: {  	[sflag:s6] =	ssyncset.done $0x0  }
0x66: {  	[sflag:s6] =	ssyncadd.s32 $0xFFFFE000  }
0x67: {  	_ =	swait.ge [sflag:s6], $0x2000  }
0x68: {  	[sflag:s6] =	ssyncset.done $0x0  }
0x69: {  	[sflag:s6] =	ssyncadd.s32 $0xFFFFE000  }
0x6a: {  	_ =	swait.ge [sflag:s6], $0x2000  }
0x6b: {  	[sflag:s6] =	ssyncset.done $0x0  }
0x6c: {  	[sflag:s6] =	ssyncadd.s32 $0xFFFFE000  }
0x6d: {  	_ =	swait.ge [sflag:s6], $0x2000  }
0x6e: {  	[sflag:s6] =	ssyncset.done $0x0  }
0x6f: {  	[sflag:s6] =	ssyncadd.s32 $0xFFFFE000  }
0x70: {  	_ =	swait.ge [sflag:s6], $0x2000  }
0x71: {  	[sflag:s6] =	ssyncset.done $0x0  }
0x72: {  	[sflag:s6] =	ssyncadd.s32 $0xFFFFE000  }
0x73: {  	_ =	swait.ge [sflag:s6], $0x2000  }
0x74: {  	[sflag:s6] =	ssyncset.done $0x0  }
0x75: {  	[sflag:s6] =	ssyncadd.s32 $0xFFFFE000  }
0x76: {  	_ =	swait.ge [sflag:s6], $0x2000  }
0x77: {  	[sflag:s6] =	ssyncset.done $0x0  }
0x78: {  	[sflag:s6] =	ssyncadd.s32 $0xFFFFE000  }
0x79: {  	_ =	swait.ge [sflag:s6], $0x2000  }
0x7a: {  	[sflag:s6] =	ssyncset.done $0x0  }
0x7b: {  	[sflag:s6] =	ssyncadd.s32 $0xFFFFE000  }
0x7c: {  	_ =	swait.ge [sflag:s6], $0x2000  }
0x7d: {  	[sflag:s6] =	ssyncset.done $0x0  }
0x7e: {  	[sflag:s6] =	ssyncadd.s32 $0xFFFFE000  }
0x7f: {  	_ =	swait.ge [sflag:s6], $0x2000  }
0x80: {  	[sflag:s6] =	ssyncset.done $0x0  }
0x81: {  	[sflag:s6] =	ssyncadd.s32 $0xFFFFE000  }
0x82: {  	_ =	swait.ge [sflag:s6], $0x2000  }
0x83: {  	p1 =	sne.s32 s0, $0x1;
	[sflag:s6] =	ssyncset.done $0x0  }
.Ltmp1:
0x84: {  	[sflag:s6] =	ssyncadd.s32 $0xFFFFE000;
	(pc) =	sbr.rel @!p1 .LBB2_3-.Ltmp1, $4  }
0x85: {  	[bflag:$0x0] =	sbarrier.arrive $0xFFFF  }
0x86: {  	[hbm:s2], [sflag:s4] =	dma.local [spmem:s5], $0x500  }
0x87: {  	s0 =	sadd.s32 $0xFFFFFFFF, s0;
	_ =	swait.ge [sflag:s3], $0x500  }
0x88: {  	p0 =	por $0x1, $0x1;
	s1 =	rddreg [dreg:$0x3];
	[sflag:s3] =	ssyncset.done $0x0  }
.LBB2_2:
0x89: {  	[sflag:s3] =	ssyncadd.s32 $0xFFFFFB00  }
0x8a: {  	[tilespmem:s9], [sflag:$0x2] =	stream.linear.gather [hbm4b:s1+s8], $0x2000, $0x38;
	[tilespmem:$0x7000] =	vst v63  }
0x8b: {  	_ =	swait.ge [sflag:s3], $0x2000  }
0x8c: {  	[sflag:s3] =	ssyncset.done $0x0  }
0x8d: {  	[sflag:s3] =	ssyncadd.s32 $0xFFFFE000  }
0x8e: {  	[tilespmem:s8], [sflag:$0x2] =	stream.linear.gather [hbm4b:s25+s8], $0x2800, $0x38;
	[tilespmem:$0x7000] =	vst v63  }
0x8f: {  	_ =	swait.ge [sflag:s3], $0x2800  }
0x90: {  	[sflag:s3] =	ssyncset.done $0x0  }
0x91: {  	[sflag:s3] =	ssyncadd.s32 $0xFFFFD800  }
0x92: {  	[spmem:s5], [sflag:s4] =	dma.local [hbm:s11], $0x500  }
0x93: {  	_ =	swait.ge [sflag:s3], $0x500  }
0x94: {  	[sflag:s3] =	ssyncset.done $0x0  }
0x95: {  	[sflag:s3] =	ssyncadd.s32 $0xFFFFFB00  }
0x96: {  	[bflag:$0x0] =	sbarrier.arrive $0xFFFF  }
0x97: {  	[spmem:s7] =	stream.indirect.scatter.add.f32 [tilespmem:s9], [sflag:$0x1], $0x10, s8, s10, $0xb8;
	[tilespmem:$0x7000] =	vst v63  }
0x98: {  	_ = 	snop  }
0x99: {  	[spmem:s7] =	stream.indirect.scatter.add.f32 [tilespmem:s9], [sflag:$0x1], $0x10, s10, s10, $0xb8;
	[tilespmem:$0x7000] =	vst v63  }
0x9a: {  	_ = 	snop  }
0x9b: {  	[spmem:s7] =	stream.indirect.scatter.add.f32 [tilespmem:s9], [sflag:$0x1], $0x10, s12, s10, $0xb8;
	[tilespmem:$0x7000] =	vst v63  }
0x9c: {  	_ = 	snop  }
0x9d: {  	[spmem:s7] =	stream.indirect.scatter.add.f32 [tilespmem:s9], [sflag:$0x1], $0x10, s13, s10, $0xb8;
	[tilespmem:$0x7000] =	vst v63  }
0x9e: {  	_ = 	snop  }
0x9f: {  	[spmem:s7] =	stream.indirect.scatter.add.f32 [tilespmem:s9], [sflag:$0x1], $0x10, s14, s10, $0xb8;
	[tilespmem:$0x7000] =	vst v63  }
0xa0: {  	_ = 	snop  }
0xa1: {  	[spmem:s7] =	stream.indirect.scatter.add.f32 [tilespmem:s9], [sflag:$0x1], $0x10, s15, s10, $0xb8;
	[tilespmem:$0x7000] =	vst v63  }
0xa2: {  	_ = 	snop  }
0xa3: {  	[spmem:s7] =	stream.indirect.scatter.add.f32 [tilespmem:s9], [sflag:$0x1], $0x10, s16, s10, $0xb8;
	[tilespmem:$0x7000] =	vst v63  }
0xa4: {  	_ = 	snop  }
0xa5: {  	[spmem:s7] =	stream.indirect.scatter.add.f32 [tilespmem:s9], [sflag:$0x1], $0x10, s17, s10, $0xb8;
	[tilespmem:$0x7000] =	vst v63  }
0xa6: {  	_ = 	snop  }
0xa7: {  	[spmem:s7] =	stream.indirect.scatter.add.f32 [tilespmem:s9], [sflag:$0x1], $0x10, s18, s10, $0xb8;
	[tilespmem:$0x7000] =	vst v63  }
0xa8: {  	_ = 	snop  }
0xa9: {  	[spmem:s7] =	stream.indirect.scatter.add.f32 [tilespmem:s9], [sflag:$0x1], $0x10, s19, s10, $0xb8;
	[tilespmem:$0x7000] =	vst v63  }
0xaa: {  	_ = 	snop  }
0xab: {  	[spmem:s7] =	stream.indirect.scatter.add.f32 [tilespmem:s9], [sflag:$0x1], $0x10, s20, s10, $0xb8;
	[tilespmem:$0x7000] =	vst v63  }
0xac: {  	_ = 	snop  }
0xad: {  	[spmem:s7] =	stream.indirect.scatter.add.f32 [tilespmem:s9], [sflag:$0x1], $0x10, s21, s10, $0xb8;
	[tilespmem:$0x7000] =	vst v63  }
0xae: {  	_ = 	snop  }
0xaf: {  	[spmem:s7] =	stream.indirect.scatter.add.f32 [tilespmem:s9], [sflag:$0x1], $0x10, s22, s10, $0xb8;
	[tilespmem:$0x7000] =	vst v63  }
0xb0: {  	_ = 	snop  }
0xb1: {  	[spmem:s7] =	stream.indirect.scatter.add.f32 [tilespmem:s9], [sflag:$0x1], $0x10, s23, s10, $0xb8;
	[tilespmem:$0x7000] =	vst v63  }
0xb2: {  	_ = 	snop  }
0xb3: {  	[spmem:s7] =	stream.indirect.scatter.add.f32 [tilespmem:s9], [sflag:$0x1], $0x10, s24, s10, $0xb8;
	[tilespmem:$0x7000] =	vst v63  }
0xb4: {  	_ = 	snop  }
0xb5: {  	[spmem:s7] =	stream.indirect.scatter.add.f32 [tilespmem:s9], [sflag:$0x1], $0x10, s26, s10, $0xb8;
	[tilespmem:$0x7000] =	vst v63  }
0xb6: {  	_ = 	snop  }
0xb7: {  	[spmem:s7] =	stream.indirect.scatter.add.f32 [tilespmem:s9], [sflag:$0x1], $0x10, s28, s10, $0xb8;
	[tilespmem:$0x7000] =	vst v63  }
0xb8: {  	_ = 	snop  }
0xb9: {  	[spmem:s7] =	stream.indirect.scatter.add.f32 [tilespmem:s9], [sflag:$0x1], $0x10, s29, s10, $0xb8;
	[tilespmem:$0x7000] =	vst v63  }
0xba: {  	_ = 	snop  }
0xbb: {  	[spmem:s7] =	stream.indirect.scatter.add.f32 [tilespmem:s9], [sflag:$0x1], $0x10, s30, s10, $0xb8;
	[tilespmem:$0x7000] =	vst v63  }
0xbc: {  	_ = 	snop  }
0xbd: {  	[spmem:s7] =	stream.indirect.scatter.add.f32 [tilespmem:s9], [sflag:$0x1], $0x10, s31, s10, $0xb8;
	[tilespmem:$0x7000] =	vst v63  }
0xbe: {  	_ =	swait.ge [sflag:s6], $0x2000  }
0xbf: {  	[sflag:s6] =	ssyncset.done $0x0  }
0xc0: {  	[sflag:s6] =	ssyncadd.s32 $0xFFFFE000  }
0xc1: {  	_ =	swait.ge [sflag:s6], $0x2000  }
0xc2: {  	[sflag:s6] =	ssyncset.done $0x0  }
0xc3: {  	[sflag:s6] =	ssyncadd.s32 $0xFFFFE000  }
0xc4: {  	_ =	swait.ge [sflag:s6], $0x2000  }
0xc5: {  	[sflag:s6] =	ssyncset.done $0x0  }
0xc6: {  	[sflag:s6] =	ssyncadd.s32 $0xFFFFE000  }
0xc7: {  	_ =	swait.ge [sflag:s6], $0x2000  }
0xc8: {  	[sflag:s6] =	ssyncset.done $0x0  }
0xc9: {  	[sflag:s6] =	ssyncadd.s32 $0xFFFFE000  }
0xca: {  	_ =	swait.ge [sflag:s6], $0x2000  }
0xcb: {  	[sflag:s6] =	ssyncset.done $0x0  }
0xcc: {  	[sflag:s6] =	ssyncadd.s32 $0xFFFFE000  }
0xcd: {  	_ =	swait.ge [sflag:s6], $0x2000  }
0xce: {  	[sflag:s6] =	ssyncset.done $0x0  }
0xcf: {  	[sflag:s6] =	ssyncadd.s32 $0xFFFFE000  }
0xd0: {  	_ =	swait.ge [sflag:s6], $0x2000  }
0xd1: {  	[sflag:s6] =	ssyncset.done $0x0  }
0xd2: {  	[sflag:s6] =	ssyncadd.s32 $0xFFFFE000  }
0xd3: {  	_ =	swait.ge [sflag:s6], $0x2000  }
0xd4: {  	[sflag:s6] =	ssyncset.done $0x0  }
0xd5: {  	[sflag:s6] =	ssyncadd.s32 $0xFFFFE000  }
0xd6: {  	_ =	swait.ge [sflag:s6], $0x2000  }
0xd7: {  	[sflag:s6] =	ssyncset.done $0x0  }
0xd8: {  	[sflag:s6] =	ssyncadd.s32 $0xFFFFE000  }
0xd9: {  	_ =	swait.ge [sflag:s6], $0x2000  }
0xda: {  	[sflag:s6] =	ssyncset.done $0x0  }
0xdb: {  	[sflag:s6] =	ssyncadd.s32 $0xFFFFE000  }
0xdc: {  	_ =	swait.ge [sflag:s6], $0x2000  }
0xdd: {  	[sflag:s6] =	ssyncset.done $0x0  }
0xde: {  	[sflag:s6] =	ssyncadd.s32 $0xFFFFE000  }
0xdf: {  	_ =	swait.ge [sflag:s6], $0x2000  }
0xe0: {  	[sflag:s6] =	ssyncset.done $0x0  }
0xe1: {  	[sflag:s6] =	ssyncadd.s32 $0xFFFFE000  }
0xe2: {  	_ =	swait.ge [sflag:s6], $0x2000  }
0xe3: {  	[sflag:s6] =	ssyncset.done $0x0  }
0xe4: {  	[sflag:s6] =	ssyncadd.s32 $0xFFFFE000  }
0xe5: {  	_ =	swait.ge [sflag:s6], $0x2000  }
0xe6: {  	[sflag:s6] =	ssyncset.done $0x0  }
0xe7: {  	[sflag:s6] =	ssyncadd.s32 $0xFFFFE000  }
0xe8: {  	_ =	swait.ge [sflag:s6], $0x2000  }
0xe9: {  	[sflag:s6] =	ssyncset.done $0x0  }
0xea: {  	[sflag:s6] =	ssyncadd.s32 $0xFFFFE000  }
0xeb: {  	_ =	swait.ge [sflag:s6], $0x2000  }
0xec: {  	[sflag:s6] =	ssyncset.done $0x0  }
0xed: {  	[sflag:s6] =	ssyncadd.s32 $0xFFFFE000  }
0xee: {  	_ =	swait.ge [sflag:s6], $0x2000  }
0xef: {  	[sflag:s6] =	ssyncset.done $0x0  }
0xf0: {  	[sflag:s6] =	ssyncadd.s32 $0xFFFFE000  }
0xf1: {  	_ =	swait.ge [sflag:s6], $0x2000  }
0xf2: {  	[sflag:s6] =	ssyncset.done $0x0  }
0xf3: {  	[sflag:s6] =	ssyncadd.s32 $0xFFFFE000  }
0xf4: {  	_ =	swait.ge [sflag:s6], $0x2000  }
0xf5: {  	[sflag:s6] =	ssyncset.done $0x0  }
0xf6: {  	[sflag:s6] =	ssyncadd.s32 $0xFFFFE000  }
0xf7: {  	_ =	swait.ge [sflag:s6], $0x2000  }
0xf8: {  	p1 =	sne.s32 s0, $0x1;
	[sflag:s6] =	ssyncset.done $0x0  }
.Ltmp2:
0xf9: {  	[sflag:s6] =	ssyncadd.s32 $0xFFFFE000;
	(pc) =	sbr.rel @p1 .LBB2_2-.Ltmp2, $4  }
0xfa: {  	[bflag:$0x0] =	sbarrier.arrive $0xFFFF  }
0xfb: {  	[hbm:s2], [sflag:s4] =	dma.local [spmem:s5], $0x500  }
0xfc: {  	_ =	swait.ge [sflag:s3], $0x500  }
0xfd: {  	s0 =	sadd.s32 $0xFFFFFFFF, s0;
	s1 =	rddreg [dreg:$0x3];
	[sflag:s3] =	ssyncset.done $0x0  }
.LBB2_3:
0xfe: {  	[sflag:s3] =	ssyncadd.s32 @p0 $0xFFFFFB00  }
0xff: {  	[tilespmem:s9], [sflag:$0x2] =	stream.linear.gather [hbm4b:s1+s8], $0x2000, $0x38;
	[tilespmem:$0x7000] =	vst v63  }
0x100: {  	_ =	swait.ge [sflag:s3], $0x2000  }
0x101: {  	[sflag:s3] =	ssyncset.done $0x0  }
0x102: {  	[sflag:s3] =	ssyncadd.s32 $0xFFFFE000  }
0x103: {  	[tilespmem:s8], [sflag:$0x2] =	stream.linear.gather [hbm4b:s25+s8], $0x2800, $0x38;
	[tilespmem:$0x7000] =	vst v63  }
0x104: {  	_ =	swait.ge [sflag:s3], $0x2800  }
0x105: {  	[sflag:s3] =	ssyncset.done $0x0  }
0x106: {  	[sflag:s3] =	ssyncadd.s32 $0xFFFFD800  }
0x107: {  	[spmem:s5], [sflag:s4] =	dma.local [hbm:s11], $0x500  }
0x108: {  	_ =	swait.ge [sflag:s3], $0x500  }
0x109: {  	[sflag:s3] =	ssyncset.done $0x0  }
0x10a: {  	[sflag:s3] =	ssyncadd.s32 $0xFFFFFB00  }
0x10b: {  	[bflag:$0x0] =	sbarrier.arrive $0xFFFF  }
0x10c: {  	[spmem:s7] =	stream.indirect.scatter.add.f32 [tilespmem:s9], [sflag:$0x1], $0x10, s8, s10, $0xb8;
	[tilespmem:$0x7000] =	vst v63  }
0x10d: {  	_ = 	snop  }
0x10e: {  	[spmem:s7] =	stream.indirect.scatter.add.f32 [tilespmem:s9], [sflag:$0x1], $0x10, s10, s10, $0xb8;
	[tilespmem:$0x7000] =	vst v63  }
0x10f: {  	_ = 	snop  }
0x110: {  	[spmem:s7] =	stream.indirect.scatter.add.f32 [tilespmem:s9], [sflag:$0x1], $0x10, s12, s10, $0xb8;
	[tilespmem:$0x7000] =	vst v63  }
0x111: {  	_ = 	snop  }
0x112: {  	[spmem:s7] =	stream.indirect.scatter.add.f32 [tilespmem:s9], [sflag:$0x1], $0x10, s13, s10, $0xb8;
	[tilespmem:$0x7000] =	vst v63  }
0x113: {  	_ = 	snop  }
0x114: {  	[spmem:s7] =	stream.indirect.scatter.add.f32 [tilespmem:s9], [sflag:$0x1], $0x10, s14, s10, $0xb8;
	[tilespmem:$0x7000] =	vst v63  }
0x115: {  	_ = 	snop  }
0x116: {  	[spmem:s7] =	stream.indirect.scatter.add.f32 [tilespmem:s9], [sflag:$0x1], $0x10, s15, s10, $0xb8;
	[tilespmem:$0x7000] =	vst v63  }
0x117: {  	_ = 	snop  }
0x118: {  	[spmem:s7] =	stream.indirect.scatter.add.f32 [tilespmem:s9], [sflag:$0x1], $0x10, s16, s10, $0xb8;
	[tilespmem:$0x7000] =	vst v63  }
0x119: {  	_ = 	snop  }
0x11a: {  	[spmem:s7] =	stream.indirect.scatter.add.f32 [tilespmem:s9], [sflag:$0x1], $0x10, s17, s10, $0xb8;
	[tilespmem:$0x7000] =	vst v63  }
0x11b: {  	_ = 	snop  }
0x11c: {  	[spmem:s7] =	stream.indirect.scatter.add.f32 [tilespmem:s9], [sflag:$0x1], $0x10, s18, s10, $0xb8;
	[tilespmem:$0x7000] =	vst v63  }
0x11d: {  	_ = 	snop  }
0x11e: {  	[spmem:s7] =	stream.indirect.scatter.add.f32 [tilespmem:s9], [sflag:$0x1], $0x10, s19, s10, $0xb8;
	[tilespmem:$0x7000] =	vst v63  }
0x11f: {  	_ = 	snop  }
0x120: {  	[spmem:s7] =	stream.indirect.scatter.add.f32 [tilespmem:s9], [sflag:$0x1], $0x10, s20, s10, $0xb8;
	[tilespmem:$0x7000] =	vst v63  }
0x121: {  	_ = 	snop  }
0x122: {  	[spmem:s7] =	stream.indirect.scatter.add.f32 [tilespmem:s9], [sflag:$0x1], $0x10, s21, s10, $0xb8;
	[tilespmem:$0x7000] =	vst v63  }
0x123: {  	_ = 	snop  }
0x124: {  	[spmem:s7] =	stream.indirect.scatter.add.f32 [tilespmem:s9], [sflag:$0x1], $0x10, s22, s10, $0xb8;
	[tilespmem:$0x7000] =	vst v63  }
0x125: {  	_ = 	snop  }
0x126: {  	[spmem:s7] =	stream.indirect.scatter.add.f32 [tilespmem:s9], [sflag:$0x1], $0x10, s23, s10, $0xb8;
	[tilespmem:$0x7000] =	vst v63  }
0x127: {  	_ = 	snop  }
0x128: {  	[spmem:s7] =	stream.indirect.scatter.add.f32 [tilespmem:s9], [sflag:$0x1], $0x10, s24, s10, $0xb8;
	[tilespmem:$0x7000] =	vst v63  }
0x129: {  	_ = 	snop  }
0x12a: {  	[spmem:s7] =	stream.indirect.scatter.add.f32 [tilespmem:s9], [sflag:$0x1], $0x10, s26, s10, $0xb8;
	[tilespmem:$0x7000] =	vst v63  }
0x12b: {  	_ = 	snop  }
0x12c: {  	[spmem:s7] =	stream.indirect.scatter.add.f32 [tilespmem:s9], [sflag:$0x1], $0x10, s28, s10, $0xb8;
	[tilespmem:$0x7000] =	vst v63  }
0x12d: {  	_ = 	snop  }
0x12e: {  	[spmem:s7] =	stream.indirect.scatter.add.f32 [tilespmem:s9], [sflag:$0x1], $0x10, s29, s10, $0xb8;
	[tilespmem:$0x7000] =	vst v63  }
0x12f: {  	_ = 	snop  }
0x130: {  	[spmem:s7] =	stream.indirect.scatter.add.f32 [tilespmem:s9], [sflag:$0x1], $0x10, s30, s10, $0xb8;
	[tilespmem:$0x7000] =	vst v63  }
0x131: {  	_ = 	snop  }
0x132: {  	[spmem:s7] =	stream.indirect.scatter.add.f32 [tilespmem:s9], [sflag:$0x1], $0x10, s31, s10, $0xb8;
	[tilespmem:$0x7000] =	vst v63  }
0x133: {  	_ =	swait.ge [sflag:s6], $0x2000  }
0x134: {  	[sflag:s6] =	ssyncset.done $0x0  }
0x135: {  	[sflag:s6] =	ssyncadd.s32 $0xFFFFE000  }
0x136: {  	_ =	swait.ge [sflag:s6], $0x2000  }
0x137: {  	[sflag:s6] =	ssyncset.done $0x0  }
0x138: {  	[sflag:s6] =	ssyncadd.s32 $0xFFFFE000  }
0x139: {  	_ =	swait.ge [sflag:s6], $0x2000  }
0x13a: {  	[sflag:s6] =	ssyncset.done $0x0  }
0x13b: {  	[sflag:s6] =	ssyncadd.s32 $0xFFFFE000  }
0x13c: {  	_ =	swait.ge [sflag:s6], $0x2000  }
0x13d: {  	[sflag:s6] =	ssyncset.done $0x0  }
0x13e: {  	[sflag:s6] =	ssyncadd.s32 $0xFFFFE000  }
0x13f: {  	_ =	swait.ge [sflag:s6], $0x2000  }
0x140: {  	[sflag:s6] =	ssyncset.done $0x0  }
0x141: {  	[sflag:s6] =	ssyncadd.s32 $0xFFFFE000  }
0x142: {  	_ =	swait.ge [sflag:s6], $0x2000  }
0x143: {  	[sflag:s6] =	ssyncset.done $0x0  }
0x144: {  	[sflag:s6] =	ssyncadd.s32 $0xFFFFE000  }
0x145: {  	_ =	swait.ge [sflag:s6], $0x2000  }
0x146: {  	[sflag:s6] =	ssyncset.done $0x0  }
0x147: {  	[sflag:s6] =	ssyncadd.s32 $0xFFFFE000  }
0x148: {  	_ =	swait.ge [sflag:s6], $0x2000  }
0x149: {  	[sflag:s6] =	ssyncset.done $0x0  }
0x14a: {  	[sflag:s6] =	ssyncadd.s32 $0xFFFFE000  }
0x14b: {  	_ =	swait.ge [sflag:s6], $0x2000  }
0x14c: {  	[sflag:s6] =	ssyncset.done $0x0  }
0x14d: {  	[sflag:s6] =	ssyncadd.s32 $0xFFFFE000  }
0x14e: {  	_ =	swait.ge [sflag:s6], $0x2000  }
0x14f: {  	[sflag:s6] =	ssyncset.done $0x0  }
0x150: {  	[sflag:s6] =	ssyncadd.s32 $0xFFFFE000  }
0x151: {  	_ =	swait.ge [sflag:s6], $0x2000  }
0x152: {  	[sflag:s6] =	ssyncset.done $0x0  }
0x153: {  	[sflag:s6] =	ssyncadd.s32 $0xFFFFE000  }
0x154: {  	_ =	swait.ge [sflag:s6], $0x2000  }
0x155: {  	[sflag:s6] =	ssyncset.done $0x0  }
0x156: {  	[sflag:s6] =	ssyncadd.s32 $0xFFFFE000  }
0x157: {  	_ =	swait.ge [sflag:s6], $0x2000  }
0x158: {  	[sflag:s6] =	ssyncset.done $0x0  }
0x159: {  	[sflag:s6] =	ssyncadd.s32 $0xFFFFE000  }
0x15a: {  	_ =	swait.ge [sflag:s6], $0x2000  }
0x15b: {  	[sflag:s6] =	ssyncset.done $0x0  }
0x15c: {  	[sflag:s6] =	ssyncadd.s32 $0xFFFFE000  }
0x15d: {  	_ =	swait.ge [sflag:s6], $0x2000  }
0x15e: {  	[sflag:s6] =	ssyncset.done $0x0  }
0x15f: {  	[sflag:s6] =	ssyncadd.s32 $0xFFFFE000  }
0x160: {  	_ =	swait.ge [sflag:s6], $0x2000  }
0x161: {  	[sflag:s6] =	ssyncset.done $0x0  }
0x162: {  	[sflag:s6] =	ssyncadd.s32 $0xFFFFE000  }
0x163: {  	_ =	swait.ge [sflag:s6], $0x2000  }
0x164: {  	[sflag:s6] =	ssyncset.done $0x0  }
0x165: {  	[sflag:s6] =	ssyncadd.s32 $0xFFFFE000  }
0x166: {  	_ =	swait.ge [sflag:s6], $0x2000  }
0x167: {  	[sflag:s6] =	ssyncset.done $0x0  }
0x168: {  	[sflag:s6] =	ssyncadd.s32 $0xFFFFE000  }
0x169: {  	_ =	swait.ge [sflag:s6], $0x2000  }
0x16a: {  	[sflag:s6] =	ssyncset.done $0x0  }
0x16b: {  	[sflag:s6] =	ssyncadd.s32 $0xFFFFE000  }
0x16c: {  	_ =	swait.ge [sflag:s6], $0x2000  }
0x16d: {  	[sflag:s6] =	ssyncset.done $0x0  }
0x16e: {  	[sflag:s6] =	ssyncadd.s32 $0xFFFFE000  }
0x16f: {  	[bflag:$0x0] =	sbarrier.arrive $0xFFFF  }
0x170: {  	[hbm:s2], [sflag:s4] =	dma.local [spmem:s5], $0x500  }
0x171: {  	_ =	swait.ge [sflag:s3], $0x500  }
0x172: {  	[sflag:s3] =	ssyncset.done $0x0  }
0x173: {  	[sflag:s3] =	ssyncadd.s32 $0xFFFFFB00  }
0x174: {  	_ =	sfence.sel $0x180000  }
0x175: {  	[bflag:$0x0] =	sbarrier.arrive $0xFFFF  }
0x176: {  	_ =	strace $0x90000047  }
0x177: {  	s0 =	stileid.u32;
	[bflag:$0x2] =	sbarrier.arrive $0xFFFF  }
0x178: {  	p0 =	sne.s32 s0, $0x0;
	s0 =	rddreg [dreg:$0x2]  }
0x179: {  	s0 =	sadd.s32 @!p0 $0x100000, s0  }
0x17a: {  	[sflag:s0] =	ssyncadd.tile.s32 @!p0 $0x1;
	_ =	shalt  }
.Lfunc_end2:
_tile_overlayer_lowered:
.L_overlay_start_2:
0x17b: {  	(tag) =	ssettag $0x2  }
0x17c: {  	s0 =	rddreg [dreg:$0x0];
	s2 =	stileid.u32  }
0x17d: {  	s1 =	rddreg [dreg:$0x1];
	p0 =	sne.s32 s2, $0x0  }
0x17e: {  	s3 =	rddreg [dreg:$0x2];
	[bflag:$0x3] =	sbarrier.arrive $0xFFFF;
	s2 =	simm.s32 @!p0 $0x1C02  }
0x17f: {  	[timem:s3], [sflag:s2] =	dma.local @!p0 [hbm:s0], s1  }
0x180: {  	s0 =	simm.s32 @!p0 $0x2  }
0x181: {  	_ =	swait.ge @!p0 [sflag:s0], s1  }
0x182: {  	s1 =	ssub.s32 @!p0 $0x0, s1;
	[sflag:s0] =	ssyncset.done @!p0 $0x0  }
0x183: {  	[sflag:s0] =	ssyncadd.s32 @!p0 s1  }
0x184: {  	[bflag:$0x3] =	sbarrier.arrive $0xFFFF  }
0x185: {  	_ =	shalt  }

</sc_bundles>
